<compile_context>
chip_gen: v7x
topology: tpu7x:2x2x1
jax: 0.10.2.dev20260603
libtpu: 0.0.44.dev20260713+nightly
codegen_flags: <defaults>
</compile_context>

<pallas_src>
import functools

import jax
import jax.numpy as jnp
from jax import lax
from jax.experimental import pallas as pl
from jax.experimental.pallas import tpu as pltpu
from jax.experimental.pallas import tpu_sc as plsc

_NUM_CORES = 2
_NUM_SUBCORES = 16
_NUM_WORKERS = _NUM_CORES * _NUM_SUBCORES
_LANES = 16
_NBUF = 3


def _softplus_table_body(emb_ref, w_ref, b_ref, out_ref):
    x = jnp.dot(emb_ref[...], w_ref[...], preferred_element_type=jnp.float32)
    x = x + b_ref[...]
    m = jnp.maximum(x, 0.0)
    out_ref[...] = m + jnp.log(jnp.exp(x - m) + jnp.exp(-m))


def _speaker_table(speaker_emb, fc_W, fc_b, n_pad):
    h = fc_W.shape[1]
    emb_pad = jnp.zeros((n_pad, speaker_emb.shape[1]), speaker_emb.dtype)
    emb_pad = lax.dynamic_update_slice(emb_pad, speaker_emb, (0, 0))
    return pl.pallas_call(
        _softplus_table_body,
        out_shape=jax.ShapeDtypeStruct((n_pad, h), jnp.float32),
    )(emb_pad, fc_W, fc_b.reshape(1, h))


def _make_sc_kernel(batch, seq, hidden, n_pad):
    bpw = batch // _NUM_WORKERS
    seq_a = min(128, seq)
    seq_b = seq - seq_a
    mesh = plsc.VectorSubcoreMesh(
        core_axis_name="c",
        subcore_axis_name="s",
        num_cores=_NUM_CORES,
        num_subcores=_NUM_SUBCORES,
    )

    @functools.partial(
        pl.kernel,
        out_type=jax.ShapeDtypeStruct((batch * seq, hidden), jnp.float32),
        mesh=mesh,
        scratch_types=[
            pltpu.VMEM((seq, hidden), jnp.float32),
            pltpu.VMEM((bpw, hidden), jnp.float32),
            pltpu.VMEM((bpw,), jnp.int32),
            pltpu.VMEM((bpw * seq,), jnp.int32),
            pltpu.VMEM((seq, hidden), jnp.float32),
            pltpu.VMEM((seq, hidden), jnp.float32),
            pltpu.VMEM((seq, hidden), jnp.float32),
            pltpu.SemaphoreType.DMA,
            pltpu.SemaphoreType.DMA,
            pltpu.SemaphoreType.DMA,
            pltpu.SemaphoreType.DMA,
            pltpu.SemaphoreType.DMA,
            pltpu.SemaphoreType.DMA,
        ],
    )
    def sc_kernel(ids_hbm, spk_hbm, char_hbm, pos_hbm, sptab_hbm, out_hbm,
                  pos_v, feat_v, spk_v, idx_v, b0_v, b1_v, b2_v,
                  g0, g1, g2, w0, w1, w2):
        bufs = (b0_v, b1_v, b2_v)
        gsems = (g0, g1, g2)
        wsems = (w0, w1, w2)
        wid = lax.axis_index("s") * _NUM_CORES + lax.axis_index("c")
        row0 = pl.multiple_of(wid * bpw, 8)

        pltpu.sync_copy(pos_hbm, pos_v)
        pltpu.sync_copy(spk_hbm.at[pl.ds(row0, bpw)], spk_v)
        pltpu.sync_copy(ids_hbm.at[pl.ds(row0 * seq, bpw * seq)], idx_v)
        pltpu.async_copy(sptab_hbm.at[spk_v], feat_v, g0).wait()

        def start_gather(r):
            buf = bufs[r % _NBUF]
            sem = gsems[r % _NBUF]
            off = pl.multiple_of(r * seq, 8)
            ca = pltpu.async_copy(char_hbm.at[idx_v.at[pl.ds(off, seq_a)]],
                                  buf.at[pl.ds(0, seq_a)], sem)
            cb = pltpu.async_copy(
                char_hbm.at[idx_v.at[pl.ds(off + seq_a, seq_b)]],
                buf.at[pl.ds(seq_a, seq_b)], sem)
            return ca, cb

        def compute_row(r):
            buf = bufs[r % _NBUF]
            feats = [feat_v[r, pl.ds(j * _LANES, _LANES)]
                     for j in range(hidden // _LANES)]

            def row_body(l, c):
                for j in range(hidden // _LANES):
                    sl = pl.ds(j * _LANES, _LANES)
                    plsc.addupdate(buf.at[l, sl], pos_v[l, sl] + feats[j])
                return c

            lax.fori_loop(0, seq, row_body, 0)

        def start_writeback(r):
            buf = bufs[r % _NBUF]
            sem = wsems[r % _NBUF]
            base = pl.multiple_of((row0 + r) * seq, 8)
            return pltpu.async_copy(buf, out_hbm.at[pl.ds(base, seq)], sem)

        gathers = {0: start_gather(0)}
        writebacks = {}
        for r in range(bpw):
            if r + 1 < bpw:
                if r - 2 >= 0:
                    writebacks.pop(r - 2).wait()
                gathers[r + 1] = start_gather(r + 1)
            ca, cb = gathers.pop(r)
            ca.wait()
            cb.wait()
            if False:
                compute_row(r)
            writebacks[r] = start_writeback(r)
        for r in sorted(writebacks):
            writebacks.pop(r).wait()

    return sc_kernel


def kernel(input_ids, speaker_ids, char_emb, pos_table, speaker_emb, fc_W,
           fc_b):
    batch, seq = input_ids.shape
    hidden = char_emb.shape[1]
    n_pad = 16

    sp_table = _speaker_table(speaker_emb, fc_W, fc_b, n_pad)
    ids_flat = input_ids.reshape(batch * seq)
    pos_slice = lax.slice(pos_table, (1, 0), (1 + seq, hidden))

    sc = _make_sc_kernel(batch, seq, hidden, n_pad)
    out_flat = sc(ids_flat, speaker_ids, char_emb, pos_slice, sp_table)
    return out_flat.reshape(batch, seq, hidden)

# --- scband reference (transcript-rebuilt; emitter-appended) ---
"""Pipeline reference for scband-tffast-speech-embeddings-11871289606215 (READ-ONLY COPY).

The authoritative reference and input builder live on the scoring server;
editing this copy changes nothing except your own understanding.
"""

import jax, jax.numpy as jnp
import numpy as np

VOCAB = 100000
HIDDEN = 128
MAX_POS = 2048
N_SPEAKERS = 10
BATCH = 1024
SEQ = 200


def _sincos_embedding(max_pos, hidden):
    position_enc = np.array([[pos / np.power(10000, 2.0 * (i // 2) / hidden) for i in range(hidden)] for pos in range(max_pos + 1)])
    position_enc[:, 0::2] = np.sin(position_enc[:, 0::2])
    position_enc[:, 1::2] = np.cos(position_enc[:, 1::2])
    position_enc[0] = 0.0
    return jnp.asarray(position_enc, dtype=jnp.float32)


def setup_inputs(seed: int = 0) -> dict:
    key = jax.random.key(seed)
    k1, k2, k3, k4, k5, k6 = jax.random.split(key, 6)
    input_ids = jax.random.randint(k1, (BATCH, SEQ), 0, VOCAB, dtype=jnp.int32)
    speaker_ids = jax.random.randint(k2, (BATCH,), 0, N_SPEAKERS, dtype=jnp.int32)
    char_emb = jax.random.normal(k3, (VOCAB, HIDDEN), dtype=jnp.float32) * 0.02
    pos_table = _sincos_embedding(MAX_POS, HIDDEN)
    speaker_emb = jax.random.normal(k4, (N_SPEAKERS, HIDDEN), dtype=jnp.float32) * 0.02
    fc_W = jax.random.normal(k5, (HIDDEN, HIDDEN), dtype=jnp.float32) * 0.02
    fc_b = jnp.zeros((HIDDEN,), dtype=jnp.float32)
    return {"input_ids": input_ids, "speaker_ids": speaker_ids, "char_emb": char_emb, "pos_table": pos_table, "speaker_emb": speaker_emb, "fc_W": fc_W, "fc_b": fc_b}


def reference(input_ids, speaker_ids, char_emb, pos_table, speaker_emb, fc_W, fc_b):
    seq_length = input_ids.shape[1]
    # position ids 1..seq_length (row 0 of table is reserved/zero)
    position_ids = jnp.arange(1, seq_length + 1, dtype=jnp.int32)[None, :]
    inputs_embeds = jnp.take(char_emb, input_ids, axis=0)  # [B, L, H] gather
    position_embeddings = jnp.take(pos_table, position_ids, axis=0)  # [1, L, H]
    embeddings = inputs_embeds + position_embeddings.astype(inputs_embeds.dtype)
    # speaker path (n_speakers > 1)
    speaker_embeddings = jnp.take(speaker_emb, speaker_ids, axis=0)  # [B, H]
    speaker_features = jax.nn.softplus(speaker_embeddings @ fc_W + fc_b)  # [B, H]
    embeddings = embeddings + speaker_features[:, None, :]
    return embeddings

if __name__ == "__main__":
    import jax
    _d = setup_inputs()
    print(jax.jit(kernel)(*tuple(_d.values())))

</pallas_src>

<mosaic_0001>
#map = affine_map<(d0, d1) -> (0)>
#map1 = affine_map<(d0, d1) -> (0, 0)>
module attributes {stable_mosaic.version = 14 : i64} {
  func.func @sc_kernel(%arg0: i32, %arg1: i32, %arg2: memref<204800xi32, #tpu.memory_space<hbm>>, %arg3: memref<1024xi32, #tpu.memory_space<hbm>>, %arg4: memref<100000x128xf32, #tpu.memory_space<hbm>>, %arg5: memref<200x128xf32, #tpu.memory_space<hbm>>, %arg6: memref<16x128xf32, #tpu.memory_space<hbm>>, %arg7: memref<204800x128xf32, #tpu.memory_space<hbm>>, %arg8: memref<200x128xf32, #tpu.memory_space<vmem>>, %arg9: memref<32x128xf32, #tpu.memory_space<vmem>>, %arg10: memref<32xi32, #tpu.memory_space<vmem>>, %arg11: memref<6400xi32, #tpu.memory_space<vmem>>, %arg12: memref<200x128xf32, #tpu.memory_space<vmem>>, %arg13: memref<200x128xf32, #tpu.memory_space<vmem>>, %arg14: memref<200x128xf32, #tpu.memory_space<vmem>>, %arg15: memref<!tpu.dma_semaphore, #tpu.memory_space<semaphore_mem>>, %arg16: memref<!tpu.dma_semaphore, #tpu.memory_space<semaphore_mem>>, %arg17: memref<!tpu.dma_semaphore, #tpu.memory_space<semaphore_mem>>, %arg18: memref<!tpu.dma_semaphore, #tpu.memory_space<semaphore_mem>>, %arg19: memref<!tpu.dma_semaphore, #tpu.memory_space<semaphore_mem>>, %arg20: memref<!tpu.dma_semaphore, #tpu.memory_space<semaphore_mem>>) attributes {dimension_semantics = [#tpu.dimension_semantics<core_parallel>, #tpu.dimension_semantics<subcore_parallel>], iteration_bounds = array<i64: 2, 16>, scalar_prefetch = 0 : i64, scratch_operands = 13 : i64, tpu.core_type = #tpu.core_type<sc_vector_subcore>, window_params = [{transform_indices = #map}, {transform_indices = #map}, {transform_indices = #map1}, {transform_indices = #map1}, {transform_indices = #map1}, {transform_indices = #map1}]} {
    %mul3A = arith.constant 2 : i32
    %mul3A_0 = arith.muli %arg1, %mul3A : i32
    %add3A = arith.addi %mul3A_0, %arg0 : i32
    %mul3A_1 = arith.constant 32 : i32
    %mul3A_2 = arith.muli %add3A, %mul3A_1 : i32
    %multiple_of3A = tpu.assume_multiple %mul3A_2, 8 : i32
    "tpu.region"() ({
      %run_scoped3A = tpu.sem_alloc : memref<!tpu.dma_semaphore, #tpu.memory_space<semaphore_mem>>
      tpu.enqueue_dma source(%arg5 : memref<200x128xf32, #tpu.memory_space<hbm>>) target(%arg8 : memref<200x128xf32, #tpu.memory_space<vmem>>) target_semaphore(%run_scoped3A : memref<!tpu.dma_semaphore, #tpu.memory_space<semaphore_mem>>)
      tpu.wait_dma2 semaphore(%run_scoped3A : memref<!tpu.dma_semaphore, #tpu.memory_space<semaphore_mem>>) src(%arg5 : memref<200x128xf32, #tpu.memory_space<hbm>>) dst(%arg8 : memref<200x128xf32, #tpu.memory_space<vmem>>)
      tpu.yield
    }) : () -> ()
    "tpu.region"() ({
      %run_scoped3A = tpu.sem_alloc : memref<!tpu.dma_semaphore, #tpu.memory_space<semaphore_mem>>
      %dma_start3A_1449 = tpu.memref_slice %arg3[%multiple_of3A] : memref<1024xi32, #tpu.memory_space<hbm>> -> memref<32xi32, #tpu.memory_space<hbm>>
      %dma_start3A_1450 = tpu.memref_slice %arg3[%multiple_of3A] : memref<1024xi32, #tpu.memory_space<hbm>> -> memref<32xi32, #tpu.memory_space<hbm>>
      tpu.enqueue_dma source(%dma_start3A_1450 : memref<32xi32, #tpu.memory_space<hbm>>) target(%arg10 : memref<32xi32, #tpu.memory_space<vmem>>) target_semaphore(%run_scoped3A : memref<!tpu.dma_semaphore, #tpu.memory_space<semaphore_mem>>)
      %dma_wait3A_1451 = tpu.memref_slice %arg3[%multiple_of3A] : memref<1024xi32, #tpu.memory_space<hbm>> -> memref<32xi32, #tpu.memory_space<hbm>>
      %dma_wait3A_1452 = tpu.memref_slice %arg3[%multiple_of3A] : memref<1024xi32, #tpu.memory_space<hbm>> -> memref<32xi32, #tpu.memory_space<hbm>>
      tpu.wait_dma2 semaphore(%run_scoped3A : memref<!tpu.dma_semaphore, #tpu.memory_space<semaphore_mem>>) src(%dma_wait3A_1452 : memref<32xi32, #tpu.memory_space<hbm>>) dst(%arg10 : memref<32xi32, #tpu.memory_space<vmem>>)
      tpu.yield
    }) : () -> ()
    %mul3A_3 = arith.constant 200 : i32
    %mul3A_4 = arith.muli %multiple_of3A, %mul3A_3 : i32
    "tpu.region"() ({
      %run_scoped3A = tpu.sem_alloc : memref<!tpu.dma_semaphore, #tpu.memory_space<semaphore_mem>>
      %dma_start3A_1449 = tpu.memref_slice %arg2[%mul3A_4] : memref<204800xi32, #tpu.memory_space<hbm>> -> memref<6400xi32, #tpu.memory_space<hbm>>
      %dma_start3A_1450 = tpu.memref_slice %arg2[%mul3A_4] : memref<204800xi32, #tpu.memory_space<hbm>> -> memref<6400xi32, #tpu.memory_space<hbm>>
      tpu.enqueue_dma source(%dma_start3A_1450 : memref<6400xi32, #tpu.memory_space<hbm>>) target(%arg11 : memref<6400xi32, #tpu.memory_space<vmem>>) target_semaphore(%run_scoped3A : memref<!tpu.dma_semaphore, #tpu.memory_space<semaphore_mem>>)
      %dma_wait3A_1451 = tpu.memref_slice %arg2[%mul3A_4] : memref<204800xi32, #tpu.memory_space<hbm>> -> memref<6400xi32, #tpu.memory_space<hbm>>
      %dma_wait3A_1452 = tpu.memref_slice %arg2[%mul3A_4] : memref<204800xi32, #tpu.memory_space<hbm>> -> memref<6400xi32, #tpu.memory_space<hbm>>
      tpu.wait_dma2 semaphore(%run_scoped3A : memref<!tpu.dma_semaphore, #tpu.memory_space<semaphore_mem>>) src(%dma_wait3A_1452 : memref<6400xi32, #tpu.memory_space<hbm>>) dst(%arg11 : memref<6400xi32, #tpu.memory_space<vmem>>)
      tpu.yield
    }) : () -> ()
    %dma_start3A = arith.constant 0 : i32
    %dma_start3A_5 = arith.constant 0 : i32
    %dma_start3A_6 = tpu.memref_slice %arg6[%dma_start3A, %dma_start3A_5] : memref<16x128xf32, #tpu.memory_space<hbm>> -> memref<16x128xf32, #tpu.memory_space<hbm>>
    tpu.enqueue_indirect_dma source(%dma_start3A_6 : memref<16x128xf32, #tpu.memory_space<hbm>>) target(%arg9 : memref<32x128xf32, #tpu.memory_space<vmem>>) offsets(%arg10 : memref<32xi32, #tpu.memory_space<vmem>>) semaphore(%arg15 : memref<!tpu.dma_semaphore, #tpu.memory_space<semaphore_mem>>)
    %dma_wait3A = arith.constant 0 : i32
    %dma_wait3A_7 = arith.constant 0 : i32
    %dma_wait3A_8 = tpu.memref_slice %arg6[%dma_wait3A, %dma_wait3A_7] : memref<16x128xf32, #tpu.memory_space<hbm>> -> memref<16x128xf32, #tpu.memory_space<hbm>>
    tpu.wait_indirect_dma semaphore(%arg15 : memref<!tpu.dma_semaphore, #tpu.memory_space<semaphore_mem>>) src(%dma_wait3A_8 : memref<16x128xf32, #tpu.memory_space<hbm>>) dst(%arg9 : memref<32x128xf32, #tpu.memory_space<vmem>>)
    %multiple_of3A_9 = arith.constant 0 : i32
    %multiple_of3A_10 = tpu.assume_multiple %multiple_of3A_9, 8 : i32
    %dma_start3A_11 = arith.constant 0 : i32
    %dma_start3A_12 = arith.constant 0 : i32
    %dma_start3A_13 = tpu.memref_slice %arg12[%dma_start3A_11, %dma_start3A_12] : memref<200x128xf32, #tpu.memory_space<vmem>> -> memref<128x128xf32, #tpu.memory_space<vmem>>
    %dma_start3A_14 = tpu.memref_slice %arg11[%multiple_of3A_10] : memref<6400xi32, #tpu.memory_space<vmem>> -> memref<128xi32, #tpu.memory_space<vmem>>
    %dma_start3A_15 = arith.constant 0 : i32
    %dma_start3A_16 = arith.constant 0 : i32
    %dma_start3A_17 = tpu.memref_slice %arg4[%dma_start3A_15, %dma_start3A_16] : memref<100000x128xf32, #tpu.memory_space<hbm>> -> memref<100000x128xf32, #tpu.memory_space<hbm>>
    tpu.enqueue_indirect_dma source(%dma_start3A_17 : memref<100000x128xf32, #tpu.memory_space<hbm>>) target(%dma_start3A_13 : memref<128x128xf32, #tpu.memory_space<vmem>>) offsets(%dma_start3A_14 : memref<128xi32, #tpu.memory_space<vmem>>) semaphore(%arg15 : memref<!tpu.dma_semaphore, #tpu.memory_space<semaphore_mem>>)
    %add3A_18 = arith.constant 128 : i32
    %add3A_19 = arith.addi %multiple_of3A_10, %add3A_18 : i32
    %dma_start3A_20 = arith.constant 128 : i32
    %dma_start3A_21 = arith.constant 0 : i32
    %dma_start3A_22 = tpu.memref_slice %arg12[%dma_start3A_20, %dma_start3A_21] : memref<200x128xf32, #tpu.memory_space<vmem>> -> memref<72x128xf32, #tpu.memory_space<vmem>>
    %dma_start3A_23 = tpu.memref_slice %arg11[%add3A_19] : memref<6400xi32, #tpu.memory_space<vmem>> -> memref<72xi32, #tpu.memory_space<vmem>>
    %dma_start3A_24 = arith.constant 0 : i32
    %dma_start3A_25 = arith.constant 0 : i32
    %dma_start3A_26 = tpu.memref_slice %arg4[%dma_start3A_24, %dma_start3A_25] : memref<100000x128xf32, #tpu.memory_space<hbm>> -> memref<100000x128xf32, #tpu.memory_space<hbm>>
    tpu.enqueue_indirect_dma source(%dma_start3A_26 : memref<100000x128xf32, #tpu.memory_space<hbm>>) target(%dma_start3A_22 : memref<72x128xf32, #tpu.memory_space<vmem>>) offsets(%dma_start3A_23 : memref<72xi32, #tpu.memory_space<vmem>>) semaphore(%arg15 : memref<!tpu.dma_semaphore, #tpu.memory_space<semaphore_mem>>)
    %multiple_of3A_27 = arith.constant 200 : i32
    %multiple_of3A_28 = tpu.assume_multiple %multiple_of3A_27, 8 : i32
    %dma_start3A_29 = arith.constant 0 : i32
    %dma_start3A_30 = arith.constant 0 : i32
    %dma_start3A_31 = tpu.memref_slice %arg13[%dma_start3A_29, %dma_start3A_30] : memref<200x128xf32, #tpu.memory_space<vmem>> -> memref<128x128xf32, #tpu.memory_space<vmem>>
    %dma_start3A_32 = tpu.memref_slice %arg11[%multiple_of3A_28] : memref<6400xi32, #tpu.memory_space<vmem>> -> memref<128xi32, #tpu.memory_space<vmem>>
    %dma_start3A_33 = arith.constant 0 : i32
    %dma_start3A_34 = arith.constant 0 : i32
    %dma_start3A_35 = tpu.memref_slice %arg4[%dma_start3A_33, %dma_start3A_34] : memref<100000x128xf32, #tpu.memory_space<hbm>> -> memref<100000x128xf32, #tpu.memory_space<hbm>>
    tpu.enqueue_indirect_dma source(%dma_start3A_35 : memref<100000x128xf32, #tpu.memory_space<hbm>>) target(%dma_start3A_31 : memref<128x128xf32, #tpu.memory_space<vmem>>) offsets(%dma_start3A_32 : memref<128xi32, #tpu.memory_space<vmem>>) semaphore(%arg16 : memref<!tpu.dma_semaphore, #tpu.memory_space<semaphore_mem>>)
    %add3A_36 = arith.constant 128 : i32
    %add3A_37 = arith.addi %multiple_of3A_28, %add3A_36 : i32
    %dma_start3A_38 = arith.constant 128 : i32
    %dma_start3A_39 = arith.constant 0 : i32
    %dma_start3A_40 = tpu.memref_slice %arg13[%dma_start3A_38, %dma_start3A_39] : memref<200x128xf32, #tpu.memory_space<vmem>> -> memref<72x128xf32, #tpu.memory_space<vmem>>
    %dma_start3A_41 = tpu.memref_slice %arg11[%add3A_37] : memref<6400xi32, #tpu.memory_space<vmem>> -> memref<72xi32, #tpu.memory_space<vmem>>
    %dma_start3A_42 = arith.constant 0 : i32
    %dma_start3A_43 = arith.constant 0 : i32
    %dma_start3A_44 = tpu.memref_slice %arg4[%dma_start3A_42, %dma_start3A_43] : memref<100000x128xf32, #tpu.memory_space<hbm>> -> memref<100000x128xf32, #tpu.memory_space<hbm>>
    tpu.enqueue_indirect_dma source(%dma_start3A_44 : memref<100000x128xf32, #tpu.memory_space<hbm>>) target(%dma_start3A_40 : memref<72x128xf32, #tpu.memory_space<vmem>>) offsets(%dma_start3A_41 : memref<72xi32, #tpu.memory_space<vmem>>) semaphore(%arg16 : memref<!tpu.dma_semaphore, #tpu.memory_space<semaphore_mem>>)
    %dma_wait3A_45 = arith.constant 0 : i32
    %dma_wait3A_46 = arith.constant 0 : i32
    %dma_wait3A_47 = tpu.memref_slice %arg12[%dma_wait3A_45, %dma_wait3A_46] : memref<200x128xf32, #tpu.memory_space<vmem>> -> memref<128x128xf32, #tpu.memory_space<vmem>>
    %dma_wait3A_48 = tpu.memref_slice %arg11[%multiple_of3A_10] : memref<6400xi32, #tpu.memory_space<vmem>> -> memref<128xi32, #tpu.memory_space<vmem>>
    %dma_wait3A_49 = arith.constant 0 : i32
    %dma_wait3A_50 = arith.constant 0 : i32
    %dma_wait3A_51 = tpu.memref_slice %arg4[%dma_wait3A_49, %dma_wait3A_50] : memref<100000x128xf32, #tpu.memory_space<hbm>> -> memref<100000x128xf32, #tpu.memory_space<hbm>>
    tpu.wait_indirect_dma semaphore(%arg15 : memref<!tpu.dma_semaphore, #tpu.memory_space<semaphore_mem>>) src(%dma_wait3A_51 : memref<100000x128xf32, #tpu.memory_space<hbm>>) dst(%dma_wait3A_47 : memref<128x128xf32, #tpu.memory_space<vmem>>)
    %dma_wait3A_52 = arith.constant 128 : i32
    %dma_wait3A_53 = arith.constant 0 : i32
    %dma_wait3A_54 = tpu.memref_slice %arg12[%dma_wait3A_52, %dma_wait3A_53] : memref<200x128xf32, #tpu.memory_space<vmem>> -> memref<72x128xf32, #tpu.memory_space<vmem>>
    %dma_wait3A_55 = tpu.memref_slice %arg11[%add3A_19] : memref<6400xi32, #tpu.memory_space<vmem>> -> memref<72xi32, #tpu.memory_space<vmem>>
    %dma_wait3A_56 = arith.constant 0 : i32
    %dma_wait3A_57 = arith.constant 0 : i32
    %dma_wait3A_58 = tpu.memref_slice %arg4[%dma_wait3A_56, %dma_wait3A_57] : memref<100000x128xf32, #tpu.memory_space<hbm>> -> memref<100000x128xf32, #tpu.memory_space<hbm>>
    tpu.wait_indirect_dma semaphore(%arg15 : memref<!tpu.dma_semaphore, #tpu.memory_space<semaphore_mem>>) src(%dma_wait3A_58 : memref<100000x128xf32, #tpu.memory_space<hbm>>) dst(%dma_wait3A_54 : memref<72x128xf32, #tpu.memory_space<vmem>>)
    %add3A_59 = arith.constant 0 : i32
    %add3A_60 = arith.addi %multiple_of3A, %add3A_59 : i32
    %mul3A_61 = arith.constant 200 : i32
    %mul3A_62 = arith.muli %add3A_60, %mul3A_61 : i32
    %multiple_of3A_63 = tpu.assume_multiple %mul3A_62, 8 : i32
    %dma_start3A_64 = arith.constant 0 : i32
    %dma_start3A_65 = tpu.memref_slice %arg7[%multiple_of3A_63, %dma_start3A_64] : memref<204800x128xf32, #tpu.memory_space<hbm>> -> memref<200x128xf32, #tpu.memory_space<hbm>>
    %dma_start3A_66 = arith.constant 0 : i32
    %dma_start3A_67 = tpu.memref_slice %arg7[%multiple_of3A_63, %dma_start3A_66] : memref<204800x128xf32, #tpu.memory_space<hbm>> -> memref<200x128xf32, #tpu.memory_space<hbm>>
    tpu.enqueue_dma source(%arg12 : memref<200x128xf32, #tpu.memory_space<vmem>>) target(%dma_start3A_67 : memref<200x128xf32, #tpu.memory_space<hbm>>) target_semaphore(%arg18 : memref<!tpu.dma_semaphore, #tpu.memory_space<semaphore_mem>>)
    %multiple_of3A_68 = arith.constant 400 : i32
    %multiple_of3A_69 = tpu.assume_multiple %multiple_of3A_68, 8 : i32
    %dma_start3A_70 = arith.constant 0 : i32
    %dma_start3A_71 = arith.constant 0 : i32
    %dma_start3A_72 = tpu.memref_slice %arg14[%dma_start3A_70, %dma_start3A_71] : memref<200x128xf32, #tpu.memory_space<vmem>> -> memref<128x128xf32, #tpu.memory_space<vmem>>
    %dma_start3A_73 = tpu.memref_slice %arg11[%multiple_of3A_69] : memref<6400xi32, #tpu.memory_space<vmem>> -> memref<128xi32, #tpu.memory_space<vmem>>
    %dma_start3A_74 = arith.constant 0 : i32
    %dma_start3A_75 = arith.constant 0 : i32
    %dma_start3A_76 = tpu.memref_slice %arg4[%dma_start3A_74, %dma_start3A_75] : memref<100000x128xf32, #tpu.memory_space<hbm>> -> memref<100000x128xf32, #tpu.memory_space<hbm>>
    tpu.enqueue_indirect_dma source(%dma_start3A_76 : memref<100000x128xf32, #tpu.memory_space<hbm>>) target(%dma_start3A_72 : memref<128x128xf32, #tpu.memory_space<vmem>>) offsets(%dma_start3A_73 : memref<128xi32, #tpu.memory_space<vmem>>) semaphore(%arg17 : memref<!tpu.dma_semaphore, #tpu.memory_space<semaphore_mem>>)
    %add3A_77 = arith.constant 128 : i32
    %add3A_78 = arith.addi %multiple_of3A_69, %add3A_77 : i32
    %dma_start3A_79 = arith.constant 128 : i32
    %dma_start3A_80 = arith.constant 0 : i32
    %dma_start3A_81 = tpu.memref_slice %arg14[%dma_start3A_79, %dma_start3A_80] : memref<200x128xf32, #tpu.memory_space<vmem>> -> memref<72x128xf32, #tpu.memory_space<vmem>>
    %dma_start3A_82 = tpu.memref_slice %arg11[%add3A_78] : memref<6400xi32, #tpu.memory_space<vmem>> -> memref<72xi32, #tpu.memory_space<vmem>>
    %dma_start3A_83 = arith.constant 0 : i32
    %dma_start3A_84 = arith.constant 0 : i32
    %dma_start3A_85 = tpu.memref_slice %arg4[%dma_start3A_83, %dma_start3A_84] : memref<100000x128xf32, #tpu.memory_space<hbm>> -> memref<100000x128xf32, #tpu.memory_space<hbm>>
    tpu.enqueue_indirect_dma source(%dma_start3A_85 : memref<100000x128xf32, #tpu.memory_space<hbm>>) target(%dma_start3A_81 : memref<72x128xf32, #tpu.memory_space<vmem>>) offsets(%dma_start3A_82 : memref<72xi32, #tpu.memory_space<vmem>>) semaphore(%arg17 : memref<!tpu.dma_semaphore, #tpu.memory_space<semaphore_mem>>)
    %dma_wait3A_86 = arith.constant 0 : i32
    %dma_wait3A_87 = arith.constant 0 : i32
    %dma_wait3A_88 = tpu.memref_slice %arg13[%dma_wait3A_86, %dma_wait3A_87] : memref<200x128xf32, #tpu.memory_space<vmem>> -> memref<128x128xf32, #tpu.memory_space<vmem>>
    %dma_wait3A_89 = tpu.memref_slice %arg11[%multiple_of3A_28] : memref<6400xi32, #tpu.memory_space<vmem>> -> memref<128xi32, #tpu.memory_space<vmem>>
    %dma_wait3A_90 = arith.constant 0 : i32
    %dma_wait3A_91 = arith.constant 0 : i32
    %dma_wait3A_92 = tpu.memref_slice %arg4[%dma_wait3A_90, %dma_wait3A_91] : memref<100000x128xf32, #tpu.memory_space<hbm>> -> memref<100000x128xf32, #tpu.memory_space<hbm>>
    tpu.wait_indirect_dma semaphore(%arg16 : memref<!tpu.dma_semaphore, #tpu.memory_space<semaphore_mem>>) src(%dma_wait3A_92 : memref<100000x128xf32, #tpu.memory_space<hbm>>) dst(%dma_wait3A_88 : memref<128x128xf32, #tpu.memory_space<vmem>>)
    %dma_wait3A_93 = arith.constant 128 : i32
    %dma_wait3A_94 = arith.constant 0 : i32
    %dma_wait3A_95 = tpu.memref_slice %arg13[%dma_wait3A_93, %dma_wait3A_94] : memref<200x128xf32, #tpu.memory_space<vmem>> -> memref<72x128xf32, #tpu.memory_space<vmem>>
    %dma_wait3A_96 = tpu.memref_slice %arg11[%add3A_37] : memref<6400xi32, #tpu.memory_space<vmem>> -> memref<72xi32, #tpu.memory_space<vmem>>
    %dma_wait3A_97 = arith.constant 0 : i32
    %dma_wait3A_98 = arith.constant 0 : i32
    %dma_wait3A_99 = tpu.memref_slice %arg4[%dma_wait3A_97, %dma_wait3A_98] : memref<100000x128xf32, #tpu.memory_space<hbm>> -> memref<100000x128xf32, #tpu.memory_space<hbm>>
    tpu.wait_indirect_dma semaphore(%arg16 : memref<!tpu.dma_semaphore, #tpu.memory_space<semaphore_mem>>) src(%dma_wait3A_99 : memref<100000x128xf32, #tpu.memory_space<hbm>>) dst(%dma_wait3A_95 : memref<72x128xf32, #tpu.memory_space<vmem>>)
    %add3A_100 = arith.constant 1 : i32
    %add3A_101 = arith.addi %multiple_of3A, %add3A_100 : i32
    %mul3A_102 = arith.constant 200 : i32
    %mul3A_103 = arith.muli %add3A_101, %mul3A_102 : i32
    %multiple_of3A_104 = tpu.assume_multiple %mul3A_103, 8 : i32
    %dma_start3A_105 = arith.constant 0 : i32
    %dma_start3A_106 = tpu.memref_slice %arg7[%multiple_of3A_104, %dma_start3A_105] : memref<204800x128xf32, #tpu.memory_space<hbm>> -> memref<200x128xf32, #tpu.memory_space<hbm>>
    %dma_start3A_107 = arith.constant 0 : i32
    %dma_start3A_108 = tpu.memref_slice %arg7[%multiple_of3A_104, %dma_start3A_107] : memref<204800x128xf32, #tpu.memory_space<hbm>> -> memref<200x128xf32, #tpu.memory_space<hbm>>
    tpu.enqueue_dma source(%arg13 : memref<200x128xf32, #tpu.memory_space<vmem>>) target(%dma_start3A_108 : memref<200x128xf32, #tpu.memory_space<hbm>>) target_semaphore(%arg19 : memref<!tpu.dma_semaphore, #tpu.memory_space<semaphore_mem>>)
    %dma_wait3A_109 = arith.constant 0 : i32
    %dma_wait3A_110 = tpu.memref_slice %arg7[%multiple_of3A_63, %dma_wait3A_109] : memref<204800x128xf32, #tpu.memory_space<hbm>> -> memref<200x128xf32, #tpu.memory_space<hbm>>
    %dma_wait3A_111 = arith.constant 0 : i32
    %dma_wait3A_112 = tpu.memref_slice %arg7[%multiple_of3A_63, %dma_wait3A_111] : memref<204800x128xf32, #tpu.memory_space<hbm>> -> memref<200x128xf32, #tpu.memory_space<hbm>>
    tpu.wait_dma2 semaphore(%arg18 : memref<!tpu.dma_semaphore, #tpu.memory_space<semaphore_mem>>) src(%arg12 : memref<200x128xf32, #tpu.memory_space<vmem>>) dst(%dma_wait3A_112 : memref<200x128xf32, #tpu.memory_space<hbm>>)
    %multiple_of3A_113 = arith.constant 600 : i32
    %multiple_of3A_114 = tpu.assume_multiple %multiple_of3A_113, 8 : i32
    %dma_start3A_115 = arith.constant 0 : i32
    %dma_start3A_116 = arith.constant 0 : i32
    %dma_start3A_117 = tpu.memref_slice %arg12[%dma_start3A_115, %dma_start3A_116] : memref<200x128xf32, #tpu.memory_space<vmem>> -> memref<128x128xf32, #tpu.memory_space<vmem>>
    %dma_start3A_118 = tpu.memref_slice %arg11[%multiple_of3A_114] : memref<6400xi32, #tpu.memory_space<vmem>> -> memref<128xi32, #tpu.memory_space<vmem>>
    %dma_start3A_119 = arith.constant 0 : i32
    %dma_start3A_120 = arith.constant 0 : i32
    %dma_start3A_121 = tpu.memref_slice %arg4[%dma_start3A_119, %dma_start3A_120] : memref<100000x128xf32, #tpu.memory_space<hbm>> -> memref<100000x128xf32, #tpu.memory_space<hbm>>
    tpu.enqueue_indirect_dma source(%dma_start3A_121 : memref<100000x128xf32, #tpu.memory_space<hbm>>) target(%dma_start3A_117 : memref<128x128xf32, #tpu.memory_space<vmem>>) offsets(%dma_start3A_118 : memref<128xi32, #tpu.memory_space<vmem>>) semaphore(%arg15 : memref<!tpu.dma_semaphore, #tpu.memory_space<semaphore_mem>>)
    %add3A_122 = arith.constant 128 : i32
    %add3A_123 = arith.addi %multiple_of3A_114, %add3A_122 : i32
    %dma_start3A_124 = arith.constant 128 : i32
    %dma_start3A_125 = arith.constant 0 : i32
    %dma_start3A_126 = tpu.memref_slice %arg12[%dma_start3A_124, %dma_start3A_125] : memref<200x128xf32, #tpu.memory_space<vmem>> -> memref<72x128xf32, #tpu.memory_space<vmem>>
    %dma_start3A_127 = tpu.memref_slice %arg11[%add3A_123] : memref<6400xi32, #tpu.memory_space<vmem>> -> memref<72xi32, #tpu.memory_space<vmem>>
    %dma_start3A_128 = arith.constant 0 : i32
    %dma_start3A_129 = arith.constant 0 : i32
    %dma_start3A_130 = tpu.memref_slice %arg4[%dma_start3A_128, %dma_start3A_129] : memref<100000x128xf32, #tpu.memory_space<hbm>> -> memref<100000x128xf32, #tpu.memory_space<hbm>>
    tpu.enqueue_indirect_dma source(%dma_start3A_130 : memref<100000x128xf32, #tpu.memory_space<hbm>>) target(%dma_start3A_126 : memref<72x128xf32, #tpu.memory_space<vmem>>) offsets(%dma_start3A_127 : memref<72xi32, #tpu.memory_space<vmem>>) semaphore(%arg15 : memref<!tpu.dma_semaphore, #tpu.memory_space<semaphore_mem>>)
    %dma_wait3A_131 = arith.constant 0 : i32
    %dma_wait3A_132 = arith.constant 0 : i32
    %dma_wait3A_133 = tpu.memref_slice %arg14[%dma_wait3A_131, %dma_wait3A_132] : memref<200x128xf32, #tpu.memory_space<vmem>> -> memref<128x128xf32, #tpu.memory_space<vmem>>
    %dma_wait3A_134 = tpu.memref_slice %arg11[%multiple_of3A_69] : memref<6400xi32, #tpu.memory_space<vmem>> -> memref<128xi32, #tpu.memory_space<vmem>>
    %dma_wait3A_135 = arith.constant 0 : i32
    %dma_wait3A_136 = arith.constant 0 : i32
    %dma_wait3A_137 = tpu.memref_slice %arg4[%dma_wait3A_135, %dma_wait3A_136] : memref<100000x128xf32, #tpu.memory_space<hbm>> -> memref<100000x128xf32, #tpu.memory_space<hbm>>
    tpu.wait_indirect_dma semaphore(%arg17 : memref<!tpu.dma_semaphore, #tpu.memory_space<semaphore_mem>>) src(%dma_wait3A_137 : memref<100000x128xf32, #tpu.memory_space<hbm>>) dst(%dma_wait3A_133 : memref<128x128xf32, #tpu.memory_space<vmem>>)
    %dma_wait3A_138 = arith.constant 128 : i32
    %dma_wait3A_139 = arith.constant 0 : i32
    %dma_wait3A_140 = tpu.memref_slice %arg14[%dma_wait3A_138, %dma_wait3A_139] : memref<200x128xf32, #tpu.memory_space<vmem>> -> memref<72x128xf32, #tpu.memory_space<vmem>>
    %dma_wait3A_141 = tpu.memref_slice %arg11[%add3A_78] : memref<6400xi32, #tpu.memory_space<vmem>> -> memref<72xi32, #tpu.memory_space<vmem>>
    %dma_wait3A_142 = arith.constant 0 : i32
    %dma_wait3A_143 = arith.constant 0 : i32
    %dma_wait3A_144 = tpu.memref_slice %arg4[%dma_wait3A_142, %dma_wait3A_143] : memref<100000x128xf32, #tpu.memory_space<hbm>> -> memref<100000x128xf32, #tpu.memory_space<hbm>>
    tpu.wait_indirect_dma semaphore(%arg17 : memref<!tpu.dma_semaphore, #tpu.memory_space<semaphore_mem>>) src(%dma_wait3A_144 : memref<100000x128xf32, #tpu.memory_space<hbm>>) dst(%dma_wait3A_140 : memref<72x128xf32, #tpu.memory_space<vmem>>)
    %add3A_145 = arith.constant 2 : i32
    %add3A_146 = arith.addi %multiple_of3A, %add3A_145 : i32
    %mul3A_147 = arith.constant 200 : i32
    %mul3A_148 = arith.muli %add3A_146, %mul3A_147 : i32
    %multiple_of3A_149 = tpu.assume_multiple %mul3A_148, 8 : i32
    %dma_start3A_150 = arith.constant 0 : i32
    %dma_start3A_151 = tpu.memref_slice %arg7[%multiple_of3A_149, %dma_start3A_150] : memref<204800x128xf32, #tpu.memory_space<hbm>> -> memref<200x128xf32, #tpu.memory_space<hbm>>
    %dma_start3A_152 = arith.constant 0 : i32
    %dma_start3A_153 = tpu.memref_slice %arg7[%multiple_of3A_149, %dma_start3A_152] : memref<204800x128xf32, #tpu.memory_space<hbm>> -> memref<200x128xf32, #tpu.memory_space<hbm>>
    tpu.enqueue_dma source(%arg14 : memref<200x128xf32, #tpu.memory_space<vmem>>) target(%dma_start3A_153 : memref<200x128xf32, #tpu.memory_space<hbm>>) target_semaphore(%arg20 : memref<!tpu.dma_semaphore, #tpu.memory_space<semaphore_mem>>)
    %dma_wait3A_154 = arith.constant 0 : i32
    %dma_wait3A_155 = tpu.memref_slice %arg7[%multiple_of3A_104, %dma_wait3A_154] : memref<204800x128xf32, #tpu.memory_space<hbm>> -> memref<200x128xf32, #tpu.memory_space<hbm>>
    %dma_wait3A_156 = arith.constant 0 : i32
    %dma_wait3A_157 = tpu.memref_slice %arg7[%multiple_of3A_104, %dma_wait3A_156] : memref<204800x128xf32, #tpu.memory_space<hbm>> -> memref<200x128xf32, #tpu.memory_space<hbm>>
    tpu.wait_dma2 semaphore(%arg19 : memref<!tpu.dma_semaphore, #tpu.memory_space<semaphore_mem>>) src(%arg13 : memref<200x128xf32, #tpu.memory_space<vmem>>) dst(%dma_wait3A_157 : memref<200x128xf32, #tpu.memory_space<hbm>>)
    %multiple_of3A_158 = arith.constant 800 : i32
    %multiple_of3A_159 = tpu.assume_multiple %multiple_of3A_158, 8 : i32
    %dma_start3A_160 = arith.constant 0 : i32
    %dma_start3A_161 = arith.constant 0 : i32
    %dma_start3A_162 = tpu.memref_slice %arg13[%dma_start3A_160, %dma_start3A_161] : memref<200x128xf32, #tpu.memory_space<vmem>> -> memref<128x128xf32, #tpu.memory_space<vmem>>
    %dma_start3A_163 = tpu.memref_slice %arg11[%multiple_of3A_159] : memref<6400xi32, #tpu.memory_space<vmem>> -> memref<128xi32, #tpu.memory_space<vmem>>
    %dma_start3A_164 = arith.constant 0 : i32
    %dma_start3A_165 = arith.constant 0 : i32
    %dma_start3A_166 = tpu.memref_slice %arg4[%dma_start3A_164, %dma_start3A_165] : memref<100000x128xf32, #tpu.memory_space<hbm>> -> memref<100000x128xf32, #tpu.memory_space<hbm>>
    tpu.enqueue_indirect_dma source(%dma_start3A_166 : memref<100000x128xf32, #tpu.memory_space<hbm>>) target(%dma_start3A_162 : memref<128x128xf32, #tpu.memory_space<vmem>>) offsets(%dma_start3A_163 : memref<128xi32, #tpu.memory_space<vmem>>) semaphore(%arg16 : memref<!tpu.dma_semaphore, #tpu.memory_space<semaphore_mem>>)
    %add3A_167 = arith.constant 128 : i32
    %add3A_168 = arith.addi %multiple_of3A_159, %add3A_167 : i32
    %dma_start3A_169 = arith.constant 128 : i32
    %dma_start3A_170 = arith.constant 0 : i32
    %dma_start3A_171 = tpu.memref_slice %arg13[%dma_start3A_169, %dma_start3A_170] : memref<200x128xf32, #tpu.memory_space<vmem>> -> memref<72x128xf32, #tpu.memory_space<vmem>>
    %dma_start3A_172 = tpu.memref_slice %arg11[%add3A_168] : memref<6400xi32, #tpu.memory_space<vmem>> -> memref<72xi32, #tpu.memory_space<vmem>>
    %dma_start3A_173 = arith.constant 0 : i32
    %dma_start3A_174 = arith.constant 0 : i32
    %dma_start3A_175 = tpu.memref_slice %arg4[%dma_start3A_173, %dma_start3A_174] : memref<100000x128xf32, #tpu.memory_space<hbm>> -> memref<100000x128xf32, #tpu.memory_space<hbm>>
    tpu.enqueue_indirect_dma source(%dma_start3A_175 : memref<100000x128xf32, #tpu.memory_space<hbm>>) target(%dma_start3A_171 : memref<72x128xf32, #tpu.memory_space<vmem>>) offsets(%dma_start3A_172 : memref<72xi32, #tpu.memory_space<vmem>>) semaphore(%arg16 : memref<!tpu.dma_semaphore, #tpu.memory_space<semaphore_mem>>)
    %dma_wait3A_176 = arith.constant 0 : i32
    %dma_wait3A_177 = arith.constant 0 : i32
    %dma_wait3A_178 = tpu.memref_slice %arg12[%dma_wait3A_176, %dma_wait3A_177] : memref<200x128xf32, #tpu.memory_space<vmem>> -> memref<128x128xf32, #tpu.memory_space<vmem>>
    %dma_wait3A_179 = tpu.memref_slice %arg11[%multiple_of3A_114] : memref<6400xi32, #tpu.memory_space<vmem>> -> memref<128xi32, #tpu.memory_space<vmem>>
    %dma_wait3A_180 = arith.constant 0 : i32
    %dma_wait3A_181 = arith.constant 0 : i32
    %dma_wait3A_182 = tpu.memref_slice %arg4[%dma_wait3A_180, %dma_wait3A_181] : memref<100000x128xf32, #tpu.memory_space<hbm>> -> memref<100000x128xf32, #tpu.memory_space<hbm>>
    tpu.wait_indirect_dma semaphore(%arg15 : memref<!tpu.dma_semaphore, #tpu.memory_space<semaphore_mem>>) src(%dma_wait3A_182 : memref<100000x128xf32, #tpu.memory_space<hbm>>) dst(%dma_wait3A_178 : memref<128x128xf32, #tpu.memory_space<vmem>>)
    %dma_wait3A_183 = arith.constant 128 : i32
    %dma_wait3A_184 = arith.constant 0 : i32
    %dma_wait3A_185 = tpu.memref_slice %arg12[%dma_wait3A_183, %dma_wait3A_184] : memref<200x128xf32, #tpu.memory_space<vmem>> -> memref<72x128xf32, #tpu.memory_space<vmem>>
    %dma_wait3A_186 = tpu.memref_slice %arg11[%add3A_123] : memref<6400xi32, #tpu.memory_space<vmem>> -> memref<72xi32, #tpu.memory_space<vmem>>
    %dma_wait3A_187 = arith.constant 0 : i32
    %dma_wait3A_188 = arith.constant 0 : i32
    %dma_wait3A_189 = tpu.memref_slice %arg4[%dma_wait3A_187, %dma_wait3A_188] : memref<100000x128xf32, #tpu.memory_space<hbm>> -> memref<100000x128xf32, #tpu.memory_space<hbm>>
    tpu.wait_indirect_dma semaphore(%arg15 : memref<!tpu.dma_semaphore, #tpu.memory_space<semaphore_mem>>) src(%dma_wait3A_189 : memref<100000x128xf32, #tpu.memory_space<hbm>>) dst(%dma_wait3A_185 : memref<72x128xf32, #tpu.memory_space<vmem>>)
    %add3A_190 = arith.constant 3 : i32
    %add3A_191 = arith.addi %multiple_of3A, %add3A_190 : i32
    %mul3A_192 = arith.constant 200 : i32
    %mul3A_193 = arith.muli %add3A_191, %mul3A_192 : i32
    %multiple_of3A_194 = tpu.assume_multiple %mul3A_193, 8 : i32
    %dma_start3A_195 = arith.constant 0 : i32
    %dma_start3A_196 = tpu.memref_slice %arg7[%multiple_of3A_194, %dma_start3A_195] : memref<204800x128xf32, #tpu.memory_space<hbm>> -> memref<200x128xf32, #tpu.memory_space<hbm>>
    %dma_start3A_197 = arith.constant 0 : i32
    %dma_start3A_198 = tpu.memref_slice %arg7[%multiple_of3A_194, %dma_start3A_197] : memref<204800x128xf32, #tpu.memory_space<hbm>> -> memref<200x128xf32, #tpu.memory_space<hbm>>
    tpu.enqueue_dma source(%arg12 : memref<200x128xf32, #tpu.memory_space<vmem>>) target(%dma_start3A_198 : memref<200x128xf32, #tpu.memory_space<hbm>>) target_semaphore(%arg18 : memref<!tpu.dma_semaphore, #tpu.memory_space<semaphore_mem>>)
    %dma_wait3A_199 = arith.constant 0 : i32
    %dma_wait3A_200 = tpu.memref_slice %arg7[%multiple_of3A_149, %dma_wait3A_199] : memref<204800x128xf32, #tpu.memory_space<hbm>> -> memref<200x128xf32, #tpu.memory_space<hbm>>
    %dma_wait3A_201 = arith.constant 0 : i32
    %dma_wait3A_202 = tpu.memref_slice %arg7[%multiple_of3A_149, %dma_wait3A_201] : memref<204800x128xf32, #tpu.memory_space<hbm>> -> memref<200x128xf32, #tpu.memory_space<hbm>>
    tpu.wait_dma2 semaphore(%arg20 : memref<!tpu.dma_semaphore, #tpu.memory_space<semaphore_mem>>) src(%arg14 : memref<200x128xf32, #tpu.memory_space<vmem>>) dst(%dma_wait3A_202 : memref<200x128xf32, #tpu.memory_space<hbm>>)
    %multiple_of3A_203 = arith.constant 1000 : i32
    %multiple_of3A_204 = tpu.assume_multiple %multiple_of3A_203, 8 : i32
    %dma_start3A_205 = arith.constant 0 : i32
    %dma_start3A_206 = arith.constant 0 : i32
    %dma_start3A_207 = tpu.memref_slice %arg14[%dma_start3A_205, %dma_start3A_206] : memref<200x128xf32, #tpu.memory_space<vmem>> -> memref<128x128xf32, #tpu.memory_space<vmem>>
    %dma_start3A_208 = tpu.memref_slice %arg11[%multiple_of3A_204] : memref<6400xi32, #tpu.memory_space<vmem>> -> memref<128xi32, #tpu.memory_space<vmem>>
    %dma_start3A_209 = arith.constant 0 : i32
    %dma_start3A_210 = arith.constant 0 : i32
    %dma_start3A_211 = tpu.memref_slice %arg4[%dma_start3A_209, %dma_start3A_210] : memref<100000x128xf32, #tpu.memory_space<hbm>> -> memref<100000x128xf32, #tpu.memory_space<hbm>>
    tpu.enqueue_indirect_dma source(%dma_start3A_211 : memref<100000x128xf32, #tpu.memory_space<hbm>>) target(%dma_start3A_207 : memref<128x128xf32, #tpu.memory_space<vmem>>) offsets(%dma_start3A_208 : memref<128xi32, #tpu.memory_space<vmem>>) semaphore(%arg17 : memref<!tpu.dma_semaphore, #tpu.memory_space<semaphore_mem>>)
    %add3A_212 = arith.constant 128 : i32
    %add3A_213 = arith.addi %multiple_of3A_204, %add3A_212 : i32
    %dma_start3A_214 = arith.constant 128 : i32
    %dma_start3A_215 = arith.constant 0 : i32
    %dma_start3A_216 = tpu.memref_slice %arg14[%dma_start3A_214, %dma_start3A_215] : memref<200x128xf32, #tpu.memory_space<vmem>> -> memref<72x128xf32, #tpu.memory_space<vmem>>
    %dma_start3A_217 = tpu.memref_slice %arg11[%add3A_213] : memref<6400xi32, #tpu.memory_space<vmem>> -> memref<72xi32, #tpu.memory_space<vmem>>
    %dma_start3A_218 = arith.constant 0 : i32
    %dma_start3A_219 = arith.constant 0 : i32
    %dma_start3A_220 = tpu.memref_slice %arg4[%dma_start3A_218, %dma_start3A_219] : memref<100000x128xf32, #tpu.memory_space<hbm>> -> memref<100000x128xf32, #tpu.memory_space<hbm>>
    tpu.enqueue_indirect_dma source(%dma_start3A_220 : memref<100000x128xf32, #tpu.memory_space<hbm>>) target(%dma_start3A_216 : memref<72x128xf32, #tpu.memory_space<vmem>>) offsets(%dma_start3A_217 : memref<72xi32, #tpu.memory_space<vmem>>) semaphore(%arg17 : memref<!tpu.dma_semaphore, #tpu.memory_space<semaphore_mem>>)
    %dma_wait3A_221 = arith.constant 0 : i32
    %dma_wait3A_222 = arith.constant 0 : i32
    %dma_wait3A_223 = tpu.memref_slice %arg13[%dma_wait3A_221, %dma_wait3A_222] : memref<200x128xf32, #tpu.memory_space<vmem>> -> memref<128x128xf32, #tpu.memory_space<vmem>>
    %dma_wait3A_224 = tpu.memref_slice %arg11[%multiple_of3A_159] : memref<6400xi32, #tpu.memory_space<vmem>> -> memref<128xi32, #tpu.memory_space<vmem>>
    %dma_wait3A_225 = arith.constant 0 : i32
    %dma_wait3A_226 = arith.constant 0 : i32
    %dma_wait3A_227 = tpu.memref_slice %arg4[%dma_wait3A_225, %dma_wait3A_226] : memref<100000x128xf32, #tpu.memory_space<hbm>> -> memref<100000x128xf32, #tpu.memory_space<hbm>>
    tpu.wait_indirect_dma semaphore(%arg16 : memref<!tpu.dma_semaphore, #tpu.memory_space<semaphore_mem>>) src(%dma_wait3A_227 : memref<100000x128xf32, #tpu.memory_space<hbm>>) dst(%dma_wait3A_223 : memref<128x128xf32, #tpu.memory_space<vmem>>)
    %dma_wait3A_228 = arith.constant 128 : i32
    %dma_wait3A_229 = arith.constant 0 : i32
    %dma_wait3A_230 = tpu.memref_slice %arg13[%dma_wait3A_228, %dma_wait3A_229] : memref<200x128xf32, #tpu.memory_space<vmem>> -> memref<72x128xf32, #tpu.memory_space<vmem>>
    %dma_wait3A_231 = tpu.memref_slice %arg11[%add3A_168] : memref<6400xi32, #tpu.memory_space<vmem>> -> memref<72xi32, #tpu.memory_space<vmem>>
    %dma_wait3A_232 = arith.constant 0 : i32
    %dma_wait3A_233 = arith.constant 0 : i32
    %dma_wait3A_234 = tpu.memref_slice %arg4[%dma_wait3A_232, %dma_wait3A_233] : memref<100000x128xf32, #tpu.memory_space<hbm>> -> memref<100000x128xf32, #tpu.memory_space<hbm>>
    tpu.wait_indirect_dma semaphore(%arg16 : memref<!tpu.dma_semaphore, #tpu.memory_space<semaphore_mem>>) src(%dma_wait3A_234 : memref<100000x128xf32, #tpu.memory_space<hbm>>) dst(%dma_wait3A_230 : memref<72x128xf32, #tpu.memory_space<vmem>>)
    %add3A_235 = arith.constant 4 : i32
    %add3A_236 = arith.addi %multiple_of3A, %add3A_235 : i32
    %mul3A_237 = arith.constant 200 : i32
    %mul3A_238 = arith.muli %add3A_236, %mul3A_237 : i32
    %multiple_of3A_239 = tpu.assume_multiple %mul3A_238, 8 : i32
    %dma_start3A_240 = arith.constant 0 : i32
    %dma_start3A_241 = tpu.memref_slice %arg7[%multiple_of3A_239, %dma_start3A_240] : memref<204800x128xf32, #tpu.memory_space<hbm>> -> memref<200x128xf32, #tpu.memory_space<hbm>>
    %dma_start3A_242 = arith.constant 0 : i32
    %dma_start3A_243 = tpu.memref_slice %arg7[%multiple_of3A_239, %dma_start3A_242] : memref<204800x128xf32, #tpu.memory_space<hbm>> -> memref<200x128xf32, #tpu.memory_space<hbm>>
    tpu.enqueue_dma source(%arg13 : memref<200x128xf32, #tpu.memory_space<vmem>>) target(%dma_start3A_243 : memref<200x128xf32, #tpu.memory_space<hbm>>) target_semaphore(%arg19 : memref<!tpu.dma_semaphore, #tpu.memory_space<semaphore_mem>>)
    %dma_wait3A_244 = arith.constant 0 : i32
    %dma_wait3A_245 = tpu.memref_slice %arg7[%multiple_of3A_194, %dma_wait3A_244] : memref<204800x128xf32, #tpu.memory_space<hbm>> -> memref<200x128xf32, #tpu.memory_space<hbm>>
    %dma_wait3A_246 = arith.constant 0 : i32
    %dma_wait3A_247 = tpu.memref_slice %arg7[%multiple_of3A_194, %dma_wait3A_246] : memref<204800x128xf32, #tpu.memory_space<hbm>> -> memref<200x128xf32, #tpu.memory_space<hbm>>
    tpu.wait_dma2 semaphore(%arg18 : memref<!tpu.dma_semaphore, #tpu.memory_space<semaphore_mem>>) src(%arg12 : memref<200x128xf32, #tpu.memory_space<vmem>>) dst(%dma_wait3A_247 : memref<200x128xf32, #tpu.memory_space<hbm>>)
    %multiple_of3A_248 = arith.constant 1200 : i32
    %multiple_of3A_249 = tpu.assume_multiple %multiple_of3A_248, 8 : i32
    %dma_start3A_250 = arith.constant 0 : i32
    %dma_start3A_251 = arith.constant 0 : i32
    %dma_start3A_252 = tpu.memref_slice %arg12[%dma_start3A_250, %dma_start3A_251] : memref<200x128xf32, #tpu.memory_space<vmem>> -> memref<128x128xf32, #tpu.memory_space<vmem>>
    %dma_start3A_253 = tpu.memref_slice %arg11[%multiple_of3A_249] : memref<6400xi32, #tpu.memory_space<vmem>> -> memref<128xi32, #tpu.memory_space<vmem>>
    %dma_start3A_254 = arith.constant 0 : i32
    %dma_start3A_255 = arith.constant 0 : i32
    %dma_start3A_256 = tpu.memref_slice %arg4[%dma_start3A_254, %dma_start3A_255] : memref<100000x128xf32, #tpu.memory_space<hbm>> -> memref<100000x128xf32, #tpu.memory_space<hbm>>
    tpu.enqueue_indirect_dma source(%dma_start3A_256 : memref<100000x128xf32, #tpu.memory_space<hbm>>) target(%dma_start3A_252 : memref<128x128xf32, #tpu.memory_space<vmem>>) offsets(%dma_start3A_253 : memref<128xi32, #tpu.memory_space<vmem>>) semaphore(%arg15 : memref<!tpu.dma_semaphore, #tpu.memory_space<semaphore_mem>>)
    %add3A_257 = arith.constant 128 : i32
    %add3A_258 = arith.addi %multiple_of3A_249, %add3A_257 : i32
    %dma_start3A_259 = arith.constant 128 : i32
    %dma_start3A_260 = arith.constant 0 : i32
    %dma_start3A_261 = tpu.memref_slice %arg12[%dma_start3A_259, %dma_start3A_260] : memref<200x128xf32, #tpu.memory_space<vmem>> -> memref<72x128xf32, #tpu.memory_space<vmem>>
    %dma_start3A_262 = tpu.memref_slice %arg11[%add3A_258] : memref<6400xi32, #tpu.memory_space<vmem>> -> memref<72xi32, #tpu.memory_space<vmem>>
    %dma_start3A_263 = arith.constant 0 : i32
    %dma_start3A_264 = arith.constant 0 : i32
    %dma_start3A_265 = tpu.memref_slice %arg4[%dma_start3A_263, %dma_start3A_264] : memref<100000x128xf32, #tpu.memory_space<hbm>> -> memref<100000x128xf32, #tpu.memory_space<hbm>>
    tpu.enqueue_indirect_dma source(%dma_start3A_265 : memref<100000x128xf32, #tpu.memory_space<hbm>>) target(%dma_start3A_261 : memref<72x128xf32, #tpu.memory_space<vmem>>) offsets(%dma_start3A_262 : memref<72xi32, #tpu.memory_space<vmem>>) semaphore(%arg15 : memref<!tpu.dma_semaphore, #tpu.memory_space<semaphore_mem>>)
    %dma_wait3A_266 = arith.constant 0 : i32
    %dma_wait3A_267 = arith.constant 0 : i32
    %dma_wait3A_268 = tpu.memref_slice %arg14[%dma_wait3A_266, %dma_wait3A_267] : memref<200x128xf32, #tpu.memory_space<vmem>> -> memref<128x128xf32, #tpu.memory_space<vmem>>
    %dma_wait3A_269 = tpu.memref_slice %arg11[%multiple_of3A_204] : memref<6400xi32, #tpu.memory_space<vmem>> -> memref<128xi32, #tpu.memory_space<vmem>>
    %dma_wait3A_270 = arith.constant 0 : i32
    %dma_wait3A_271 = arith.constant 0 : i32
    %dma_wait3A_272 = tpu.memref_slice %arg4[%dma_wait3A_270, %dma_wait3A_271] : memref<100000x128xf32, #tpu.memory_space<hbm>> -> memref<100000x128xf32, #tpu.memory_space<hbm>>
    tpu.wait_indirect_dma semaphore(%arg17 : memref<!tpu.dma_semaphore, #tpu.memory_space<semaphore_mem>>) src(%dma_wait3A_272 : memref<100000x128xf32, #tpu.memory_space<hbm>>) dst(%dma_wait3A_268 : memref<128x128xf32, #tpu.memory_space<vmem>>)
    %dma_wait3A_273 = arith.constant 128 : i32
    %dma_wait3A_274 = arith.constant 0 : i32
    %dma_wait3A_275 = tpu.memref_slice %arg14[%dma_wait3A_273, %dma_wait3A_274] : memref<200x128xf32, #tpu.memory_space<vmem>> -> memref<72x128xf32, #tpu.memory_space<vmem>>
    %dma_wait3A_276 = tpu.memref_slice %arg11[%add3A_213] : memref<6400xi32, #tpu.memory_space<vmem>> -> memref<72xi32, #tpu.memory_space<vmem>>
    %dma_wait3A_277 = arith.constant 0 : i32
    %dma_wait3A_278 = arith.constant 0 : i32
    %dma_wait3A_279 = tpu.memref_slice %arg4[%dma_wait3A_277, %dma_wait3A_278] : memref<100000x128xf32, #tpu.memory_space<hbm>> -> memref<100000x128xf32, #tpu.memory_space<hbm>>
    tpu.wait_indirect_dma semaphore(%arg17 : memref<!tpu.dma_semaphore, #tpu.memory_space<semaphore_mem>>) src(%dma_wait3A_279 : memref<100000x128xf32, #tpu.memory_space<hbm>>) dst(%dma_wait3A_275 : memref<72x128xf32, #tpu.memory_space<vmem>>)
    %add3A_280 = arith.constant 5 : i32
    %add3A_281 = arith.addi %multiple_of3A, %add3A_280 : i32
    %mul3A_282 = arith.constant 200 : i32
    %mul3A_283 = arith.muli %add3A_281, %mul3A_282 : i32
    %multiple_of3A_284 = tpu.assume_multiple %mul3A_283, 8 : i32
    %dma_start3A_285 = arith.constant 0 : i32
    %dma_start3A_286 = tpu.memref_slice %arg7[%multiple_of3A_284, %dma_start3A_285] : memref<204800x128xf32, #tpu.memory_space<hbm>> -> memref<200x128xf32, #tpu.memory_space<hbm>>
    %dma_start3A_287 = arith.constant 0 : i32
    %dma_start3A_288 = tpu.memref_slice %arg7[%multiple_of3A_284, %dma_start3A_287] : memref<204800x128xf32, #tpu.memory_space<hbm>> -> memref<200x128xf32, #tpu.memory_space<hbm>>
    tpu.enqueue_dma source(%arg14 : memref<200x128xf32, #tpu.memory_space<vmem>>) target(%dma_start3A_288 : memref<200x128xf32, #tpu.memory_space<hbm>>) target_semaphore(%arg20 : memref<!tpu.dma_semaphore, #tpu.memory_space<semaphore_mem>>)
    %dma_wait3A_289 = arith.constant 0 : i32
    %dma_wait3A_290 = tpu.memref_slice %arg7[%multiple_of3A_239, %dma_wait3A_289] : memref<204800x128xf32, #tpu.memory_space<hbm>> -> memref<200x128xf32, #tpu.memory_space<hbm>>
    %dma_wait3A_291 = arith.constant 0 : i32
    %dma_wait3A_292 = tpu.memref_slice %arg7[%multiple_of3A_239, %dma_wait3A_291] : memref<204800x128xf32, #tpu.memory_space<hbm>> -> memref<200x128xf32, #tpu.memory_space<hbm>>
    tpu.wait_dma2 semaphore(%arg19 : memref<!tpu.dma_semaphore, #tpu.memory_space<semaphore_mem>>) src(%arg13 : memref<200x128xf32, #tpu.memory_space<vmem>>) dst(%dma_wait3A_292 : memref<200x128xf32, #tpu.memory_space<hbm>>)
    %multiple_of3A_293 = arith.constant 1400 : i32
    %multiple_of3A_294 = tpu.assume_multiple %multiple_of3A_293, 8 : i32
    %dma_start3A_295 = arith.constant 0 : i32
    %dma_start3A_296 = arith.constant 0 : i32
    %dma_start3A_297 = tpu.memref_slice %arg13[%dma_start3A_295, %dma_start3A_296] : memref<200x128xf32, #tpu.memory_space<vmem>> -> memref<128x128xf32, #tpu.memory_space<vmem>>
    %dma_start3A_298 = tpu.memref_slice %arg11[%multiple_of3A_294] : memref<6400xi32, #tpu.memory_space<vmem>> -> memref<128xi32, #tpu.memory_space<vmem>>
    %dma_start3A_299 = arith.constant 0 : i32
    %dma_start3A_300 = arith.constant 0 : i32
    %dma_start3A_301 = tpu.memref_slice %arg4[%dma_start3A_299, %dma_start3A_300] : memref<100000x128xf32, #tpu.memory_space<hbm>> -> memref<100000x128xf32, #tpu.memory_space<hbm>>
    tpu.enqueue_indirect_dma source(%dma_start3A_301 : memref<100000x128xf32, #tpu.memory_space<hbm>>) target(%dma_start3A_297 : memref<128x128xf32, #tpu.memory_space<vmem>>) offsets(%dma_start3A_298 : memref<128xi32, #tpu.memory_space<vmem>>) semaphore(%arg16 : memref<!tpu.dma_semaphore, #tpu.memory_space<semaphore_mem>>)
    %add3A_302 = arith.constant 128 : i32
    %add3A_303 = arith.addi %multiple_of3A_294, %add3A_302 : i32
    %dma_start3A_304 = arith.constant 128 : i32
    %dma_start3A_305 = arith.constant 0 : i32
    %dma_start3A_306 = tpu.memref_slice %arg13[%dma_start3A_304, %dma_start3A_305] : memref<200x128xf32, #tpu.memory_space<vmem>> -> memref<72x128xf32, #tpu.memory_space<vmem>>
    %dma_start3A_307 = tpu.memref_slice %arg11[%add3A_303] : memref<6400xi32, #tpu.memory_space<vmem>> -> memref<72xi32, #tpu.memory_space<vmem>>
    %dma_start3A_308 = arith.constant 0 : i32
    %dma_start3A_309 = arith.constant 0 : i32
    %dma_start3A_310 = tpu.memref_slice %arg4[%dma_start3A_308, %dma_start3A_309] : memref<100000x128xf32, #tpu.memory_space<hbm>> -> memref<100000x128xf32, #tpu.memory_space<hbm>>
    tpu.enqueue_indirect_dma source(%dma_start3A_310 : memref<100000x128xf32, #tpu.memory_space<hbm>>) target(%dma_start3A_306 : memref<72x128xf32, #tpu.memory_space<vmem>>) offsets(%dma_start3A_307 : memref<72xi32, #tpu.memory_space<vmem>>) semaphore(%arg16 : memref<!tpu.dma_semaphore, #tpu.memory_space<semaphore_mem>>)
    %dma_wait3A_311 = arith.constant 0 : i32
    %dma_wait3A_312 = arith.constant 0 : i32
    %dma_wait3A_313 = tpu.memref_slice %arg12[%dma_wait3A_311, %dma_wait3A_312] : memref<200x128xf32, #tpu.memory_space<vmem>> -> memref<128x128xf32, #tpu.memory_space<vmem>>
    %dma_wait3A_314 = tpu.memref_slice %arg11[%multiple_of3A_249] : memref<6400xi32, #tpu.memory_space<vmem>> -> memref<128xi32, #tpu.memory_space<vmem>>
    %dma_wait3A_315 = arith.constant 0 : i32
    %dma_wait3A_316 = arith.constant 0 : i32
    %dma_wait3A_317 = tpu.memref_slice %arg4[%dma_wait3A_315, %dma_wait3A_316] : memref<100000x128xf32, #tpu.memory_space<hbm>> -> memref<100000x128xf32, #tpu.memory_space<hbm>>
    tpu.wait_indirect_dma semaphore(%arg15 : memref<!tpu.dma_semaphore, #tpu.memory_space<semaphore_mem>>) src(%dma_wait3A_317 : memref<100000x128xf32, #tpu.memory_space<hbm>>) dst(%dma_wait3A_313 : memref<128x128xf32, #tpu.memory_space<vmem>>)
    %dma_wait3A_318 = arith.constant 128 : i32
    %dma_wait3A_319 = arith.constant 0 : i32
    %dma_wait3A_320 = tpu.memref_slice %arg12[%dma_wait3A_318, %dma_wait3A_319] : memref<200x128xf32, #tpu.memory_space<vmem>> -> memref<72x128xf32, #tpu.memory_space<vmem>>
    %dma_wait3A_321 = tpu.memref_slice %arg11[%add3A_258] : memref<6400xi32, #tpu.memory_space<vmem>> -> memref<72xi32, #tpu.memory_space<vmem>>
    %dma_wait3A_322 = arith.constant 0 : i32
    %dma_wait3A_323 = arith.constant 0 : i32
    %dma_wait3A_324 = tpu.memref_slice %arg4[%dma_wait3A_322, %dma_wait3A_323] : memref<100000x128xf32, #tpu.memory_space<hbm>> -> memref<100000x128xf32, #tpu.memory_space<hbm>>
    tpu.wait_indirect_dma semaphore(%arg15 : memref<!tpu.dma_semaphore, #tpu.memory_space<semaphore_mem>>) src(%dma_wait3A_324 : memref<100000x128xf32, #tpu.memory_space<hbm>>) dst(%dma_wait3A_320 : memref<72x128xf32, #tpu.memory_space<vmem>>)
    %add3A_325 = arith.constant 6 : i32
    %add3A_326 = arith.addi %multiple_of3A, %add3A_325 : i32
    %mul3A_327 = arith.constant 200 : i32
    %mul3A_328 = arith.muli %add3A_326, %mul3A_327 : i32
    %multiple_of3A_329 = tpu.assume_multiple %mul3A_328, 8 : i32
    %dma_start3A_330 = arith.constant 0 : i32
    %dma_start3A_331 = tpu.memref_slice %arg7[%multiple_of3A_329, %dma_start3A_330] : memref<204800x128xf32, #tpu.memory_space<hbm>> -> memref<200x128xf32, #tpu.memory_space<hbm>>
    %dma_start3A_332 = arith.constant 0 : i32
    %dma_start3A_333 = tpu.memref_slice %arg7[%multiple_of3A_329, %dma_start3A_332] : memref<204800x128xf32, #tpu.memory_space<hbm>> -> memref<200x128xf32, #tpu.memory_space<hbm>>
    tpu.enqueue_dma source(%arg12 : memref<200x128xf32, #tpu.memory_space<vmem>>) target(%dma_start3A_333 : memref<200x128xf32, #tpu.memory_space<hbm>>) target_semaphore(%arg18 : memref<!tpu.dma_semaphore, #tpu.memory_space<semaphore_mem>>)
    %dma_wait3A_334 = arith.constant 0 : i32
    %dma_wait3A_335 = tpu.memref_slice %arg7[%multiple_of3A_284, %dma_wait3A_334] : memref<204800x128xf32, #tpu.memory_space<hbm>> -> memref<200x128xf32, #tpu.memory_space<hbm>>
    %dma_wait3A_336 = arith.constant 0 : i32
    %dma_wait3A_337 = tpu.memref_slice %arg7[%multiple_of3A_284, %dma_wait3A_336] : memref<204800x128xf32, #tpu.memory_space<hbm>> -> memref<200x128xf32, #tpu.memory_space<hbm>>
    tpu.wait_dma2 semaphore(%arg20 : memref<!tpu.dma_semaphore, #tpu.memory_space<semaphore_mem>>) src(%arg14 : memref<200x128xf32, #tpu.memory_space<vmem>>) dst(%dma_wait3A_337 : memref<200x128xf32, #tpu.memory_space<hbm>>)
    %multiple_of3A_338 = arith.constant 1600 : i32
    %multiple_of3A_339 = tpu.assume_multiple %multiple_of3A_338, 8 : i32
    %dma_start3A_340 = arith.constant 0 : i32
    %dma_start3A_341 = arith.constant 0 : i32
    %dma_start3A_342 = tpu.memref_slice %arg14[%dma_start3A_340, %dma_start3A_341] : memref<200x128xf32, #tpu.memory_space<vmem>> -> memref<128x128xf32, #tpu.memory_space<vmem>>
    %dma_start3A_343 = tpu.memref_slice %arg11[%multiple_of3A_339] : memref<6400xi32, #tpu.memory_space<vmem>> -> memref<128xi32, #tpu.memory_space<vmem>>
    %dma_start3A_344 = arith.constant 0 : i32
    %dma_start3A_345 = arith.constant 0 : i32
    %dma_start3A_346 = tpu.memref_slice %arg4[%dma_start3A_344, %dma_start3A_345] : memref<100000x128xf32, #tpu.memory_space<hbm>> -> memref<100000x128xf32, #tpu.memory_space<hbm>>
    tpu.enqueue_indirect_dma source(%dma_start3A_346 : memref<100000x128xf32, #tpu.memory_space<hbm>>) target(%dma_start3A_342 : memref<128x128xf32, #tpu.memory_space<vmem>>) offsets(%dma_start3A_343 : memref<128xi32, #tpu.memory_space<vmem>>) semaphore(%arg17 : memref<!tpu.dma_semaphore, #tpu.memory_space<semaphore_mem>>)
    %add3A_347 = arith.constant 128 : i32
    %add3A_348 = arith.addi %multiple_of3A_339, %add3A_347 : i32
    %dma_start3A_349 = arith.constant 128 : i32
    %dma_start3A_350 = arith.constant 0 : i32
    %dma_start3A_351 = tpu.memref_slice %arg14[%dma_start3A_349, %dma_start3A_350] : memref<200x128xf32, #tpu.memory_space<vmem>> -> memref<72x128xf32, #tpu.memory_space<vmem>>
    %dma_start3A_352 = tpu.memref_slice %arg11[%add3A_348] : memref<6400xi32, #tpu.memory_space<vmem>> -> memref<72xi32, #tpu.memory_space<vmem>>
    %dma_start3A_353 = arith.constant 0 : i32
    %dma_start3A_354 = arith.constant 0 : i32
    %dma_start3A_355 = tpu.memref_slice %arg4[%dma_start3A_353, %dma_start3A_354] : memref<100000x128xf32, #tpu.memory_space<hbm>> -> memref<100000x128xf32, #tpu.memory_space<hbm>>
    tpu.enqueue_indirect_dma source(%dma_start3A_355 : memref<100000x128xf32, #tpu.memory_space<hbm>>) target(%dma_start3A_351 : memref<72x128xf32, #tpu.memory_space<vmem>>) offsets(%dma_start3A_352 : memref<72xi32, #tpu.memory_space<vmem>>) semaphore(%arg17 : memref<!tpu.dma_semaphore, #tpu.memory_space<semaphore_mem>>)
    %dma_wait3A_356 = arith.constant 0 : i32
    %dma_wait3A_357 = arith.constant 0 : i32
    %dma_wait3A_358 = tpu.memref_slice %arg13[%dma_wait3A_356, %dma_wait3A_357] : memref<200x128xf32, #tpu.memory_space<vmem>> -> memref<128x128xf32, #tpu.memory_space<vmem>>
    %dma_wait3A_359 = tpu.memref_slice %arg11[%multiple_of3A_294] : memref<6400xi32, #tpu.memory_space<vmem>> -> memref<128xi32, #tpu.memory_space<vmem>>
    %dma_wait3A_360 = arith.constant 0 : i32
    %dma_wait3A_361 = arith.constant 0 : i32
    %dma_wait3A_362 = tpu.memref_slice %arg4[%dma_wait3A_360, %dma_wait3A_361] : memref<100000x128xf32, #tpu.memory_space<hbm>> -> memref<100000x128xf32, #tpu.memory_space<hbm>>
    tpu.wait_indirect_dma semaphore(%arg16 : memref<!tpu.dma_semaphore, #tpu.memory_space<semaphore_mem>>) src(%dma_wait3A_362 : memref<100000x128xf32, #tpu.memory_space<hbm>>) dst(%dma_wait3A_358 : memref<128x128xf32, #tpu.memory_space<vmem>>)
    %dma_wait3A_363 = arith.constant 128 : i32
    %dma_wait3A_364 = arith.constant 0 : i32
    %dma_wait3A_365 = tpu.memref_slice %arg13[%dma_wait3A_363, %dma_wait3A_364] : memref<200x128xf32, #tpu.memory_space<vmem>> -> memref<72x128xf32, #tpu.memory_space<vmem>>
    %dma_wait3A_366 = tpu.memref_slice %arg11[%add3A_303] : memref<6400xi32, #tpu.memory_space<vmem>> -> memref<72xi32, #tpu.memory_space<vmem>>
    %dma_wait3A_367 = arith.constant 0 : i32
    %dma_wait3A_368 = arith.constant 0 : i32
    %dma_wait3A_369 = tpu.memref_slice %arg4[%dma_wait3A_367, %dma_wait3A_368] : memref<100000x128xf32, #tpu.memory_space<hbm>> -> memref<100000x128xf32, #tpu.memory_space<hbm>>
    tpu.wait_indirect_dma semaphore(%arg16 : memref<!tpu.dma_semaphore, #tpu.memory_space<semaphore_mem>>) src(%dma_wait3A_369 : memref<100000x128xf32, #tpu.memory_space<hbm>>) dst(%dma_wait3A_365 : memref<72x128xf32, #tpu.memory_space<vmem>>)
    %add3A_370 = arith.constant 7 : i32
    %add3A_371 = arith.addi %multiple_of3A, %add3A_370 : i32
    %mul3A_372 = arith.constant 200 : i32
    %mul3A_373 = arith.muli %add3A_371, %mul3A_372 : i32
    %multiple_of3A_374 = tpu.assume_multiple %mul3A_373, 8 : i32
    %dma_start3A_375 = arith.constant 0 : i32
    %dma_start3A_376 = tpu.memref_slice %arg7[%multiple_of3A_374, %dma_start3A_375] : memref<204800x128xf32, #tpu.memory_space<hbm>> -> memref<200x128xf32, #tpu.memory_space<hbm>>
    %dma_start3A_377 = arith.constant 0 : i32
    %dma_start3A_378 = tpu.memref_slice %arg7[%multiple_of3A_374, %dma_start3A_377] : memref<204800x128xf32, #tpu.memory_space<hbm>> -> memref<200x128xf32, #tpu.memory_space<hbm>>
    tpu.enqueue_dma source(%arg13 : memref<200x128xf32, #tpu.memory_space<vmem>>) target(%dma_start3A_378 : memref<200x128xf32, #tpu.memory_space<hbm>>) target_semaphore(%arg19 : memref<!tpu.dma_semaphore, #tpu.memory_space<semaphore_mem>>)
    %dma_wait3A_379 = arith.constant 0 : i32
    %dma_wait3A_380 = tpu.memref_slice %arg7[%multiple_of3A_329, %dma_wait3A_379] : memref<204800x128xf32, #tpu.memory_space<hbm>> -> memref<200x128xf32, #tpu.memory_space<hbm>>
    %dma_wait3A_381 = arith.constant 0 : i32
    %dma_wait3A_382 = tpu.memref_slice %arg7[%multiple_of3A_329, %dma_wait3A_381] : memref<204800x128xf32, #tpu.memory_space<hbm>> -> memref<200x128xf32, #tpu.memory_space<hbm>>
    tpu.wait_dma2 semaphore(%arg18 : memref<!tpu.dma_semaphore, #tpu.memory_space<semaphore_mem>>) src(%arg12 : memref<200x128xf32, #tpu.memory_space<vmem>>) dst(%dma_wait3A_382 : memref<200x128xf32, #tpu.memory_space<hbm>>)
    %multiple_of3A_383 = arith.constant 1800 : i32
    %multiple_of3A_384 = tpu.assume_multiple %multiple_of3A_383, 8 : i32
    %dma_start3A_385 = arith.constant 0 : i32
    %dma_start3A_386 = arith.constant 0 : i32
    %dma_start3A_387 = tpu.memref_slice %arg12[%dma_start3A_385, %dma_start3A_386] : memref<200x128xf32, #tpu.memory_space<vmem>> -> memref<128x128xf32, #tpu.memory_space<vmem>>
    %dma_start3A_388 = tpu.memref_slice %arg11[%multiple_of3A_384] : memref<6400xi32, #tpu.memory_space<vmem>> -> memref<128xi32, #tpu.memory_space<vmem>>
    %dma_start3A_389 = arith.constant 0 : i32
    %dma_start3A_390 = arith.constant 0 : i32
    %dma_start3A_391 = tpu.memref_slice %arg4[%dma_start3A_389, %dma_start3A_390] : memref<100000x128xf32, #tpu.memory_space<hbm>> -> memref<100000x128xf32, #tpu.memory_space<hbm>>
    tpu.enqueue_indirect_dma source(%dma_start3A_391 : memref<100000x128xf32, #tpu.memory_space<hbm>>) target(%dma_start3A_387 : memref<128x128xf32, #tpu.memory_space<vmem>>) offsets(%dma_start3A_388 : memref<128xi32, #tpu.memory_space<vmem>>) semaphore(%arg15 : memref<!tpu.dma_semaphore, #tpu.memory_space<semaphore_mem>>)
    %add3A_392 = arith.constant 128 : i32
    %add3A_393 = arith.addi %multiple_of3A_384, %add3A_392 : i32
    %dma_start3A_394 = arith.constant 128 : i32
    %dma_start3A_395 = arith.constant 0 : i32
    %dma_start3A_396 = tpu.memref_slice %arg12[%dma_start3A_394, %dma_start3A_395] : memref<200x128xf32, #tpu.memory_space<vmem>> -> memref<72x128xf32, #tpu.memory_space<vmem>>
    %dma_start3A_397 = tpu.memref_slice %arg11[%add3A_393] : memref<6400xi32, #tpu.memory_space<vmem>> -> memref<72xi32, #tpu.memory_space<vmem>>
    %dma_start3A_398 = arith.constant 0 : i32
    %dma_start3A_399 = arith.constant 0 : i32
    %dma_start3A_400 = tpu.memref_slice %arg4[%dma_start3A_398, %dma_start3A_399] : memref<100000x128xf32, #tpu.memory_space<hbm>> -> memref<100000x128xf32, #tpu.memory_space<hbm>>
    tpu.enqueue_indirect_dma source(%dma_start3A_400 : memref<100000x128xf32, #tpu.memory_space<hbm>>) target(%dma_start3A_396 : memref<72x128xf32, #tpu.memory_space<vmem>>) offsets(%dma_start3A_397 : memref<72xi32, #tpu.memory_space<vmem>>) semaphore(%arg15 : memref<!tpu.dma_semaphore, #tpu.memory_space<semaphore_mem>>)
    %dma_wait3A_401 = arith.constant 0 : i32
    %dma_wait3A_402 = arith.constant 0 : i32
    %dma_wait3A_403 = tpu.memref_slice %arg14[%dma_wait3A_401, %dma_wait3A_402] : memref<200x128xf32, #tpu.memory_space<vmem>> -> memref<128x128xf32, #tpu.memory_space<vmem>>
    %dma_wait3A_404 = tpu.memref_slice %arg11[%multiple_of3A_339] : memref<6400xi32, #tpu.memory_space<vmem>> -> memref<128xi32, #tpu.memory_space<vmem>>
    %dma_wait3A_405 = arith.constant 0 : i32
    %dma_wait3A_406 = arith.constant 0 : i32
    %dma_wait3A_407 = tpu.memref_slice %arg4[%dma_wait3A_405, %dma_wait3A_406] : memref<100000x128xf32, #tpu.memory_space<hbm>> -> memref<100000x128xf32, #tpu.memory_space<hbm>>
    tpu.wait_indirect_dma semaphore(%arg17 : memref<!tpu.dma_semaphore, #tpu.memory_space<semaphore_mem>>) src(%dma_wait3A_407 : memref<100000x128xf32, #tpu.memory_space<hbm>>) dst(%dma_wait3A_403 : memref<128x128xf32, #tpu.memory_space<vmem>>)
    %dma_wait3A_408 = arith.constant 128 : i32
    %dma_wait3A_409 = arith.constant 0 : i32
    %dma_wait3A_410 = tpu.memref_slice %arg14[%dma_wait3A_408, %dma_wait3A_409] : memref<200x128xf32, #tpu.memory_space<vmem>> -> memref<72x128xf32, #tpu.memory_space<vmem>>
    %dma_wait3A_411 = tpu.memref_slice %arg11[%add3A_348] : memref<6400xi32, #tpu.memory_space<vmem>> -> memref<72xi32, #tpu.memory_space<vmem>>
    %dma_wait3A_412 = arith.constant 0 : i32
    %dma_wait3A_413 = arith.constant 0 : i32
    %dma_wait3A_414 = tpu.memref_slice %arg4[%dma_wait3A_412, %dma_wait3A_413] : memref<100000x128xf32, #tpu.memory_space<hbm>> -> memref<100000x128xf32, #tpu.memory_space<hbm>>
    tpu.wait_indirect_dma semaphore(%arg17 : memref<!tpu.dma_semaphore, #tpu.memory_space<semaphore_mem>>) src(%dma_wait3A_414 : memref<100000x128xf32, #tpu.memory_space<hbm>>) dst(%dma_wait3A_410 : memref<72x128xf32, #tpu.memory_space<vmem>>)
    %add3A_415 = arith.constant 8 : i32
    %add3A_416 = arith.addi %multiple_of3A, %add3A_415 : i32
    %mul3A_417 = arith.constant 200 : i32
    %mul3A_418 = arith.muli %add3A_416, %mul3A_417 : i32
    %multiple_of3A_419 = tpu.assume_multiple %mul3A_418, 8 : i32
    %dma_start3A_420 = arith.constant 0 : i32
    %dma_start3A_421 = tpu.memref_slice %arg7[%multiple_of3A_419, %dma_start3A_420] : memref<204800x128xf32, #tpu.memory_space<hbm>> -> memref<200x128xf32, #tpu.memory_space<hbm>>
    %dma_start3A_422 = arith.constant 0 : i32
    %dma_start3A_423 = tpu.memref_slice %arg7[%multiple_of3A_419, %dma_start3A_422] : memref<204800x128xf32, #tpu.memory_space<hbm>> -> memref<200x128xf32, #tpu.memory_space<hbm>>
    tpu.enqueue_dma source(%arg14 : memref<200x128xf32, #tpu.memory_space<vmem>>) target(%dma_start3A_423 : memref<200x128xf32, #tpu.memory_space<hbm>>) target_semaphore(%arg20 : memref<!tpu.dma_semaphore, #tpu.memory_space<semaphore_mem>>)
    %dma_wait3A_424 = arith.constant 0 : i32
    %dma_wait3A_425 = tpu.memref_slice %arg7[%multiple_of3A_374, %dma_wait3A_424] : memref<204800x128xf32, #tpu.memory_space<hbm>> -> memref<200x128xf32, #tpu.memory_space<hbm>>
    %dma_wait3A_426 = arith.constant 0 : i32
    %dma_wait3A_427 = tpu.memref_slice %arg7[%multiple_of3A_374, %dma_wait3A_426] : memref<204800x128xf32, #tpu.memory_space<hbm>> -> memref<200x128xf32, #tpu.memory_space<hbm>>
    tpu.wait_dma2 semaphore(%arg19 : memref<!tpu.dma_semaphore, #tpu.memory_space<semaphore_mem>>) src(%arg13 : memref<200x128xf32, #tpu.memory_space<vmem>>) dst(%dma_wait3A_427 : memref<200x128xf32, #tpu.memory_space<hbm>>)
    %multiple_of3A_428 = arith.constant 2000 : i32
    %multiple_of3A_429 = tpu.assume_multiple %multiple_of3A_428, 8 : i32
    %dma_start3A_430 = arith.constant 0 : i32
    %dma_start3A_431 = arith.constant 0 : i32
    %dma_start3A_432 = tpu.memref_slice %arg13[%dma_start3A_430, %dma_start3A_431] : memref<200x128xf32, #tpu.memory_space<vmem>> -> memref<128x128xf32, #tpu.memory_space<vmem>>
    %dma_start3A_433 = tpu.memref_slice %arg11[%multiple_of3A_429] : memref<6400xi32, #tpu.memory_space<vmem>> -> memref<128xi32, #tpu.memory_space<vmem>>
    %dma_start3A_434 = arith.constant 0 : i32
    %dma_start3A_435 = arith.constant 0 : i32
    %dma_start3A_436 = tpu.memref_slice %arg4[%dma_start3A_434, %dma_start3A_435] : memref<100000x128xf32, #tpu.memory_space<hbm>> -> memref<100000x128xf32, #tpu.memory_space<hbm>>
    tpu.enqueue_indirect_dma source(%dma_start3A_436 : memref<100000x128xf32, #tpu.memory_space<hbm>>) target(%dma_start3A_432 : memref<128x128xf32, #tpu.memory_space<vmem>>) offsets(%dma_start3A_433 : memref<128xi32, #tpu.memory_space<vmem>>) semaphore(%arg16 : memref<!tpu.dma_semaphore, #tpu.memory_space<semaphore_mem>>)
    %add3A_437 = arith.constant 128 : i32
    %add3A_438 = arith.addi %multiple_of3A_429, %add3A_437 : i32
    %dma_start3A_439 = arith.constant 128 : i32
    %dma_start3A_440 = arith.constant 0 : i32
    %dma_start3A_441 = tpu.memref_slice %arg13[%dma_start3A_439, %dma_start3A_440] : memref<200x128xf32, #tpu.memory_space<vmem>> -> memref<72x128xf32, #tpu.memory_space<vmem>>
    %dma_start3A_442 = tpu.memref_slice %arg11[%add3A_438] : memref<6400xi32, #tpu.memory_space<vmem>> -> memref<72xi32, #tpu.memory_space<vmem>>
    %dma_start3A_443 = arith.constant 0 : i32
    %dma_start3A_444 = arith.constant 0 : i32
    %dma_start3A_445 = tpu.memref_slice %arg4[%dma_start3A_443, %dma_start3A_444] : memref<100000x128xf32, #tpu.memory_space<hbm>> -> memref<100000x128xf32, #tpu.memory_space<hbm>>
    tpu.enqueue_indirect_dma source(%dma_start3A_445 : memref<100000x128xf32, #tpu.memory_space<hbm>>) target(%dma_start3A_441 : memref<72x128xf32, #tpu.memory_space<vmem>>) offsets(%dma_start3A_442 : memref<72xi32, #tpu.memory_space<vmem>>) semaphore(%arg16 : memref<!tpu.dma_semaphore, #tpu.memory_space<semaphore_mem>>)
    %dma_wait3A_446 = arith.constant 0 : i32
    %dma_wait3A_447 = arith.constant 0 : i32
    %dma_wait3A_448 = tpu.memref_slice %arg12[%dma_wait3A_446, %dma_wait3A_447] : memref<200x128xf32, #tpu.memory_space<vmem>> -> memref<128x128xf32, #tpu.memory_space<vmem>>
    %dma_wait3A_449 = tpu.memref_slice %arg11[%multiple_of3A_384] : memref<6400xi32, #tpu.memory_space<vmem>> -> memref<128xi32, #tpu.memory_space<vmem>>
    %dma_wait3A_450 = arith.constant 0 : i32
    %dma_wait3A_451 = arith.constant 0 : i32
    %dma_wait3A_452 = tpu.memref_slice %arg4[%dma_wait3A_450, %dma_wait3A_451] : memref<100000x128xf32, #tpu.memory_space<hbm>> -> memref<100000x128xf32, #tpu.memory_space<hbm>>
    tpu.wait_indirect_dma semaphore(%arg15 : memref<!tpu.dma_semaphore, #tpu.memory_space<semaphore_mem>>) src(%dma_wait3A_452 : memref<100000x128xf32, #tpu.memory_space<hbm>>) dst(%dma_wait3A_448 : memref<128x128xf32, #tpu.memory_space<vmem>>)
    %dma_wait3A_453 = arith.constant 128 : i32
    %dma_wait3A_454 = arith.constant 0 : i32
    %dma_wait3A_455 = tpu.memref_slice %arg12[%dma_wait3A_453, %dma_wait3A_454] : memref<200x128xf32, #tpu.memory_space<vmem>> -> memref<72x128xf32, #tpu.memory_space<vmem>>
    %dma_wait3A_456 = tpu.memref_slice %arg11[%add3A_393] : memref<6400xi32, #tpu.memory_space<vmem>> -> memref<72xi32, #tpu.memory_space<vmem>>
    %dma_wait3A_457 = arith.constant 0 : i32
    %dma_wait3A_458 = arith.constant 0 : i32
    %dma_wait3A_459 = tpu.memref_slice %arg4[%dma_wait3A_457, %dma_wait3A_458] : memref<100000x128xf32, #tpu.memory_space<hbm>> -> memref<100000x128xf32, #tpu.memory_space<hbm>>
    tpu.wait_indirect_dma semaphore(%arg15 : memref<!tpu.dma_semaphore, #tpu.memory_space<semaphore_mem>>) src(%dma_wait3A_459 : memref<100000x128xf32, #tpu.memory_space<hbm>>) dst(%dma_wait3A_455 : memref<72x128xf32, #tpu.memory_space<vmem>>)
    %add3A_460 = arith.constant 9 : i32
    %add3A_461 = arith.addi %multiple_of3A, %add3A_460 : i32
    %mul3A_462 = arith.constant 200 : i32
    %mul3A_463 = arith.muli %add3A_461, %mul3A_462 : i32
    %multiple_of3A_464 = tpu.assume_multiple %mul3A_463, 8 : i32
    %dma_start3A_465 = arith.constant 0 : i32
    %dma_start3A_466 = tpu.memref_slice %arg7[%multiple_of3A_464, %dma_start3A_465] : memref<204800x128xf32, #tpu.memory_space<hbm>> -> memref<200x128xf32, #tpu.memory_space<hbm>>
    %dma_start3A_467 = arith.constant 0 : i32
    %dma_start3A_468 = tpu.memref_slice %arg7[%multiple_of3A_464, %dma_start3A_467] : memref<204800x128xf32, #tpu.memory_space<hbm>> -> memref<200x128xf32, #tpu.memory_space<hbm>>
    tpu.enqueue_dma source(%arg12 : memref<200x128xf32, #tpu.memory_space<vmem>>) target(%dma_start3A_468 : memref<200x128xf32, #tpu.memory_space<hbm>>) target_semaphore(%arg18 : memref<!tpu.dma_semaphore, #tpu.memory_space<semaphore_mem>>)
    %dma_wait3A_469 = arith.constant 0 : i32
    %dma_wait3A_470 = tpu.memref_slice %arg7[%multiple_of3A_419, %dma_wait3A_469] : memref<204800x128xf32, #tpu.memory_space<hbm>> -> memref<200x128xf32, #tpu.memory_space<hbm>>
    %dma_wait3A_471 = arith.constant 0 : i32
    %dma_wait3A_472 = tpu.memref_slice %arg7[%multiple_of3A_419, %dma_wait3A_471] : memref<204800x128xf32, #tpu.memory_space<hbm>> -> memref<200x128xf32, #tpu.memory_space<hbm>>
    tpu.wait_dma2 semaphore(%arg20 : memref<!tpu.dma_semaphore, #tpu.memory_space<semaphore_mem>>) src(%arg14 : memref<200x128xf32, #tpu.memory_space<vmem>>) dst(%dma_wait3A_472 : memref<200x128xf32, #tpu.memory_space<hbm>>)
    %multiple_of3A_473 = arith.constant 2200 : i32
    %multiple_of3A_474 = tpu.assume_multiple %multiple_of3A_473, 8 : i32
    %dma_start3A_475 = arith.constant 0 : i32
    %dma_start3A_476 = arith.constant 0 : i32
    %dma_start3A_477 = tpu.memref_slice %arg14[%dma_start3A_475, %dma_start3A_476] : memref<200x128xf32, #tpu.memory_space<vmem>> -> memref<128x128xf32, #tpu.memory_space<vmem>>
    %dma_start3A_478 = tpu.memref_slice %arg11[%multiple_of3A_474] : memref<6400xi32, #tpu.memory_space<vmem>> -> memref<128xi32, #tpu.memory_space<vmem>>
    %dma_start3A_479 = arith.constant 0 : i32
    %dma_start3A_480 = arith.constant 0 : i32
    %dma_start3A_481 = tpu.memref_slice %arg4[%dma_start3A_479, %dma_start3A_480] : memref<100000x128xf32, #tpu.memory_space<hbm>> -> memref<100000x128xf32, #tpu.memory_space<hbm>>
    tpu.enqueue_indirect_dma source(%dma_start3A_481 : memref<100000x128xf32, #tpu.memory_space<hbm>>) target(%dma_start3A_477 : memref<128x128xf32, #tpu.memory_space<vmem>>) offsets(%dma_start3A_478 : memref<128xi32, #tpu.memory_space<vmem>>) semaphore(%arg17 : memref<!tpu.dma_semaphore, #tpu.memory_space<semaphore_mem>>)
    %add3A_482 = arith.constant 128 : i32
    %add3A_483 = arith.addi %multiple_of3A_474, %add3A_482 : i32
    %dma_start3A_484 = arith.constant 128 : i32
    %dma_start3A_485 = arith.constant 0 : i32
    %dma_start3A_486 = tpu.memref_slice %arg14[%dma_start3A_484, %dma_start3A_485] : memref<200x128xf32, #tpu.memory_space<vmem>> -> memref<72x128xf32, #tpu.memory_space<vmem>>
    %dma_start3A_487 = tpu.memref_slice %arg11[%add3A_483] : memref<6400xi32, #tpu.memory_space<vmem>> -> memref<72xi32, #tpu.memory_space<vmem>>
    %dma_start3A_488 = arith.constant 0 : i32
    %dma_start3A_489 = arith.constant 0 : i32
    %dma_start3A_490 = tpu.memref_slice %arg4[%dma_start3A_488, %dma_start3A_489] : memref<100000x128xf32, #tpu.memory_space<hbm>> -> memref<100000x128xf32, #tpu.memory_space<hbm>>
    tpu.enqueue_indirect_dma source(%dma_start3A_490 : memref<100000x128xf32, #tpu.memory_space<hbm>>) target(%dma_start3A_486 : memref<72x128xf32, #tpu.memory_space<vmem>>) offsets(%dma_start3A_487 : memref<72xi32, #tpu.memory_space<vmem>>) semaphore(%arg17 : memref<!tpu.dma_semaphore, #tpu.memory_space<semaphore_mem>>)
    %dma_wait3A_491 = arith.constant 0 : i32
    %dma_wait3A_492 = arith.constant 0 : i32
    %dma_wait3A_493 = tpu.memref_slice %arg13[%dma_wait3A_491, %dma_wait3A_492] : memref<200x128xf32, #tpu.memory_space<vmem>> -> memref<128x128xf32, #tpu.memory_space<vmem>>
    %dma_wait3A_494 = tpu.memref_slice %arg11[%multiple_of3A_429] : memref<6400xi32, #tpu.memory_space<vmem>> -> memref<128xi32, #tpu.memory_space<vmem>>
    %dma_wait3A_495 = arith.constant 0 : i32
    %dma_wait3A_496 = arith.constant 0 : i32
    %dma_wait3A_497 = tpu.memref_slice %arg4[%dma_wait3A_495, %dma_wait3A_496] : memref<100000x128xf32, #tpu.memory_space<hbm>> -> memref<100000x128xf32, #tpu.memory_space<hbm>>
    tpu.wait_indirect_dma semaphore(%arg16 : memref<!tpu.dma_semaphore, #tpu.memory_space<semaphore_mem>>) src(%dma_wait3A_497 : memref<100000x128xf32, #tpu.memory_space<hbm>>) dst(%dma_wait3A_493 : memref<128x128xf32, #tpu.memory_space<vmem>>)
    %dma_wait3A_498 = arith.constant 128 : i32
    %dma_wait3A_499 = arith.constant 0 : i32
    %dma_wait3A_500 = tpu.memref_slice %arg13[%dma_wait3A_498, %dma_wait3A_499] : memref<200x128xf32, #tpu.memory_space<vmem>> -> memref<72x128xf32, #tpu.memory_space<vmem>>
    %dma_wait3A_501 = tpu.memref_slice %arg11[%add3A_438] : memref<6400xi32, #tpu.memory_space<vmem>> -> memref<72xi32, #tpu.memory_space<vmem>>
    %dma_wait3A_502 = arith.constant 0 : i32
    %dma_wait3A_503 = arith.constant 0 : i32
    %dma_wait3A_504 = tpu.memref_slice %arg4[%dma_wait3A_502, %dma_wait3A_503] : memref<100000x128xf32, #tpu.memory_space<hbm>> -> memref<100000x128xf32, #tpu.memory_space<hbm>>
    tpu.wait_indirect_dma semaphore(%arg16 : memref<!tpu.dma_semaphore, #tpu.memory_space<semaphore_mem>>) src(%dma_wait3A_504 : memref<100000x128xf32, #tpu.memory_space<hbm>>) dst(%dma_wait3A_500 : memref<72x128xf32, #tpu.memory_space<vmem>>)
    %add3A_505 = arith.constant 10 : i32
    %add3A_506 = arith.addi %multiple_of3A, %add3A_505 : i32
    %mul3A_507 = arith.constant 200 : i32
    %mul3A_508 = arith.muli %add3A_506, %mul3A_507 : i32
    %multiple_of3A_509 = tpu.assume_multiple %mul3A_508, 8 : i32
    %dma_start3A_510 = arith.constant 0 : i32
    %dma_start3A_511 = tpu.memref_slice %arg7[%multiple_of3A_509, %dma_start3A_510] : memref<204800x128xf32, #tpu.memory_space<hbm>> -> memref<200x128xf32, #tpu.memory_space<hbm>>
    %dma_start3A_512 = arith.constant 0 : i32
    %dma_start3A_513 = tpu.memref_slice %arg7[%multiple_of3A_509, %dma_start3A_512] : memref<204800x128xf32, #tpu.memory_space<hbm>> -> memref<200x128xf32, #tpu.memory_space<hbm>>
    tpu.enqueue_dma source(%arg13 : memref<200x128xf32, #tpu.memory_space<vmem>>) target(%dma_start3A_513 : memref<200x128xf32, #tpu.memory_space<hbm>>) target_semaphore(%arg19 : memref<!tpu.dma_semaphore, #tpu.memory_space<semaphore_mem>>)
    %dma_wait3A_514 = arith.constant 0 : i32
    %dma_wait3A_515 = tpu.memref_slice %arg7[%multiple_of3A_464, %dma_wait3A_514] : memref<204800x128xf32, #tpu.memory_space<hbm>> -> memref<200x128xf32, #tpu.memory_space<hbm>>
    %dma_wait3A_516 = arith.constant 0 : i32
    %dma_wait3A_517 = tpu.memref_slice %arg7[%multiple_of3A_464, %dma_wait3A_516] : memref<204800x128xf32, #tpu.memory_space<hbm>> -> memref<200x128xf32, #tpu.memory_space<hbm>>
    tpu.wait_dma2 semaphore(%arg18 : memref<!tpu.dma_semaphore, #tpu.memory_space<semaphore_mem>>) src(%arg12 : memref<200x128xf32, #tpu.memory_space<vmem>>) dst(%dma_wait3A_517 : memref<200x128xf32, #tpu.memory_space<hbm>>)
    %multiple_of3A_518 = arith.constant 2400 : i32
    %multiple_of3A_519 = tpu.assume_multiple %multiple_of3A_518, 8 : i32
    %dma_start3A_520 = arith.constant 0 : i32
    %dma_start3A_521 = arith.constant 0 : i32
    %dma_start3A_522 = tpu.memref_slice %arg12[%dma_start3A_520, %dma_start3A_521] : memref<200x128xf32, #tpu.memory_space<vmem>> -> memref<128x128xf32, #tpu.memory_space<vmem>>
    %dma_start3A_523 = tpu.memref_slice %arg11[%multiple_of3A_519] : memref<6400xi32, #tpu.memory_space<vmem>> -> memref<128xi32, #tpu.memory_space<vmem>>
    %dma_start3A_524 = arith.constant 0 : i32
    %dma_start3A_525 = arith.constant 0 : i32
    %dma_start3A_526 = tpu.memref_slice %arg4[%dma_start3A_524, %dma_start3A_525] : memref<100000x128xf32, #tpu.memory_space<hbm>> -> memref<100000x128xf32, #tpu.memory_space<hbm>>
    tpu.enqueue_indirect_dma source(%dma_start3A_526 : memref<100000x128xf32, #tpu.memory_space<hbm>>) target(%dma_start3A_522 : memref<128x128xf32, #tpu.memory_space<vmem>>) offsets(%dma_start3A_523 : memref<128xi32, #tpu.memory_space<vmem>>) semaphore(%arg15 : memref<!tpu.dma_semaphore, #tpu.memory_space<semaphore_mem>>)
    %add3A_527 = arith.constant 128 : i32
    %add3A_528 = arith.addi %multiple_of3A_519, %add3A_527 : i32
    %dma_start3A_529 = arith.constant 128 : i32
    %dma_start3A_530 = arith.constant 0 : i32
    %dma_start3A_531 = tpu.memref_slice %arg12[%dma_start3A_529, %dma_start3A_530] : memref<200x128xf32, #tpu.memory_space<vmem>> -> memref<72x128xf32, #tpu.memory_space<vmem>>
    %dma_start3A_532 = tpu.memref_slice %arg11[%add3A_528] : memref<6400xi32, #tpu.memory_space<vmem>> -> memref<72xi32, #tpu.memory_space<vmem>>
    %dma_start3A_533 = arith.constant 0 : i32
    %dma_start3A_534 = arith.constant 0 : i32
    %dma_start3A_535 = tpu.memref_slice %arg4[%dma_start3A_533, %dma_start3A_534] : memref<100000x128xf32, #tpu.memory_space<hbm>> -> memref<100000x128xf32, #tpu.memory_space<hbm>>
    tpu.enqueue_indirect_dma source(%dma_start3A_535 : memref<100000x128xf32, #tpu.memory_space<hbm>>) target(%dma_start3A_531 : memref<72x128xf32, #tpu.memory_space<vmem>>) offsets(%dma_start3A_532 : memref<72xi32, #tpu.memory_space<vmem>>) semaphore(%arg15 : memref<!tpu.dma_semaphore, #tpu.memory_space<semaphore_mem>>)
    %dma_wait3A_536 = arith.constant 0 : i32
    %dma_wait3A_537 = arith.constant 0 : i32
    %dma_wait3A_538 = tpu.memref_slice %arg14[%dma_wait3A_536, %dma_wait3A_537] : memref<200x128xf32, #tpu.memory_space<vmem>> -> memref<128x128xf32, #tpu.memory_space<vmem>>
    %dma_wait3A_539 = tpu.memref_slice %arg11[%multiple_of3A_474] : memref<6400xi32, #tpu.memory_space<vmem>> -> memref<128xi32, #tpu.memory_space<vmem>>
    %dma_wait3A_540 = arith.constant 0 : i32
    %dma_wait3A_541 = arith.constant 0 : i32
    %dma_wait3A_542 = tpu.memref_slice %arg4[%dma_wait3A_540, %dma_wait3A_541] : memref<100000x128xf32, #tpu.memory_space<hbm>> -> memref<100000x128xf32, #tpu.memory_space<hbm>>
    tpu.wait_indirect_dma semaphore(%arg17 : memref<!tpu.dma_semaphore, #tpu.memory_space<semaphore_mem>>) src(%dma_wait3A_542 : memref<100000x128xf32, #tpu.memory_space<hbm>>) dst(%dma_wait3A_538 : memref<128x128xf32, #tpu.memory_space<vmem>>)
    %dma_wait3A_543 = arith.constant 128 : i32
    %dma_wait3A_544 = arith.constant 0 : i32
    %dma_wait3A_545 = tpu.memref_slice %arg14[%dma_wait3A_543, %dma_wait3A_544] : memref<200x128xf32, #tpu.memory_space<vmem>> -> memref<72x128xf32, #tpu.memory_space<vmem>>
    %dma_wait3A_546 = tpu.memref_slice %arg11[%add3A_483] : memref<6400xi32, #tpu.memory_space<vmem>> -> memref<72xi32, #tpu.memory_space<vmem>>
    %dma_wait3A_547 = arith.constant 0 : i32
    %dma_wait3A_548 = arith.constant 0 : i32
    %dma_wait3A_549 = tpu.memref_slice %arg4[%dma_wait3A_547, %dma_wait3A_548] : memref<100000x128xf32, #tpu.memory_space<hbm>> -> memref<100000x128xf32, #tpu.memory_space<hbm>>
    tpu.wait_indirect_dma semaphore(%arg17 : memref<!tpu.dma_semaphore, #tpu.memory_space<semaphore_mem>>) src(%dma_wait3A_549 : memref<100000x128xf32, #tpu.memory_space<hbm>>) dst(%dma_wait3A_545 : memref<72x128xf32, #tpu.memory_space<vmem>>)
    %add3A_550 = arith.constant 11 : i32
    %add3A_551 = arith.addi %multiple_of3A, %add3A_550 : i32
    %mul3A_552 = arith.constant 200 : i32
    %mul3A_553 = arith.muli %add3A_551, %mul3A_552 : i32
    %multiple_of3A_554 = tpu.assume_multiple %mul3A_553, 8 : i32
    %dma_start3A_555 = arith.constant 0 : i32
    %dma_start3A_556 = tpu.memref_slice %arg7[%multiple_of3A_554, %dma_start3A_555] : memref<204800x128xf32, #tpu.memory_space<hbm>> -> memref<200x128xf32, #tpu.memory_space<hbm>>
    %dma_start3A_557 = arith.constant 0 : i32
    %dma_start3A_558 = tpu.memref_slice %arg7[%multiple_of3A_554, %dma_start3A_557] : memref<204800x128xf32, #tpu.memory_space<hbm>> -> memref<200x128xf32, #tpu.memory_space<hbm>>
    tpu.enqueue_dma source(%arg14 : memref<200x128xf32, #tpu.memory_space<vmem>>) target(%dma_start3A_558 : memref<200x128xf32, #tpu.memory_space<hbm>>) target_semaphore(%arg20 : memref<!tpu.dma_semaphore, #tpu.memory_space<semaphore_mem>>)
    %dma_wait3A_559 = arith.constant 0 : i32
    %dma_wait3A_560 = tpu.memref_slice %arg7[%multiple_of3A_509, %dma_wait3A_559] : memref<204800x128xf32, #tpu.memory_space<hbm>> -> memref<200x128xf32, #tpu.memory_space<hbm>>
    %dma_wait3A_561 = arith.constant 0 : i32
    %dma_wait3A_562 = tpu.memref_slice %arg7[%multiple_of3A_509, %dma_wait3A_561] : memref<204800x128xf32, #tpu.memory_space<hbm>> -> memref<200x128xf32, #tpu.memory_space<hbm>>
    tpu.wait_dma2 semaphore(%arg19 : memref<!tpu.dma_semaphore, #tpu.memory_space<semaphore_mem>>) src(%arg13 : memref<200x128xf32, #tpu.memory_space<vmem>>) dst(%dma_wait3A_562 : memref<200x128xf32, #tpu.memory_space<hbm>>)
    %multiple_of3A_563 = arith.constant 2600 : i32
    %multiple_of3A_564 = tpu.assume_multiple %multiple_of3A_563, 8 : i32
    %dma_start3A_565 = arith.constant 0 : i32
    %dma_start3A_566 = arith.constant 0 : i32
    %dma_start3A_567 = tpu.memref_slice %arg13[%dma_start3A_565, %dma_start3A_566] : memref<200x128xf32, #tpu.memory_space<vmem>> -> memref<128x128xf32, #tpu.memory_space<vmem>>
    %dma_start3A_568 = tpu.memref_slice %arg11[%multiple_of3A_564] : memref<6400xi32, #tpu.memory_space<vmem>> -> memref<128xi32, #tpu.memory_space<vmem>>
    %dma_start3A_569 = arith.constant 0 : i32
    %dma_start3A_570 = arith.constant 0 : i32
    %dma_start3A_571 = tpu.memref_slice %arg4[%dma_start3A_569, %dma_start3A_570] : memref<100000x128xf32, #tpu.memory_space<hbm>> -> memref<100000x128xf32, #tpu.memory_space<hbm>>
    tpu.enqueue_indirect_dma source(%dma_start3A_571 : memref<100000x128xf32, #tpu.memory_space<hbm>>) target(%dma_start3A_567 : memref<128x128xf32, #tpu.memory_space<vmem>>) offsets(%dma_start3A_568 : memref<128xi32, #tpu.memory_space<vmem>>) semaphore(%arg16 : memref<!tpu.dma_semaphore, #tpu.memory_space<semaphore_mem>>)
    %add3A_572 = arith.constant 128 : i32
    %add3A_573 = arith.addi %multiple_of3A_564, %add3A_572 : i32
    %dma_start3A_574 = arith.constant 128 : i32
    %dma_start3A_575 = arith.constant 0 : i32
    %dma_start3A_576 = tpu.memref_slice %arg13[%dma_start3A_574, %dma_start3A_575] : memref<200x128xf32, #tpu.memory_space<vmem>> -> memref<72x128xf32, #tpu.memory_space<vmem>>
    %dma_start3A_577 = tpu.memref_slice %arg11[%add3A_573] : memref<6400xi32, #tpu.memory_space<vmem>> -> memref<72xi32, #tpu.memory_space<vmem>>
    %dma_start3A_578 = arith.constant 0 : i32
    %dma_start3A_579 = arith.constant 0 : i32
    %dma_start3A_580 = tpu.memref_slice %arg4[%dma_start3A_578, %dma_start3A_579] : memref<100000x128xf32, #tpu.memory_space<hbm>> -> memref<100000x128xf32, #tpu.memory_space<hbm>>
    tpu.enqueue_indirect_dma source(%dma_start3A_580 : memref<100000x128xf32, #tpu.memory_space<hbm>>) target(%dma_start3A_576 : memref<72x128xf32, #tpu.memory_space<vmem>>) offsets(%dma_start3A_577 : memref<72xi32, #tpu.memory_space<vmem>>) semaphore(%arg16 : memref<!tpu.dma_semaphore, #tpu.memory_space<semaphore_mem>>)
    %dma_wait3A_581 = arith.constant 0 : i32
    %dma_wait3A_582 = arith.constant 0 : i32
    %dma_wait3A_583 = tpu.memref_slice %arg12[%dma_wait3A_581, %dma_wait3A_582] : memref<200x128xf32, #tpu.memory_space<vmem>> -> memref<128x128xf32, #tpu.memory_space<vmem>>
    %dma_wait3A_584 = tpu.memref_slice %arg11[%multiple_of3A_519] : memref<6400xi32, #tpu.memory_space<vmem>> -> memref<128xi32, #tpu.memory_space<vmem>>
    %dma_wait3A_585 = arith.constant 0 : i32
    %dma_wait3A_586 = arith.constant 0 : i32
    %dma_wait3A_587 = tpu.memref_slice %arg4[%dma_wait3A_585, %dma_wait3A_586] : memref<100000x128xf32, #tpu.memory_space<hbm>> -> memref<100000x128xf32, #tpu.memory_space<hbm>>
    tpu.wait_indirect_dma semaphore(%arg15 : memref<!tpu.dma_semaphore, #tpu.memory_space<semaphore_mem>>) src(%dma_wait3A_587 : memref<100000x128xf32, #tpu.memory_space<hbm>>) dst(%dma_wait3A_583 : memref<128x128xf32, #tpu.memory_space<vmem>>)
    %dma_wait3A_588 = arith.constant 128 : i32
    %dma_wait3A_589 = arith.constant 0 : i32
    %dma_wait3A_590 = tpu.memref_slice %arg12[%dma_wait3A_588, %dma_wait3A_589] : memref<200x128xf32, #tpu.memory_space<vmem>> -> memref<72x128xf32, #tpu.memory_space<vmem>>
    %dma_wait3A_591 = tpu.memref_slice %arg11[%add3A_528] : memref<6400xi32, #tpu.memory_space<vmem>> -> memref<72xi32, #tpu.memory_space<vmem>>
    %dma_wait3A_592 = arith.constant 0 : i32
    %dma_wait3A_593 = arith.constant 0 : i32
    %dma_wait3A_594 = tpu.memref_slice %arg4[%dma_wait3A_592, %dma_wait3A_593] : memref<100000x128xf32, #tpu.memory_space<hbm>> -> memref<100000x128xf32, #tpu.memory_space<hbm>>
    tpu.wait_indirect_dma semaphore(%arg15 : memref<!tpu.dma_semaphore, #tpu.memory_space<semaphore_mem>>) src(%dma_wait3A_594 : memref<100000x128xf32, #tpu.memory_space<hbm>>) dst(%dma_wait3A_590 : memref<72x128xf32, #tpu.memory_space<vmem>>)
    %add3A_595 = arith.constant 12 : i32
    %add3A_596 = arith.addi %multiple_of3A, %add3A_595 : i32
    %mul3A_597 = arith.constant 200 : i32
    %mul3A_598 = arith.muli %add3A_596, %mul3A_597 : i32
    %multiple_of3A_599 = tpu.assume_multiple %mul3A_598, 8 : i32
    %dma_start3A_600 = arith.constant 0 : i32
    %dma_start3A_601 = tpu.memref_slice %arg7[%multiple_of3A_599, %dma_start3A_600] : memref<204800x128xf32, #tpu.memory_space<hbm>> -> memref<200x128xf32, #tpu.memory_space<hbm>>
    %dma_start3A_602 = arith.constant 0 : i32
    %dma_start3A_603 = tpu.memref_slice %arg7[%multiple_of3A_599, %dma_start3A_602] : memref<204800x128xf32, #tpu.memory_space<hbm>> -> memref<200x128xf32, #tpu.memory_space<hbm>>
    tpu.enqueue_dma source(%arg12 : memref<200x128xf32, #tpu.memory_space<vmem>>) target(%dma_start3A_603 : memref<200x128xf32, #tpu.memory_space<hbm>>) target_semaphore(%arg18 : memref<!tpu.dma_semaphore, #tpu.memory_space<semaphore_mem>>)
    %dma_wait3A_604 = arith.constant 0 : i32
    %dma_wait3A_605 = tpu.memref_slice %arg7[%multiple_of3A_554, %dma_wait3A_604] : memref<204800x128xf32, #tpu.memory_space<hbm>> -> memref<200x128xf32, #tpu.memory_space<hbm>>
    %dma_wait3A_606 = arith.constant 0 : i32
    %dma_wait3A_607 = tpu.memref_slice %arg7[%multiple_of3A_554, %dma_wait3A_606] : memref<204800x128xf32, #tpu.memory_space<hbm>> -> memref<200x128xf32, #tpu.memory_space<hbm>>
    tpu.wait_dma2 semaphore(%arg20 : memref<!tpu.dma_semaphore, #tpu.memory_space<semaphore_mem>>) src(%arg14 : memref<200x128xf32, #tpu.memory_space<vmem>>) dst(%dma_wait3A_607 : memref<200x128xf32, #tpu.memory_space<hbm>>)
    %multiple_of3A_608 = arith.constant 2800 : i32
    %multiple_of3A_609 = tpu.assume_multiple %multiple_of3A_608, 8 : i32
    %dma_start3A_610 = arith.constant 0 : i32
    %dma_start3A_611 = arith.constant 0 : i32
    %dma_start3A_612 = tpu.memref_slice %arg14[%dma_start3A_610, %dma_start3A_611] : memref<200x128xf32, #tpu.memory_space<vmem>> -> memref<128x128xf32, #tpu.memory_space<vmem>>
    %dma_start3A_613 = tpu.memref_slice %arg11[%multiple_of3A_609] : memref<6400xi32, #tpu.memory_space<vmem>> -> memref<128xi32, #tpu.memory_space<vmem>>
    %dma_start3A_614 = arith.constant 0 : i32
    %dma_start3A_615 = arith.constant 0 : i32
    %dma_start3A_616 = tpu.memref_slice %arg4[%dma_start3A_614, %dma_start3A_615] : memref<100000x128xf32, #tpu.memory_space<hbm>> -> memref<100000x128xf32, #tpu.memory_space<hbm>>
    tpu.enqueue_indirect_dma source(%dma_start3A_616 : memref<100000x128xf32, #tpu.memory_space<hbm>>) target(%dma_start3A_612 : memref<128x128xf32, #tpu.memory_space<vmem>>) offsets(%dma_start3A_613 : memref<128xi32, #tpu.memory_space<vmem>>) semaphore(%arg17 : memref<!tpu.dma_semaphore, #tpu.memory_space<semaphore_mem>>)
    %add3A_617 = arith.constant 128 : i32
    %add3A_618 = arith.addi %multiple_of3A_609, %add3A_617 : i32
    %dma_start3A_619 = arith.constant 128 : i32
    %dma_start3A_620 = arith.constant 0 : i32
    %dma_start3A_621 = tpu.memref_slice %arg14[%dma_start3A_619, %dma_start3A_620] : memref<200x128xf32, #tpu.memory_space<vmem>> -> memref<72x128xf32, #tpu.memory_space<vmem>>
    %dma_start3A_622 = tpu.memref_slice %arg11[%add3A_618] : memref<6400xi32, #tpu.memory_space<vmem>> -> memref<72xi32, #tpu.memory_space<vmem>>
    %dma_start3A_623 = arith.constant 0 : i32
    %dma_start3A_624 = arith.constant 0 : i32
    %dma_start3A_625 = tpu.memref_slice %arg4[%dma_start3A_623, %dma_start3A_624] : memref<100000x128xf32, #tpu.memory_space<hbm>> -> memref<100000x128xf32, #tpu.memory_space<hbm>>
    tpu.enqueue_indirect_dma source(%dma_start3A_625 : memref<100000x128xf32, #tpu.memory_space<hbm>>) target(%dma_start3A_621 : memref<72x128xf32, #tpu.memory_space<vmem>>) offsets(%dma_start3A_622 : memref<72xi32, #tpu.memory_space<vmem>>) semaphore(%arg17 : memref<!tpu.dma_semaphore, #tpu.memory_space<semaphore_mem>>)
    %dma_wait3A_626 = arith.constant 0 : i32
    %dma_wait3A_627 = arith.constant 0 : i32
    %dma_wait3A_628 = tpu.memref_slice %arg13[%dma_wait3A_626, %dma_wait3A_627] : memref<200x128xf32, #tpu.memory_space<vmem>> -> memref<128x128xf32, #tpu.memory_space<vmem>>
    %dma_wait3A_629 = tpu.memref_slice %arg11[%multiple_of3A_564] : memref<6400xi32, #tpu.memory_space<vmem>> -> memref<128xi32, #tpu.memory_space<vmem>>
    %dma_wait3A_630 = arith.constant 0 : i32
    %dma_wait3A_631 = arith.constant 0 : i32
    %dma_wait3A_632 = tpu.memref_slice %arg4[%dma_wait3A_630, %dma_wait3A_631] : memref<100000x128xf32, #tpu.memory_space<hbm>> -> memref<100000x128xf32, #tpu.memory_space<hbm>>
    tpu.wait_indirect_dma semaphore(%arg16 : memref<!tpu.dma_semaphore, #tpu.memory_space<semaphore_mem>>) src(%dma_wait3A_632 : memref<100000x128xf32, #tpu.memory_space<hbm>>) dst(%dma_wait3A_628 : memref<128x128xf32, #tpu.memory_space<vmem>>)
    %dma_wait3A_633 = arith.constant 128 : i32
    %dma_wait3A_634 = arith.constant 0 : i32
    %dma_wait3A_635 = tpu.memref_slice %arg13[%dma_wait3A_633, %dma_wait3A_634] : memref<200x128xf32, #tpu.memory_space<vmem>> -> memref<72x128xf32, #tpu.memory_space<vmem>>
    %dma_wait3A_636 = tpu.memref_slice %arg11[%add3A_573] : memref<6400xi32, #tpu.memory_space<vmem>> -> memref<72xi32, #tpu.memory_space<vmem>>
    %dma_wait3A_637 = arith.constant 0 : i32
    %dma_wait3A_638 = arith.constant 0 : i32
    %dma_wait3A_639 = tpu.memref_slice %arg4[%dma_wait3A_637, %dma_wait3A_638] : memref<100000x128xf32, #tpu.memory_space<hbm>> -> memref<100000x128xf32, #tpu.memory_space<hbm>>
    tpu.wait_indirect_dma semaphore(%arg16 : memref<!tpu.dma_semaphore, #tpu.memory_space<semaphore_mem>>) src(%dma_wait3A_639 : memref<100000x128xf32, #tpu.memory_space<hbm>>) dst(%dma_wait3A_635 : memref<72x128xf32, #tpu.memory_space<vmem>>)
    %add3A_640 = arith.constant 13 : i32
    %add3A_641 = arith.addi %multiple_of3A, %add3A_640 : i32
    %mul3A_642 = arith.constant 200 : i32
    %mul3A_643 = arith.muli %add3A_641, %mul3A_642 : i32
    %multiple_of3A_644 = tpu.assume_multiple %mul3A_643, 8 : i32
    %dma_start3A_645 = arith.constant 0 : i32
    %dma_start3A_646 = tpu.memref_slice %arg7[%multiple_of3A_644, %dma_start3A_645] : memref<204800x128xf32, #tpu.memory_space<hbm>> -> memref<200x128xf32, #tpu.memory_space<hbm>>
    %dma_start3A_647 = arith.constant 0 : i32
    %dma_start3A_648 = tpu.memref_slice %arg7[%multiple_of3A_644, %dma_start3A_647] : memref<204800x128xf32, #tpu.memory_space<hbm>> -> memref<200x128xf32, #tpu.memory_space<hbm>>
    tpu.enqueue_dma source(%arg13 : memref<200x128xf32, #tpu.memory_space<vmem>>) target(%dma_start3A_648 : memref<200x128xf32, #tpu.memory_space<hbm>>) target_semaphore(%arg19 : memref<!tpu.dma_semaphore, #tpu.memory_space<semaphore_mem>>)
    %dma_wait3A_649 = arith.constant 0 : i32
    %dma_wait3A_650 = tpu.memref_slice %arg7[%multiple_of3A_599, %dma_wait3A_649] : memref<204800x128xf32, #tpu.memory_space<hbm>> -> memref<200x128xf32, #tpu.memory_space<hbm>>
    %dma_wait3A_651 = arith.constant 0 : i32
    %dma_wait3A_652 = tpu.memref_slice %arg7[%multiple_of3A_599, %dma_wait3A_651] : memref<204800x128xf32, #tpu.memory_space<hbm>> -> memref<200x128xf32, #tpu.memory_space<hbm>>
    tpu.wait_dma2 semaphore(%arg18 : memref<!tpu.dma_semaphore, #tpu.memory_space<semaphore_mem>>) src(%arg12 : memref<200x128xf32, #tpu.memory_space<vmem>>) dst(%dma_wait3A_652 : memref<200x128xf32, #tpu.memory_space<hbm>>)
    %multiple_of3A_653 = arith.constant 3000 : i32
    %multiple_of3A_654 = tpu.assume_multiple %multiple_of3A_653, 8 : i32
    %dma_start3A_655 = arith.constant 0 : i32
    %dma_start3A_656 = arith.constant 0 : i32
    %dma_start3A_657 = tpu.memref_slice %arg12[%dma_start3A_655, %dma_start3A_656] : memref<200x128xf32, #tpu.memory_space<vmem>> -> memref<128x128xf32, #tpu.memory_space<vmem>>
    %dma_start3A_658 = tpu.memref_slice %arg11[%multiple_of3A_654] : memref<6400xi32, #tpu.memory_space<vmem>> -> memref<128xi32, #tpu.memory_space<vmem>>
    %dma_start3A_659 = arith.constant 0 : i32
    %dma_start3A_660 = arith.constant 0 : i32
    %dma_start3A_661 = tpu.memref_slice %arg4[%dma_start3A_659, %dma_start3A_660] : memref<100000x128xf32, #tpu.memory_space<hbm>> -> memref<100000x128xf32, #tpu.memory_space<hbm>>
    tpu.enqueue_indirect_dma source(%dma_start3A_661 : memref<100000x128xf32, #tpu.memory_space<hbm>>) target(%dma_start3A_657 : memref<128x128xf32, #tpu.memory_space<vmem>>) offsets(%dma_start3A_658 : memref<128xi32, #tpu.memory_space<vmem>>) semaphore(%arg15 : memref<!tpu.dma_semaphore, #tpu.memory_space<semaphore_mem>>)
    %add3A_662 = arith.constant 128 : i32
    %add3A_663 = arith.addi %multiple_of3A_654, %add3A_662 : i32
    %dma_start3A_664 = arith.constant 128 : i32
    %dma_start3A_665 = arith.constant 0 : i32
    %dma_start3A_666 = tpu.memref_slice %arg12[%dma_start3A_664, %dma_start3A_665] : memref<200x128xf32, #tpu.memory_space<vmem>> -> memref<72x128xf32, #tpu.memory_space<vmem>>
    %dma_start3A_667 = tpu.memref_slice %arg11[%add3A_663] : memref<6400xi32, #tpu.memory_space<vmem>> -> memref<72xi32, #tpu.memory_space<vmem>>
    %dma_start3A_668 = arith.constant 0 : i32
    %dma_start3A_669 = arith.constant 0 : i32
    %dma_start3A_670 = tpu.memref_slice %arg4[%dma_start3A_668, %dma_start3A_669] : memref<100000x128xf32, #tpu.memory_space<hbm>> -> memref<100000x128xf32, #tpu.memory_space<hbm>>
    tpu.enqueue_indirect_dma source(%dma_start3A_670 : memref<100000x128xf32, #tpu.memory_space<hbm>>) target(%dma_start3A_666 : memref<72x128xf32, #tpu.memory_space<vmem>>) offsets(%dma_start3A_667 : memref<72xi32, #tpu.memory_space<vmem>>) semaphore(%arg15 : memref<!tpu.dma_semaphore, #tpu.memory_space<semaphore_mem>>)
    %dma_wait3A_671 = arith.constant 0 : i32
    %dma_wait3A_672 = arith.constant 0 : i32
    %dma_wait3A_673 = tpu.memref_slice %arg14[%dma_wait3A_671, %dma_wait3A_672] : memref<200x128xf32, #tpu.memory_space<vmem>> -> memref<128x128xf32, #tpu.memory_space<vmem>>
    %dma_wait3A_674 = tpu.memref_slice %arg11[%multiple_of3A_609] : memref<6400xi32, #tpu.memory_space<vmem>> -> memref<128xi32, #tpu.memory_space<vmem>>
    %dma_wait3A_675 = arith.constant 0 : i32
    %dma_wait3A_676 = arith.constant 0 : i32
    %dma_wait3A_677 = tpu.memref_slice %arg4[%dma_wait3A_675, %dma_wait3A_676] : memref<100000x128xf32, #tpu.memory_space<hbm>> -> memref<100000x128xf32, #tpu.memory_space<hbm>>
    tpu.wait_indirect_dma semaphore(%arg17 : memref<!tpu.dma_semaphore, #tpu.memory_space<semaphore_mem>>) src(%dma_wait3A_677 : memref<100000x128xf32, #tpu.memory_space<hbm>>) dst(%dma_wait3A_673 : memref<128x128xf32, #tpu.memory_space<vmem>>)
    %dma_wait3A_678 = arith.constant 128 : i32
    %dma_wait3A_679 = arith.constant 0 : i32
    %dma_wait3A_680 = tpu.memref_slice %arg14[%dma_wait3A_678, %dma_wait3A_679] : memref<200x128xf32, #tpu.memory_space<vmem>> -> memref<72x128xf32, #tpu.memory_space<vmem>>
    %dma_wait3A_681 = tpu.memref_slice %arg11[%add3A_618] : memref<6400xi32, #tpu.memory_space<vmem>> -> memref<72xi32, #tpu.memory_space<vmem>>
    %dma_wait3A_682 = arith.constant 0 : i32
    %dma_wait3A_683 = arith.constant 0 : i32
    %dma_wait3A_684 = tpu.memref_slice %arg4[%dma_wait3A_682, %dma_wait3A_683] : memref<100000x128xf32, #tpu.memory_space<hbm>> -> memref<100000x128xf32, #tpu.memory_space<hbm>>
    tpu.wait_indirect_dma semaphore(%arg17 : memref<!tpu.dma_semaphore, #tpu.memory_space<semaphore_mem>>) src(%dma_wait3A_684 : memref<100000x128xf32, #tpu.memory_space<hbm>>) dst(%dma_wait3A_680 : memref<72x128xf32, #tpu.memory_space<vmem>>)
    %add3A_685 = arith.constant 14 : i32
    %add3A_686 = arith.addi %multiple_of3A, %add3A_685 : i32
    %mul3A_687 = arith.constant 200 : i32
    %mul3A_688 = arith.muli %add3A_686, %mul3A_687 : i32
    %multiple_of3A_689 = tpu.assume_multiple %mul3A_688, 8 : i32
    %dma_start3A_690 = arith.constant 0 : i32
    %dma_start3A_691 = tpu.memref_slice %arg7[%multiple_of3A_689, %dma_start3A_690] : memref<204800x128xf32, #tpu.memory_space<hbm>> -> memref<200x128xf32, #tpu.memory_space<hbm>>
    %dma_start3A_692 = arith.constant 0 : i32
    %dma_start3A_693 = tpu.memref_slice %arg7[%multiple_of3A_689, %dma_start3A_692] : memref<204800x128xf32, #tpu.memory_space<hbm>> -> memref<200x128xf32, #tpu.memory_space<hbm>>
    tpu.enqueue_dma source(%arg14 : memref<200x128xf32, #tpu.memory_space<vmem>>) target(%dma_start3A_693 : memref<200x128xf32, #tpu.memory_space<hbm>>) target_semaphore(%arg20 : memref<!tpu.dma_semaphore, #tpu.memory_space<semaphore_mem>>)
    %dma_wait3A_694 = arith.constant 0 : i32
    %dma_wait3A_695 = tpu.memref_slice %arg7[%multiple_of3A_644, %dma_wait3A_694] : memref<204800x128xf32, #tpu.memory_space<hbm>> -> memref<200x128xf32, #tpu.memory_space<hbm>>
    %dma_wait3A_696 = arith.constant 0 : i32
    %dma_wait3A_697 = tpu.memref_slice %arg7[%multiple_of3A_644, %dma_wait3A_696] : memref<204800x128xf32, #tpu.memory_space<hbm>> -> memref<200x128xf32, #tpu.memory_space<hbm>>
    tpu.wait_dma2 semaphore(%arg19 : memref<!tpu.dma_semaphore, #tpu.memory_space<semaphore_mem>>) src(%arg13 : memref<200x128xf32, #tpu.memory_space<vmem>>) dst(%dma_wait3A_697 : memref<200x128xf32, #tpu.memory_space<hbm>>)
    %multiple_of3A_698 = arith.constant 3200 : i32
    %multiple_of3A_699 = tpu.assume_multiple %multiple_of3A_698, 8 : i32
    %dma_start3A_700 = arith.constant 0 : i32
    %dma_start3A_701 = arith.constant 0 : i32
    %dma_start3A_702 = tpu.memref_slice %arg13[%dma_start3A_700, %dma_start3A_701] : memref<200x128xf32, #tpu.memory_space<vmem>> -> memref<128x128xf32, #tpu.memory_space<vmem>>
    %dma_start3A_703 = tpu.memref_slice %arg11[%multiple_of3A_699] : memref<6400xi32, #tpu.memory_space<vmem>> -> memref<128xi32, #tpu.memory_space<vmem>>
    %dma_start3A_704 = arith.constant 0 : i32
    %dma_start3A_705 = arith.constant 0 : i32
    %dma_start3A_706 = tpu.memref_slice %arg4[%dma_start3A_704, %dma_start3A_705] : memref<100000x128xf32, #tpu.memory_space<hbm>> -> memref<100000x128xf32, #tpu.memory_space<hbm>>
    tpu.enqueue_indirect_dma source(%dma_start3A_706 : memref<100000x128xf32, #tpu.memory_space<hbm>>) target(%dma_start3A_702 : memref<128x128xf32, #tpu.memory_space<vmem>>) offsets(%dma_start3A_703 : memref<128xi32, #tpu.memory_space<vmem>>) semaphore(%arg16 : memref<!tpu.dma_semaphore, #tpu.memory_space<semaphore_mem>>)
    %add3A_707 = arith.constant 128 : i32
    %add3A_708 = arith.addi %multiple_of3A_699, %add3A_707 : i32
    %dma_start3A_709 = arith.constant 128 : i32
    %dma_start3A_710 = arith.constant 0 : i32
    %dma_start3A_711 = tpu.memref_slice %arg13[%dma_start3A_709, %dma_start3A_710] : memref<200x128xf32, #tpu.memory_space<vmem>> -> memref<72x128xf32, #tpu.memory_space<vmem>>
    %dma_start3A_712 = tpu.memref_slice %arg11[%add3A_708] : memref<6400xi32, #tpu.memory_space<vmem>> -> memref<72xi32, #tpu.memory_space<vmem>>
    %dma_start3A_713 = arith.constant 0 : i32
    %dma_start3A_714 = arith.constant 0 : i32
    %dma_start3A_715 = tpu.memref_slice %arg4[%dma_start3A_713, %dma_start3A_714] : memref<100000x128xf32, #tpu.memory_space<hbm>> -> memref<100000x128xf32, #tpu.memory_space<hbm>>
    tpu.enqueue_indirect_dma source(%dma_start3A_715 : memref<100000x128xf32, #tpu.memory_space<hbm>>) target(%dma_start3A_711 : memref<72x128xf32, #tpu.memory_space<vmem>>) offsets(%dma_start3A_712 : memref<72xi32, #tpu.memory_space<vmem>>) semaphore(%arg16 : memref<!tpu.dma_semaphore, #tpu.memory_space<semaphore_mem>>)
    %dma_wait3A_716 = arith.constant 0 : i32
    %dma_wait3A_717 = arith.constant 0 : i32
    %dma_wait3A_718 = tpu.memref_slice %arg12[%dma_wait3A_716, %dma_wait3A_717] : memref<200x128xf32, #tpu.memory_space<vmem>> -> memref<128x128xf32, #tpu.memory_space<vmem>>
    %dma_wait3A_719 = tpu.memref_slice %arg11[%multiple_of3A_654] : memref<6400xi32, #tpu.memory_space<vmem>> -> memref<128xi32, #tpu.memory_space<vmem>>
    %dma_wait3A_720 = arith.constant 0 : i32
    %dma_wait3A_721 = arith.constant 0 : i32
    %dma_wait3A_722 = tpu.memref_slice %arg4[%dma_wait3A_720, %dma_wait3A_721] : memref<100000x128xf32, #tpu.memory_space<hbm>> -> memref<100000x128xf32, #tpu.memory_space<hbm>>
    tpu.wait_indirect_dma semaphore(%arg15 : memref<!tpu.dma_semaphore, #tpu.memory_space<semaphore_mem>>) src(%dma_wait3A_722 : memref<100000x128xf32, #tpu.memory_space<hbm>>) dst(%dma_wait3A_718 : memref<128x128xf32, #tpu.memory_space<vmem>>)
    %dma_wait3A_723 = arith.constant 128 : i32
    %dma_wait3A_724 = arith.constant 0 : i32
    %dma_wait3A_725 = tpu.memref_slice %arg12[%dma_wait3A_723, %dma_wait3A_724] : memref<200x128xf32, #tpu.memory_space<vmem>> -> memref<72x128xf32, #tpu.memory_space<vmem>>
    %dma_wait3A_726 = tpu.memref_slice %arg11[%add3A_663] : memref<6400xi32, #tpu.memory_space<vmem>> -> memref<72xi32, #tpu.memory_space<vmem>>
    %dma_wait3A_727 = arith.constant 0 : i32
    %dma_wait3A_728 = arith.constant 0 : i32
    %dma_wait3A_729 = tpu.memref_slice %arg4[%dma_wait3A_727, %dma_wait3A_728] : memref<100000x128xf32, #tpu.memory_space<hbm>> -> memref<100000x128xf32, #tpu.memory_space<hbm>>
    tpu.wait_indirect_dma semaphore(%arg15 : memref<!tpu.dma_semaphore, #tpu.memory_space<semaphore_mem>>) src(%dma_wait3A_729 : memref<100000x128xf32, #tpu.memory_space<hbm>>) dst(%dma_wait3A_725 : memref<72x128xf32, #tpu.memory_space<vmem>>)
    %add3A_730 = arith.constant 15 : i32
    %add3A_731 = arith.addi %multiple_of3A, %add3A_730 : i32
    %mul3A_732 = arith.constant 200 : i32
    %mul3A_733 = arith.muli %add3A_731, %mul3A_732 : i32
    %multiple_of3A_734 = tpu.assume_multiple %mul3A_733, 8 : i32
    %dma_start3A_735 = arith.constant 0 : i32
    %dma_start3A_736 = tpu.memref_slice %arg7[%multiple_of3A_734, %dma_start3A_735] : memref<204800x128xf32, #tpu.memory_space<hbm>> -> memref<200x128xf32, #tpu.memory_space<hbm>>
    %dma_start3A_737 = arith.constant 0 : i32
    %dma_start3A_738 = tpu.memref_slice %arg7[%multiple_of3A_734, %dma_start3A_737] : memref<204800x128xf32, #tpu.memory_space<hbm>> -> memref<200x128xf32, #tpu.memory_space<hbm>>
    tpu.enqueue_dma source(%arg12 : memref<200x128xf32, #tpu.memory_space<vmem>>) target(%dma_start3A_738 : memref<200x128xf32, #tpu.memory_space<hbm>>) target_semaphore(%arg18 : memref<!tpu.dma_semaphore, #tpu.memory_space<semaphore_mem>>)
    %dma_wait3A_739 = arith.constant 0 : i32
    %dma_wait3A_740 = tpu.memref_slice %arg7[%multiple_of3A_689, %dma_wait3A_739] : memref<204800x128xf32, #tpu.memory_space<hbm>> -> memref<200x128xf32, #tpu.memory_space<hbm>>
    %dma_wait3A_741 = arith.constant 0 : i32
    %dma_wait3A_742 = tpu.memref_slice %arg7[%multiple_of3A_689, %dma_wait3A_741] : memref<204800x128xf32, #tpu.memory_space<hbm>> -> memref<200x128xf32, #tpu.memory_space<hbm>>
    tpu.wait_dma2 semaphore(%arg20 : memref<!tpu.dma_semaphore, #tpu.memory_space<semaphore_mem>>) src(%arg14 : memref<200x128xf32, #tpu.memory_space<vmem>>) dst(%dma_wait3A_742 : memref<200x128xf32, #tpu.memory_space<hbm>>)
    %multiple_of3A_743 = arith.constant 3400 : i32
    %multiple_of3A_744 = tpu.assume_multiple %multiple_of3A_743, 8 : i32
    %dma_start3A_745 = arith.constant 0 : i32
    %dma_start3A_746 = arith.constant 0 : i32
    %dma_start3A_747 = tpu.memref_slice %arg14[%dma_start3A_745, %dma_start3A_746] : memref<200x128xf32, #tpu.memory_space<vmem>> -> memref<128x128xf32, #tpu.memory_space<vmem>>
    %dma_start3A_748 = tpu.memref_slice %arg11[%multiple_of3A_744] : memref<6400xi32, #tpu.memory_space<vmem>> -> memref<128xi32, #tpu.memory_space<vmem>>
    %dma_start3A_749 = arith.constant 0 : i32
    %dma_start3A_750 = arith.constant 0 : i32
    %dma_start3A_751 = tpu.memref_slice %arg4[%dma_start3A_749, %dma_start3A_750] : memref<100000x128xf32, #tpu.memory_space<hbm>> -> memref<100000x128xf32, #tpu.memory_space<hbm>>
    tpu.enqueue_indirect_dma source(%dma_start3A_751 : memref<100000x128xf32, #tpu.memory_space<hbm>>) target(%dma_start3A_747 : memref<128x128xf32, #tpu.memory_space<vmem>>) offsets(%dma_start3A_748 : memref<128xi32, #tpu.memory_space<vmem>>) semaphore(%arg17 : memref<!tpu.dma_semaphore, #tpu.memory_space<semaphore_mem>>)
    %add3A_752 = arith.constant 128 : i32
    %add3A_753 = arith.addi %multiple_of3A_744, %add3A_752 : i32
    %dma_start3A_754 = arith.constant 128 : i32
    %dma_start3A_755 = arith.constant 0 : i32
    %dma_start3A_756 = tpu.memref_slice %arg14[%dma_start3A_754, %dma_start3A_755] : memref<200x128xf32, #tpu.memory_space<vmem>> -> memref<72x128xf32, #tpu.memory_space<vmem>>
    %dma_start3A_757 = tpu.memref_slice %arg11[%add3A_753] : memref<6400xi32, #tpu.memory_space<vmem>> -> memref<72xi32, #tpu.memory_space<vmem>>
    %dma_start3A_758 = arith.constant 0 : i32
    %dma_start3A_759 = arith.constant 0 : i32
    %dma_start3A_760 = tpu.memref_slice %arg4[%dma_start3A_758, %dma_start3A_759] : memref<100000x128xf32, #tpu.memory_space<hbm>> -> memref<100000x128xf32, #tpu.memory_space<hbm>>
    tpu.enqueue_indirect_dma source(%dma_start3A_760 : memref<100000x128xf32, #tpu.memory_space<hbm>>) target(%dma_start3A_756 : memref<72x128xf32, #tpu.memory_space<vmem>>) offsets(%dma_start3A_757 : memref<72xi32, #tpu.memory_space<vmem>>) semaphore(%arg17 : memref<!tpu.dma_semaphore, #tpu.memory_space<semaphore_mem>>)
    %dma_wait3A_761 = arith.constant 0 : i32
    %dma_wait3A_762 = arith.constant 0 : i32
    %dma_wait3A_763 = tpu.memref_slice %arg13[%dma_wait3A_761, %dma_wait3A_762] : memref<200x128xf32, #tpu.memory_space<vmem>> -> memref<128x128xf32, #tpu.memory_space<vmem>>
    %dma_wait3A_764 = tpu.memref_slice %arg11[%multiple_of3A_699] : memref<6400xi32, #tpu.memory_space<vmem>> -> memref<128xi32, #tpu.memory_space<vmem>>
    %dma_wait3A_765 = arith.constant 0 : i32
    %dma_wait3A_766 = arith.constant 0 : i32
    %dma_wait3A_767 = tpu.memref_slice %arg4[%dma_wait3A_765, %dma_wait3A_766] : memref<100000x128xf32, #tpu.memory_space<hbm>> -> memref<100000x128xf32, #tpu.memory_space<hbm>>
    tpu.wait_indirect_dma semaphore(%arg16 : memref<!tpu.dma_semaphore, #tpu.memory_space<semaphore_mem>>) src(%dma_wait3A_767 : memref<100000x128xf32, #tpu.memory_space<hbm>>) dst(%dma_wait3A_763 : memref<128x128xf32, #tpu.memory_space<vmem>>)
    %dma_wait3A_768 = arith.constant 128 : i32
    %dma_wait3A_769 = arith.constant 0 : i32
    %dma_wait3A_770 = tpu.memref_slice %arg13[%dma_wait3A_768, %dma_wait3A_769] : memref<200x128xf32, #tpu.memory_space<vmem>> -> memref<72x128xf32, #tpu.memory_space<vmem>>
    %dma_wait3A_771 = tpu.memref_slice %arg11[%add3A_708] : memref<6400xi32, #tpu.memory_space<vmem>> -> memref<72xi32, #tpu.memory_space<vmem>>
    %dma_wait3A_772 = arith.constant 0 : i32
    %dma_wait3A_773 = arith.constant 0 : i32
    %dma_wait3A_774 = tpu.memref_slice %arg4[%dma_wait3A_772, %dma_wait3A_773] : memref<100000x128xf32, #tpu.memory_space<hbm>> -> memref<100000x128xf32, #tpu.memory_space<hbm>>
    tpu.wait_indirect_dma semaphore(%arg16 : memref<!tpu.dma_semaphore, #tpu.memory_space<semaphore_mem>>) src(%dma_wait3A_774 : memref<100000x128xf32, #tpu.memory_space<hbm>>) dst(%dma_wait3A_770 : memref<72x128xf32, #tpu.memory_space<vmem>>)
    %add3A_775 = arith.constant 16 : i32
    %add3A_776 = arith.addi %multiple_of3A, %add3A_775 : i32
    %mul3A_777 = arith.constant 200 : i32
    %mul3A_778 = arith.muli %add3A_776, %mul3A_777 : i32
    %multiple_of3A_779 = tpu.assume_multiple %mul3A_778, 8 : i32
    %dma_start3A_780 = arith.constant 0 : i32
    %dma_start3A_781 = tpu.memref_slice %arg7[%multiple_of3A_779, %dma_start3A_780] : memref<204800x128xf32, #tpu.memory_space<hbm>> -> memref<200x128xf32, #tpu.memory_space<hbm>>
    %dma_start3A_782 = arith.constant 0 : i32
    %dma_start3A_783 = tpu.memref_slice %arg7[%multiple_of3A_779, %dma_start3A_782] : memref<204800x128xf32, #tpu.memory_space<hbm>> -> memref<200x128xf32, #tpu.memory_space<hbm>>
    tpu.enqueue_dma source(%arg13 : memref<200x128xf32, #tpu.memory_space<vmem>>) target(%dma_start3A_783 : memref<200x128xf32, #tpu.memory_space<hbm>>) target_semaphore(%arg19 : memref<!tpu.dma_semaphore, #tpu.memory_space<semaphore_mem>>)
    %dma_wait3A_784 = arith.constant 0 : i32
    %dma_wait3A_785 = tpu.memref_slice %arg7[%multiple_of3A_734, %dma_wait3A_784] : memref<204800x128xf32, #tpu.memory_space<hbm>> -> memref<200x128xf32, #tpu.memory_space<hbm>>
    %dma_wait3A_786 = arith.constant 0 : i32
    %dma_wait3A_787 = tpu.memref_slice %arg7[%multiple_of3A_734, %dma_wait3A_786] : memref<204800x128xf32, #tpu.memory_space<hbm>> -> memref<200x128xf32, #tpu.memory_space<hbm>>
    tpu.wait_dma2 semaphore(%arg18 : memref<!tpu.dma_semaphore, #tpu.memory_space<semaphore_mem>>) src(%arg12 : memref<200x128xf32, #tpu.memory_space<vmem>>) dst(%dma_wait3A_787 : memref<200x128xf32, #tpu.memory_space<hbm>>)
    %multiple_of3A_788 = arith.constant 3600 : i32
    %multiple_of3A_789 = tpu.assume_multiple %multiple_of3A_788, 8 : i32
    %dma_start3A_790 = arith.constant 0 : i32
    %dma_start3A_791 = arith.constant 0 : i32
    %dma_start3A_792 = tpu.memref_slice %arg12[%dma_start3A_790, %dma_start3A_791] : memref<200x128xf32, #tpu.memory_space<vmem>> -> memref<128x128xf32, #tpu.memory_space<vmem>>
    %dma_start3A_793 = tpu.memref_slice %arg11[%multiple_of3A_789] : memref<6400xi32, #tpu.memory_space<vmem>> -> memref<128xi32, #tpu.memory_space<vmem>>
    %dma_start3A_794 = arith.constant 0 : i32
    %dma_start3A_795 = arith.constant 0 : i32
    %dma_start3A_796 = tpu.memref_slice %arg4[%dma_start3A_794, %dma_start3A_795] : memref<100000x128xf32, #tpu.memory_space<hbm>> -> memref<100000x128xf32, #tpu.memory_space<hbm>>
    tpu.enqueue_indirect_dma source(%dma_start3A_796 : memref<100000x128xf32, #tpu.memory_space<hbm>>) target(%dma_start3A_792 : memref<128x128xf32, #tpu.memory_space<vmem>>) offsets(%dma_start3A_793 : memref<128xi32, #tpu.memory_space<vmem>>) semaphore(%arg15 : memref<!tpu.dma_semaphore, #tpu.memory_space<semaphore_mem>>)
    %add3A_797 = arith.constant 128 : i32
    %add3A_798 = arith.addi %multiple_of3A_789, %add3A_797 : i32
    %dma_start3A_799 = arith.constant 128 : i32
    %dma_start3A_800 = arith.constant 0 : i32
    %dma_start3A_801 = tpu.memref_slice %arg12[%dma_start3A_799, %dma_start3A_800] : memref<200x128xf32, #tpu.memory_space<vmem>> -> memref<72x128xf32, #tpu.memory_space<vmem>>
    %dma_start3A_802 = tpu.memref_slice %arg11[%add3A_798] : memref<6400xi32, #tpu.memory_space<vmem>> -> memref<72xi32, #tpu.memory_space<vmem>>
    %dma_start3A_803 = arith.constant 0 : i32
    %dma_start3A_804 = arith.constant 0 : i32
    %dma_start3A_805 = tpu.memref_slice %arg4[%dma_start3A_803, %dma_start3A_804] : memref<100000x128xf32, #tpu.memory_space<hbm>> -> memref<100000x128xf32, #tpu.memory_space<hbm>>
    tpu.enqueue_indirect_dma source(%dma_start3A_805 : memref<100000x128xf32, #tpu.memory_space<hbm>>) target(%dma_start3A_801 : memref<72x128xf32, #tpu.memory_space<vmem>>) offsets(%dma_start3A_802 : memref<72xi32, #tpu.memory_space<vmem>>) semaphore(%arg15 : memref<!tpu.dma_semaphore, #tpu.memory_space<semaphore_mem>>)
    %dma_wait3A_806 = arith.constant 0 : i32
    %dma_wait3A_807 = arith.constant 0 : i32
    %dma_wait3A_808 = tpu.memref_slice %arg14[%dma_wait3A_806, %dma_wait3A_807] : memref<200x128xf32, #tpu.memory_space<vmem>> -> memref<128x128xf32, #tpu.memory_space<vmem>>
    %dma_wait3A_809 = tpu.memref_slice %arg11[%multiple_of3A_744] : memref<6400xi32, #tpu.memory_space<vmem>> -> memref<128xi32, #tpu.memory_space<vmem>>
    %dma_wait3A_810 = arith.constant 0 : i32
    %dma_wait3A_811 = arith.constant 0 : i32
    %dma_wait3A_812 = tpu.memref_slice %arg4[%dma_wait3A_810, %dma_wait3A_811] : memref<100000x128xf32, #tpu.memory_space<hbm>> -> memref<100000x128xf32, #tpu.memory_space<hbm>>
    tpu.wait_indirect_dma semaphore(%arg17 : memref<!tpu.dma_semaphore, #tpu.memory_space<semaphore_mem>>) src(%dma_wait3A_812 : memref<100000x128xf32, #tpu.memory_space<hbm>>) dst(%dma_wait3A_808 : memref<128x128xf32, #tpu.memory_space<vmem>>)
    %dma_wait3A_813 = arith.constant 128 : i32
    %dma_wait3A_814 = arith.constant 0 : i32
    %dma_wait3A_815 = tpu.memref_slice %arg14[%dma_wait3A_813, %dma_wait3A_814] : memref<200x128xf32, #tpu.memory_space<vmem>> -> memref<72x128xf32, #tpu.memory_space<vmem>>
    %dma_wait3A_816 = tpu.memref_slice %arg11[%add3A_753] : memref<6400xi32, #tpu.memory_space<vmem>> -> memref<72xi32, #tpu.memory_space<vmem>>
    %dma_wait3A_817 = arith.constant 0 : i32
    %dma_wait3A_818 = arith.constant 0 : i32
    %dma_wait3A_819 = tpu.memref_slice %arg4[%dma_wait3A_817, %dma_wait3A_818] : memref<100000x128xf32, #tpu.memory_space<hbm>> -> memref<100000x128xf32, #tpu.memory_space<hbm>>
    tpu.wait_indirect_dma semaphore(%arg17 : memref<!tpu.dma_semaphore, #tpu.memory_space<semaphore_mem>>) src(%dma_wait3A_819 : memref<100000x128xf32, #tpu.memory_space<hbm>>) dst(%dma_wait3A_815 : memref<72x128xf32, #tpu.memory_space<vmem>>)
    %add3A_820 = arith.constant 17 : i32
    %add3A_821 = arith.addi %multiple_of3A, %add3A_820 : i32
    %mul3A_822 = arith.constant 200 : i32
    %mul3A_823 = arith.muli %add3A_821, %mul3A_822 : i32
    %multiple_of3A_824 = tpu.assume_multiple %mul3A_823, 8 : i32
    %dma_start3A_825 = arith.constant 0 : i32
    %dma_start3A_826 = tpu.memref_slice %arg7[%multiple_of3A_824, %dma_start3A_825] : memref<204800x128xf32, #tpu.memory_space<hbm>> -> memref<200x128xf32, #tpu.memory_space<hbm>>
    %dma_start3A_827 = arith.constant 0 : i32
    %dma_start3A_828 = tpu.memref_slice %arg7[%multiple_of3A_824, %dma_start3A_827] : memref<204800x128xf32, #tpu.memory_space<hbm>> -> memref<200x128xf32, #tpu.memory_space<hbm>>
    tpu.enqueue_dma source(%arg14 : memref<200x128xf32, #tpu.memory_space<vmem>>) target(%dma_start3A_828 : memref<200x128xf32, #tpu.memory_space<hbm>>) target_semaphore(%arg20 : memref<!tpu.dma_semaphore, #tpu.memory_space<semaphore_mem>>)
    %dma_wait3A_829 = arith.constant 0 : i32
    %dma_wait3A_830 = tpu.memref_slice %arg7[%multiple_of3A_779, %dma_wait3A_829] : memref<204800x128xf32, #tpu.memory_space<hbm>> -> memref<200x128xf32, #tpu.memory_space<hbm>>
    %dma_wait3A_831 = arith.constant 0 : i32
    %dma_wait3A_832 = tpu.memref_slice %arg7[%multiple_of3A_779, %dma_wait3A_831] : memref<204800x128xf32, #tpu.memory_space<hbm>> -> memref<200x128xf32, #tpu.memory_space<hbm>>
    tpu.wait_dma2 semaphore(%arg19 : memref<!tpu.dma_semaphore, #tpu.memory_space<semaphore_mem>>) src(%arg13 : memref<200x128xf32, #tpu.memory_space<vmem>>) dst(%dma_wait3A_832 : memref<200x128xf32, #tpu.memory_space<hbm>>)
    %multiple_of3A_833 = arith.constant 3800 : i32
    %multiple_of3A_834 = tpu.assume_multiple %multiple_of3A_833, 8 : i32
    %dma_start3A_835 = arith.constant 0 : i32
    %dma_start3A_836 = arith.constant 0 : i32
    %dma_start3A_837 = tpu.memref_slice %arg13[%dma_start3A_835, %dma_start3A_836] : memref<200x128xf32, #tpu.memory_space<vmem>> -> memref<128x128xf32, #tpu.memory_space<vmem>>
    %dma_start3A_838 = tpu.memref_slice %arg11[%multiple_of3A_834] : memref<6400xi32, #tpu.memory_space<vmem>> -> memref<128xi32, #tpu.memory_space<vmem>>
    %dma_start3A_839 = arith.constant 0 : i32
    %dma_start3A_840 = arith.constant 0 : i32
    %dma_start3A_841 = tpu.memref_slice %arg4[%dma_start3A_839, %dma_start3A_840] : memref<100000x128xf32, #tpu.memory_space<hbm>> -> memref<100000x128xf32, #tpu.memory_space<hbm>>
    tpu.enqueue_indirect_dma source(%dma_start3A_841 : memref<100000x128xf32, #tpu.memory_space<hbm>>) target(%dma_start3A_837 : memref<128x128xf32, #tpu.memory_space<vmem>>) offsets(%dma_start3A_838 : memref<128xi32, #tpu.memory_space<vmem>>) semaphore(%arg16 : memref<!tpu.dma_semaphore, #tpu.memory_space<semaphore_mem>>)
    %add3A_842 = arith.constant 128 : i32
    %add3A_843 = arith.addi %multiple_of3A_834, %add3A_842 : i32
    %dma_start3A_844 = arith.constant 128 : i32
    %dma_start3A_845 = arith.constant 0 : i32
    %dma_start3A_846 = tpu.memref_slice %arg13[%dma_start3A_844, %dma_start3A_845] : memref<200x128xf32, #tpu.memory_space<vmem>> -> memref<72x128xf32, #tpu.memory_space<vmem>>
    %dma_start3A_847 = tpu.memref_slice %arg11[%add3A_843] : memref<6400xi32, #tpu.memory_space<vmem>> -> memref<72xi32, #tpu.memory_space<vmem>>
    %dma_start3A_848 = arith.constant 0 : i32
    %dma_start3A_849 = arith.constant 0 : i32
    %dma_start3A_850 = tpu.memref_slice %arg4[%dma_start3A_848, %dma_start3A_849] : memref<100000x128xf32, #tpu.memory_space<hbm>> -> memref<100000x128xf32, #tpu.memory_space<hbm>>
    tpu.enqueue_indirect_dma source(%dma_start3A_850 : memref<100000x128xf32, #tpu.memory_space<hbm>>) target(%dma_start3A_846 : memref<72x128xf32, #tpu.memory_space<vmem>>) offsets(%dma_start3A_847 : memref<72xi32, #tpu.memory_space<vmem>>) semaphore(%arg16 : memref<!tpu.dma_semaphore, #tpu.memory_space<semaphore_mem>>)
    %dma_wait3A_851 = arith.constant 0 : i32
    %dma_wait3A_852 = arith.constant 0 : i32
    %dma_wait3A_853 = tpu.memref_slice %arg12[%dma_wait3A_851, %dma_wait3A_852] : memref<200x128xf32, #tpu.memory_space<vmem>> -> memref<128x128xf32, #tpu.memory_space<vmem>>
    %dma_wait3A_854 = tpu.memref_slice %arg11[%multiple_of3A_789] : memref<6400xi32, #tpu.memory_space<vmem>> -> memref<128xi32, #tpu.memory_space<vmem>>
    %dma_wait3A_855 = arith.constant 0 : i32
    %dma_wait3A_856 = arith.constant 0 : i32
    %dma_wait3A_857 = tpu.memref_slice %arg4[%dma_wait3A_855, %dma_wait3A_856] : memref<100000x128xf32, #tpu.memory_space<hbm>> -> memref<100000x128xf32, #tpu.memory_space<hbm>>
    tpu.wait_indirect_dma semaphore(%arg15 : memref<!tpu.dma_semaphore, #tpu.memory_space<semaphore_mem>>) src(%dma_wait3A_857 : memref<100000x128xf32, #tpu.memory_space<hbm>>) dst(%dma_wait3A_853 : memref<128x128xf32, #tpu.memory_space<vmem>>)
    %dma_wait3A_858 = arith.constant 128 : i32
    %dma_wait3A_859 = arith.constant 0 : i32
    %dma_wait3A_860 = tpu.memref_slice %arg12[%dma_wait3A_858, %dma_wait3A_859] : memref<200x128xf32, #tpu.memory_space<vmem>> -> memref<72x128xf32, #tpu.memory_space<vmem>>
    %dma_wait3A_861 = tpu.memref_slice %arg11[%add3A_798] : memref<6400xi32, #tpu.memory_space<vmem>> -> memref<72xi32, #tpu.memory_space<vmem>>
    %dma_wait3A_862 = arith.constant 0 : i32
    %dma_wait3A_863 = arith.constant 0 : i32
    %dma_wait3A_864 = tpu.memref_slice %arg4[%dma_wait3A_862, %dma_wait3A_863] : memref<100000x128xf32, #tpu.memory_space<hbm>> -> memref<100000x128xf32, #tpu.memory_space<hbm>>
    tpu.wait_indirect_dma semaphore(%arg15 : memref<!tpu.dma_semaphore, #tpu.memory_space<semaphore_mem>>) src(%dma_wait3A_864 : memref<100000x128xf32, #tpu.memory_space<hbm>>) dst(%dma_wait3A_860 : memref<72x128xf32, #tpu.memory_space<vmem>>)
    %add3A_865 = arith.constant 18 : i32
    %add3A_866 = arith.addi %multiple_of3A, %add3A_865 : i32
    %mul3A_867 = arith.constant 200 : i32
    %mul3A_868 = arith.muli %add3A_866, %mul3A_867 : i32
    %multiple_of3A_869 = tpu.assume_multiple %mul3A_868, 8 : i32
    %dma_start3A_870 = arith.constant 0 : i32
    %dma_start3A_871 = tpu.memref_slice %arg7[%multiple_of3A_869, %dma_start3A_870] : memref<204800x128xf32, #tpu.memory_space<hbm>> -> memref<200x128xf32, #tpu.memory_space<hbm>>
    %dma_start3A_872 = arith.constant 0 : i32
    %dma_start3A_873 = tpu.memref_slice %arg7[%multiple_of3A_869, %dma_start3A_872] : memref<204800x128xf32, #tpu.memory_space<hbm>> -> memref<200x128xf32, #tpu.memory_space<hbm>>
    tpu.enqueue_dma source(%arg12 : memref<200x128xf32, #tpu.memory_space<vmem>>) target(%dma_start3A_873 : memref<200x128xf32, #tpu.memory_space<hbm>>) target_semaphore(%arg18 : memref<!tpu.dma_semaphore, #tpu.memory_space<semaphore_mem>>)
    %dma_wait3A_874 = arith.constant 0 : i32
    %dma_wait3A_875 = tpu.memref_slice %arg7[%multiple_of3A_824, %dma_wait3A_874] : memref<204800x128xf32, #tpu.memory_space<hbm>> -> memref<200x128xf32, #tpu.memory_space<hbm>>
    %dma_wait3A_876 = arith.constant 0 : i32
    %dma_wait3A_877 = tpu.memref_slice %arg7[%multiple_of3A_824, %dma_wait3A_876] : memref<204800x128xf32, #tpu.memory_space<hbm>> -> memref<200x128xf32, #tpu.memory_space<hbm>>
    tpu.wait_dma2 semaphore(%arg20 : memref<!tpu.dma_semaphore, #tpu.memory_space<semaphore_mem>>) src(%arg14 : memref<200x128xf32, #tpu.memory_space<vmem>>) dst(%dma_wait3A_877 : memref<200x128xf32, #tpu.memory_space<hbm>>)
    %multiple_of3A_878 = arith.constant 4000 : i32
    %multiple_of3A_879 = tpu.assume_multiple %multiple_of3A_878, 8 : i32
    %dma_start3A_880 = arith.constant 0 : i32
    %dma_start3A_881 = arith.constant 0 : i32
    %dma_start3A_882 = tpu.memref_slice %arg14[%dma_start3A_880, %dma_start3A_881] : memref<200x128xf32, #tpu.memory_space<vmem>> -> memref<128x128xf32, #tpu.memory_space<vmem>>
    %dma_start3A_883 = tpu.memref_slice %arg11[%multiple_of3A_879] : memref<6400xi32, #tpu.memory_space<vmem>> -> memref<128xi32, #tpu.memory_space<vmem>>
    %dma_start3A_884 = arith.constant 0 : i32
    %dma_start3A_885 = arith.constant 0 : i32
    %dma_start3A_886 = tpu.memref_slice %arg4[%dma_start3A_884, %dma_start3A_885] : memref<100000x128xf32, #tpu.memory_space<hbm>> -> memref<100000x128xf32, #tpu.memory_space<hbm>>
    tpu.enqueue_indirect_dma source(%dma_start3A_886 : memref<100000x128xf32, #tpu.memory_space<hbm>>) target(%dma_start3A_882 : memref<128x128xf32, #tpu.memory_space<vmem>>) offsets(%dma_start3A_883 : memref<128xi32, #tpu.memory_space<vmem>>) semaphore(%arg17 : memref<!tpu.dma_semaphore, #tpu.memory_space<semaphore_mem>>)
    %add3A_887 = arith.constant 128 : i32
    %add3A_888 = arith.addi %multiple_of3A_879, %add3A_887 : i32
    %dma_start3A_889 = arith.constant 128 : i32
    %dma_start3A_890 = arith.constant 0 : i32
    %dma_start3A_891 = tpu.memref_slice %arg14[%dma_start3A_889, %dma_start3A_890] : memref<200x128xf32, #tpu.memory_space<vmem>> -> memref<72x128xf32, #tpu.memory_space<vmem>>
    %dma_start3A_892 = tpu.memref_slice %arg11[%add3A_888] : memref<6400xi32, #tpu.memory_space<vmem>> -> memref<72xi32, #tpu.memory_space<vmem>>
    %dma_start3A_893 = arith.constant 0 : i32
    %dma_start3A_894 = arith.constant 0 : i32
    %dma_start3A_895 = tpu.memref_slice %arg4[%dma_start3A_893, %dma_start3A_894] : memref<100000x128xf32, #tpu.memory_space<hbm>> -> memref<100000x128xf32, #tpu.memory_space<hbm>>
    tpu.enqueue_indirect_dma source(%dma_start3A_895 : memref<100000x128xf32, #tpu.memory_space<hbm>>) target(%dma_start3A_891 : memref<72x128xf32, #tpu.memory_space<vmem>>) offsets(%dma_start3A_892 : memref<72xi32, #tpu.memory_space<vmem>>) semaphore(%arg17 : memref<!tpu.dma_semaphore, #tpu.memory_space<semaphore_mem>>)
    %dma_wait3A_896 = arith.constant 0 : i32
    %dma_wait3A_897 = arith.constant 0 : i32
    %dma_wait3A_898 = tpu.memref_slice %arg13[%dma_wait3A_896, %dma_wait3A_897] : memref<200x128xf32, #tpu.memory_space<vmem>> -> memref<128x128xf32, #tpu.memory_space<vmem>>
    %dma_wait3A_899 = tpu.memref_slice %arg11[%multiple_of3A_834] : memref<6400xi32, #tpu.memory_space<vmem>> -> memref<128xi32, #tpu.memory_space<vmem>>
    %dma_wait3A_900 = arith.constant 0 : i32
    %dma_wait3A_901 = arith.constant 0 : i32
    %dma_wait3A_902 = tpu.memref_slice %arg4[%dma_wait3A_900, %dma_wait3A_901] : memref<100000x128xf32, #tpu.memory_space<hbm>> -> memref<100000x128xf32, #tpu.memory_space<hbm>>
    tpu.wait_indirect_dma semaphore(%arg16 : memref<!tpu.dma_semaphore, #tpu.memory_space<semaphore_mem>>) src(%dma_wait3A_902 : memref<100000x128xf32, #tpu.memory_space<hbm>>) dst(%dma_wait3A_898 : memref<128x128xf32, #tpu.memory_space<vmem>>)
    %dma_wait3A_903 = arith.constant 128 : i32
    %dma_wait3A_904 = arith.constant 0 : i32
    %dma_wait3A_905 = tpu.memref_slice %arg13[%dma_wait3A_903, %dma_wait3A_904] : memref<200x128xf32, #tpu.memory_space<vmem>> -> memref<72x128xf32, #tpu.memory_space<vmem>>
    %dma_wait3A_906 = tpu.memref_slice %arg11[%add3A_843] : memref<6400xi32, #tpu.memory_space<vmem>> -> memref<72xi32, #tpu.memory_space<vmem>>
    %dma_wait3A_907 = arith.constant 0 : i32
    %dma_wait3A_908 = arith.constant 0 : i32
    %dma_wait3A_909 = tpu.memref_slice %arg4[%dma_wait3A_907, %dma_wait3A_908] : memref<100000x128xf32, #tpu.memory_space<hbm>> -> memref<100000x128xf32, #tpu.memory_space<hbm>>
    tpu.wait_indirect_dma semaphore(%arg16 : memref<!tpu.dma_semaphore, #tpu.memory_space<semaphore_mem>>) src(%dma_wait3A_909 : memref<100000x128xf32, #tpu.memory_space<hbm>>) dst(%dma_wait3A_905 : memref<72x128xf32, #tpu.memory_space<vmem>>)
    %add3A_910 = arith.constant 19 : i32
    %add3A_911 = arith.addi %multiple_of3A, %add3A_910 : i32
    %mul3A_912 = arith.constant 200 : i32
    %mul3A_913 = arith.muli %add3A_911, %mul3A_912 : i32
    %multiple_of3A_914 = tpu.assume_multiple %mul3A_913, 8 : i32
    %dma_start3A_915 = arith.constant 0 : i32
    %dma_start3A_916 = tpu.memref_slice %arg7[%multiple_of3A_914, %dma_start3A_915] : memref<204800x128xf32, #tpu.memory_space<hbm>> -> memref<200x128xf32, #tpu.memory_space<hbm>>
    %dma_start3A_917 = arith.constant 0 : i32
    %dma_start3A_918 = tpu.memref_slice %arg7[%multiple_of3A_914, %dma_start3A_917] : memref<204800x128xf32, #tpu.memory_space<hbm>> -> memref<200x128xf32, #tpu.memory_space<hbm>>
    tpu.enqueue_dma source(%arg13 : memref<200x128xf32, #tpu.memory_space<vmem>>) target(%dma_start3A_918 : memref<200x128xf32, #tpu.memory_space<hbm>>) target_semaphore(%arg19 : memref<!tpu.dma_semaphore, #tpu.memory_space<semaphore_mem>>)
    %dma_wait3A_919 = arith.constant 0 : i32
    %dma_wait3A_920 = tpu.memref_slice %arg7[%multiple_of3A_869, %dma_wait3A_919] : memref<204800x128xf32, #tpu.memory_space<hbm>> -> memref<200x128xf32, #tpu.memory_space<hbm>>
    %dma_wait3A_921 = arith.constant 0 : i32
    %dma_wait3A_922 = tpu.memref_slice %arg7[%multiple_of3A_869, %dma_wait3A_921] : memref<204800x128xf32, #tpu.memory_space<hbm>> -> memref<200x128xf32, #tpu.memory_space<hbm>>
    tpu.wait_dma2 semaphore(%arg18 : memref<!tpu.dma_semaphore, #tpu.memory_space<semaphore_mem>>) src(%arg12 : memref<200x128xf32, #tpu.memory_space<vmem>>) dst(%dma_wait3A_922 : memref<200x128xf32, #tpu.memory_space<hbm>>)
    %multiple_of3A_923 = arith.constant 4200 : i32
    %multiple_of3A_924 = tpu.assume_multiple %multiple_of3A_923, 8 : i32
    %dma_start3A_925 = arith.constant 0 : i32
    %dma_start3A_926 = arith.constant 0 : i32
    %dma_start3A_927 = tpu.memref_slice %arg12[%dma_start3A_925, %dma_start3A_926] : memref<200x128xf32, #tpu.memory_space<vmem>> -> memref<128x128xf32, #tpu.memory_space<vmem>>
    %dma_start3A_928 = tpu.memref_slice %arg11[%multiple_of3A_924] : memref<6400xi32, #tpu.memory_space<vmem>> -> memref<128xi32, #tpu.memory_space<vmem>>
    %dma_start3A_929 = arith.constant 0 : i32
    %dma_start3A_930 = arith.constant 0 : i32
    %dma_start3A_931 = tpu.memref_slice %arg4[%dma_start3A_929, %dma_start3A_930] : memref<100000x128xf32, #tpu.memory_space<hbm>> -> memref<100000x128xf32, #tpu.memory_space<hbm>>
    tpu.enqueue_indirect_dma source(%dma_start3A_931 : memref<100000x128xf32, #tpu.memory_space<hbm>>) target(%dma_start3A_927 : memref<128x128xf32, #tpu.memory_space<vmem>>) offsets(%dma_start3A_928 : memref<128xi32, #tpu.memory_space<vmem>>) semaphore(%arg15 : memref<!tpu.dma_semaphore, #tpu.memory_space<semaphore_mem>>)
    %add3A_932 = arith.constant 128 : i32
    %add3A_933 = arith.addi %multiple_of3A_924, %add3A_932 : i32
    %dma_start3A_934 = arith.constant 128 : i32
    %dma_start3A_935 = arith.constant 0 : i32
    %dma_start3A_936 = tpu.memref_slice %arg12[%dma_start3A_934, %dma_start3A_935] : memref<200x128xf32, #tpu.memory_space<vmem>> -> memref<72x128xf32, #tpu.memory_space<vmem>>
    %dma_start3A_937 = tpu.memref_slice %arg11[%add3A_933] : memref<6400xi32, #tpu.memory_space<vmem>> -> memref<72xi32, #tpu.memory_space<vmem>>
    %dma_start3A_938 = arith.constant 0 : i32
    %dma_start3A_939 = arith.constant 0 : i32
    %dma_start3A_940 = tpu.memref_slice %arg4[%dma_start3A_938, %dma_start3A_939] : memref<100000x128xf32, #tpu.memory_space<hbm>> -> memref<100000x128xf32, #tpu.memory_space<hbm>>
    tpu.enqueue_indirect_dma source(%dma_start3A_940 : memref<100000x128xf32, #tpu.memory_space<hbm>>) target(%dma_start3A_936 : memref<72x128xf32, #tpu.memory_space<vmem>>) offsets(%dma_start3A_937 : memref<72xi32, #tpu.memory_space<vmem>>) semaphore(%arg15 : memref<!tpu.dma_semaphore, #tpu.memory_space<semaphore_mem>>)
    %dma_wait3A_941 = arith.constant 0 : i32
    %dma_wait3A_942 = arith.constant 0 : i32
    %dma_wait3A_943 = tpu.memref_slice %arg14[%dma_wait3A_941, %dma_wait3A_942] : memref<200x128xf32, #tpu.memory_space<vmem>> -> memref<128x128xf32, #tpu.memory_space<vmem>>
    %dma_wait3A_944 = tpu.memref_slice %arg11[%multiple_of3A_879] : memref<6400xi32, #tpu.memory_space<vmem>> -> memref<128xi32, #tpu.memory_space<vmem>>
    %dma_wait3A_945 = arith.constant 0 : i32
    %dma_wait3A_946 = arith.constant 0 : i32
    %dma_wait3A_947 = tpu.memref_slice %arg4[%dma_wait3A_945, %dma_wait3A_946] : memref<100000x128xf32, #tpu.memory_space<hbm>> -> memref<100000x128xf32, #tpu.memory_space<hbm>>
    tpu.wait_indirect_dma semaphore(%arg17 : memref<!tpu.dma_semaphore, #tpu.memory_space<semaphore_mem>>) src(%dma_wait3A_947 : memref<100000x128xf32, #tpu.memory_space<hbm>>) dst(%dma_wait3A_943 : memref<128x128xf32, #tpu.memory_space<vmem>>)
    %dma_wait3A_948 = arith.constant 128 : i32
    %dma_wait3A_949 = arith.constant 0 : i32
    %dma_wait3A_950 = tpu.memref_slice %arg14[%dma_wait3A_948, %dma_wait3A_949] : memref<200x128xf32, #tpu.memory_space<vmem>> -> memref<72x128xf32, #tpu.memory_space<vmem>>
    %dma_wait3A_951 = tpu.memref_slice %arg11[%add3A_888] : memref<6400xi32, #tpu.memory_space<vmem>> -> memref<72xi32, #tpu.memory_space<vmem>>
    %dma_wait3A_952 = arith.constant 0 : i32
    %dma_wait3A_953 = arith.constant 0 : i32
    %dma_wait3A_954 = tpu.memref_slice %arg4[%dma_wait3A_952, %dma_wait3A_953] : memref<100000x128xf32, #tpu.memory_space<hbm>> -> memref<100000x128xf32, #tpu.memory_space<hbm>>
    tpu.wait_indirect_dma semaphore(%arg17 : memref<!tpu.dma_semaphore, #tpu.memory_space<semaphore_mem>>) src(%dma_wait3A_954 : memref<100000x128xf32, #tpu.memory_space<hbm>>) dst(%dma_wait3A_950 : memref<72x128xf32, #tpu.memory_space<vmem>>)
    %add3A_955 = arith.constant 20 : i32
    %add3A_956 = arith.addi %multiple_of3A, %add3A_955 : i32
    %mul3A_957 = arith.constant 200 : i32
    %mul3A_958 = arith.muli %add3A_956, %mul3A_957 : i32
    %multiple_of3A_959 = tpu.assume_multiple %mul3A_958, 8 : i32
    %dma_start3A_960 = arith.constant 0 : i32
    %dma_start3A_961 = tpu.memref_slice %arg7[%multiple_of3A_959, %dma_start3A_960] : memref<204800x128xf32, #tpu.memory_space<hbm>> -> memref<200x128xf32, #tpu.memory_space<hbm>>
    %dma_start3A_962 = arith.constant 0 : i32
    %dma_start3A_963 = tpu.memref_slice %arg7[%multiple_of3A_959, %dma_start3A_962] : memref<204800x128xf32, #tpu.memory_space<hbm>> -> memref<200x128xf32, #tpu.memory_space<hbm>>
    tpu.enqueue_dma source(%arg14 : memref<200x128xf32, #tpu.memory_space<vmem>>) target(%dma_start3A_963 : memref<200x128xf32, #tpu.memory_space<hbm>>) target_semaphore(%arg20 : memref<!tpu.dma_semaphore, #tpu.memory_space<semaphore_mem>>)
    %dma_wait3A_964 = arith.constant 0 : i32
    %dma_wait3A_965 = tpu.memref_slice %arg7[%multiple_of3A_914, %dma_wait3A_964] : memref<204800x128xf32, #tpu.memory_space<hbm>> -> memref<200x128xf32, #tpu.memory_space<hbm>>
    %dma_wait3A_966 = arith.constant 0 : i32
    %dma_wait3A_967 = tpu.memref_slice %arg7[%multiple_of3A_914, %dma_wait3A_966] : memref<204800x128xf32, #tpu.memory_space<hbm>> -> memref<200x128xf32, #tpu.memory_space<hbm>>
    tpu.wait_dma2 semaphore(%arg19 : memref<!tpu.dma_semaphore, #tpu.memory_space<semaphore_mem>>) src(%arg13 : memref<200x128xf32, #tpu.memory_space<vmem>>) dst(%dma_wait3A_967 : memref<200x128xf32, #tpu.memory_space<hbm>>)
    %multiple_of3A_968 = arith.constant 4400 : i32
    %multiple_of3A_969 = tpu.assume_multiple %multiple_of3A_968, 8 : i32
    %dma_start3A_970 = arith.constant 0 : i32
    %dma_start3A_971 = arith.constant 0 : i32
    %dma_start3A_972 = tpu.memref_slice %arg13[%dma_start3A_970, %dma_start3A_971] : memref<200x128xf32, #tpu.memory_space<vmem>> -> memref<128x128xf32, #tpu.memory_space<vmem>>
    %dma_start3A_973 = tpu.memref_slice %arg11[%multiple_of3A_969] : memref<6400xi32, #tpu.memory_space<vmem>> -> memref<128xi32, #tpu.memory_space<vmem>>
    %dma_start3A_974 = arith.constant 0 : i32
    %dma_start3A_975 = arith.constant 0 : i32
    %dma_start3A_976 = tpu.memref_slice %arg4[%dma_start3A_974, %dma_start3A_975] : memref<100000x128xf32, #tpu.memory_space<hbm>> -> memref<100000x128xf32, #tpu.memory_space<hbm>>
    tpu.enqueue_indirect_dma source(%dma_start3A_976 : memref<100000x128xf32, #tpu.memory_space<hbm>>) target(%dma_start3A_972 : memref<128x128xf32, #tpu.memory_space<vmem>>) offsets(%dma_start3A_973 : memref<128xi32, #tpu.memory_space<vmem>>) semaphore(%arg16 : memref<!tpu.dma_semaphore, #tpu.memory_space<semaphore_mem>>)
    %add3A_977 = arith.constant 128 : i32
    %add3A_978 = arith.addi %multiple_of3A_969, %add3A_977 : i32
    %dma_start3A_979 = arith.constant 128 : i32
    %dma_start3A_980 = arith.constant 0 : i32
    %dma_start3A_981 = tpu.memref_slice %arg13[%dma_start3A_979, %dma_start3A_980] : memref<200x128xf32, #tpu.memory_space<vmem>> -> memref<72x128xf32, #tpu.memory_space<vmem>>
    %dma_start3A_982 = tpu.memref_slice %arg11[%add3A_978] : memref<6400xi32, #tpu.memory_space<vmem>> -> memref<72xi32, #tpu.memory_space<vmem>>
    %dma_start3A_983 = arith.constant 0 : i32
    %dma_start3A_984 = arith.constant 0 : i32
    %dma_start3A_985 = tpu.memref_slice %arg4[%dma_start3A_983, %dma_start3A_984] : memref<100000x128xf32, #tpu.memory_space<hbm>> -> memref<100000x128xf32, #tpu.memory_space<hbm>>
    tpu.enqueue_indirect_dma source(%dma_start3A_985 : memref<100000x128xf32, #tpu.memory_space<hbm>>) target(%dma_start3A_981 : memref<72x128xf32, #tpu.memory_space<vmem>>) offsets(%dma_start3A_982 : memref<72xi32, #tpu.memory_space<vmem>>) semaphore(%arg16 : memref<!tpu.dma_semaphore, #tpu.memory_space<semaphore_mem>>)
    %dma_wait3A_986 = arith.constant 0 : i32
    %dma_wait3A_987 = arith.constant 0 : i32
    %dma_wait3A_988 = tpu.memref_slice %arg12[%dma_wait3A_986, %dma_wait3A_987] : memref<200x128xf32, #tpu.memory_space<vmem>> -> memref<128x128xf32, #tpu.memory_space<vmem>>
    %dma_wait3A_989 = tpu.memref_slice %arg11[%multiple_of3A_924] : memref<6400xi32, #tpu.memory_space<vmem>> -> memref<128xi32, #tpu.memory_space<vmem>>
    %dma_wait3A_990 = arith.constant 0 : i32
    %dma_wait3A_991 = arith.constant 0 : i32
    %dma_wait3A_992 = tpu.memref_slice %arg4[%dma_wait3A_990, %dma_wait3A_991] : memref<100000x128xf32, #tpu.memory_space<hbm>> -> memref<100000x128xf32, #tpu.memory_space<hbm>>
    tpu.wait_indirect_dma semaphore(%arg15 : memref<!tpu.dma_semaphore, #tpu.memory_space<semaphore_mem>>) src(%dma_wait3A_992 : memref<100000x128xf32, #tpu.memory_space<hbm>>) dst(%dma_wait3A_988 : memref<128x128xf32, #tpu.memory_space<vmem>>)
    %dma_wait3A_993 = arith.constant 128 : i32
    %dma_wait3A_994 = arith.constant 0 : i32
    %dma_wait3A_995 = tpu.memref_slice %arg12[%dma_wait3A_993, %dma_wait3A_994] : memref<200x128xf32, #tpu.memory_space<vmem>> -> memref<72x128xf32, #tpu.memory_space<vmem>>
    %dma_wait3A_996 = tpu.memref_slice %arg11[%add3A_933] : memref<6400xi32, #tpu.memory_space<vmem>> -> memref<72xi32, #tpu.memory_space<vmem>>
    %dma_wait3A_997 = arith.constant 0 : i32
    %dma_wait3A_998 = arith.constant 0 : i32
    %dma_wait3A_999 = tpu.memref_slice %arg4[%dma_wait3A_997, %dma_wait3A_998] : memref<100000x128xf32, #tpu.memory_space<hbm>> -> memref<100000x128xf32, #tpu.memory_space<hbm>>
    tpu.wait_indirect_dma semaphore(%arg15 : memref<!tpu.dma_semaphore, #tpu.memory_space<semaphore_mem>>) src(%dma_wait3A_999 : memref<100000x128xf32, #tpu.memory_space<hbm>>) dst(%dma_wait3A_995 : memref<72x128xf32, #tpu.memory_space<vmem>>)
    %add3A_1000 = arith.constant 21 : i32
    %add3A_1001 = arith.addi %multiple_of3A, %add3A_1000 : i32
    %mul3A_1002 = arith.constant 200 : i32
    %mul3A_1003 = arith.muli %add3A_1001, %mul3A_1002 : i32
    %multiple_of3A_1004 = tpu.assume_multiple %mul3A_1003, 8 : i32
    %dma_start3A_1005 = arith.constant 0 : i32
    %dma_start3A_1006 = tpu.memref_slice %arg7[%multiple_of3A_1004, %dma_start3A_1005] : memref<204800x128xf32, #tpu.memory_space<hbm>> -> memref<200x128xf32, #tpu.memory_space<hbm>>
    %dma_start3A_1007 = arith.constant 0 : i32
    %dma_start3A_1008 = tpu.memref_slice %arg7[%multiple_of3A_1004, %dma_start3A_1007] : memref<204800x128xf32, #tpu.memory_space<hbm>> -> memref<200x128xf32, #tpu.memory_space<hbm>>
    tpu.enqueue_dma source(%arg12 : memref<200x128xf32, #tpu.memory_space<vmem>>) target(%dma_start3A_1008 : memref<200x128xf32, #tpu.memory_space<hbm>>) target_semaphore(%arg18 : memref<!tpu.dma_semaphore, #tpu.memory_space<semaphore_mem>>)
    %dma_wait3A_1009 = arith.constant 0 : i32
    %dma_wait3A_1010 = tpu.memref_slice %arg7[%multiple_of3A_959, %dma_wait3A_1009] : memref<204800x128xf32, #tpu.memory_space<hbm>> -> memref<200x128xf32, #tpu.memory_space<hbm>>
    %dma_wait3A_1011 = arith.constant 0 : i32
    %dma_wait3A_1012 = tpu.memref_slice %arg7[%multiple_of3A_959, %dma_wait3A_1011] : memref<204800x128xf32, #tpu.memory_space<hbm>> -> memref<200x128xf32, #tpu.memory_space<hbm>>
    tpu.wait_dma2 semaphore(%arg20 : memref<!tpu.dma_semaphore, #tpu.memory_space<semaphore_mem>>) src(%arg14 : memref<200x128xf32, #tpu.memory_space<vmem>>) dst(%dma_wait3A_1012 : memref<200x128xf32, #tpu.memory_space<hbm>>)
    %multiple_of3A_1013 = arith.constant 4600 : i32
    %multiple_of3A_1014 = tpu.assume_multiple %multiple_of3A_1013, 8 : i32
    %dma_start3A_1015 = arith.constant 0 : i32
    %dma_start3A_1016 = arith.constant 0 : i32
    %dma_start3A_1017 = tpu.memref_slice %arg14[%dma_start3A_1015, %dma_start3A_1016] : memref<200x128xf32, #tpu.memory_space<vmem>> -> memref<128x128xf32, #tpu.memory_space<vmem>>
    %dma_start3A_1018 = tpu.memref_slice %arg11[%multiple_of3A_1014] : memref<6400xi32, #tpu.memory_space<vmem>> -> memref<128xi32, #tpu.memory_space<vmem>>
    %dma_start3A_1019 = arith.constant 0 : i32
    %dma_start3A_1020 = arith.constant 0 : i32
    %dma_start3A_1021 = tpu.memref_slice %arg4[%dma_start3A_1019, %dma_start3A_1020] : memref<100000x128xf32, #tpu.memory_space<hbm>> -> memref<100000x128xf32, #tpu.memory_space<hbm>>
    tpu.enqueue_indirect_dma source(%dma_start3A_1021 : memref<100000x128xf32, #tpu.memory_space<hbm>>) target(%dma_start3A_1017 : memref<128x128xf32, #tpu.memory_space<vmem>>) offsets(%dma_start3A_1018 : memref<128xi32, #tpu.memory_space<vmem>>) semaphore(%arg17 : memref<!tpu.dma_semaphore, #tpu.memory_space<semaphore_mem>>)
    %add3A_1022 = arith.constant 128 : i32
    %add3A_1023 = arith.addi %multiple_of3A_1014, %add3A_1022 : i32
    %dma_start3A_1024 = arith.constant 128 : i32
    %dma_start3A_1025 = arith.constant 0 : i32
    %dma_start3A_1026 = tpu.memref_slice %arg14[%dma_start3A_1024, %dma_start3A_1025] : memref<200x128xf32, #tpu.memory_space<vmem>> -> memref<72x128xf32, #tpu.memory_space<vmem>>
    %dma_start3A_1027 = tpu.memref_slice %arg11[%add3A_1023] : memref<6400xi32, #tpu.memory_space<vmem>> -> memref<72xi32, #tpu.memory_space<vmem>>
    %dma_start3A_1028 = arith.constant 0 : i32
    %dma_start3A_1029 = arith.constant 0 : i32
    %dma_start3A_1030 = tpu.memref_slice %arg4[%dma_start3A_1028, %dma_start3A_1029] : memref<100000x128xf32, #tpu.memory_space<hbm>> -> memref<100000x128xf32, #tpu.memory_space<hbm>>
    tpu.enqueue_indirect_dma source(%dma_start3A_1030 : memref<100000x128xf32, #tpu.memory_space<hbm>>) target(%dma_start3A_1026 : memref<72x128xf32, #tpu.memory_space<vmem>>) offsets(%dma_start3A_1027 : memref<72xi32, #tpu.memory_space<vmem>>) semaphore(%arg17 : memref<!tpu.dma_semaphore, #tpu.memory_space<semaphore_mem>>)
    %dma_wait3A_1031 = arith.constant 0 : i32
    %dma_wait3A_1032 = arith.constant 0 : i32
    %dma_wait3A_1033 = tpu.memref_slice %arg13[%dma_wait3A_1031, %dma_wait3A_1032] : memref<200x128xf32, #tpu.memory_space<vmem>> -> memref<128x128xf32, #tpu.memory_space<vmem>>
    %dma_wait3A_1034 = tpu.memref_slice %arg11[%multiple_of3A_969] : memref<6400xi32, #tpu.memory_space<vmem>> -> memref<128xi32, #tpu.memory_space<vmem>>
    %dma_wait3A_1035 = arith.constant 0 : i32
    %dma_wait3A_1036 = arith.constant 0 : i32
    %dma_wait3A_1037 = tpu.memref_slice %arg4[%dma_wait3A_1035, %dma_wait3A_1036] : memref<100000x128xf32, #tpu.memory_space<hbm>> -> memref<100000x128xf32, #tpu.memory_space<hbm>>
    tpu.wait_indirect_dma semaphore(%arg16 : memref<!tpu.dma_semaphore, #tpu.memory_space<semaphore_mem>>) src(%dma_wait3A_1037 : memref<100000x128xf32, #tpu.memory_space<hbm>>) dst(%dma_wait3A_1033 : memref<128x128xf32, #tpu.memory_space<vmem>>)
    %dma_wait3A_1038 = arith.constant 128 : i32
    %dma_wait3A_1039 = arith.constant 0 : i32
    %dma_wait3A_1040 = tpu.memref_slice %arg13[%dma_wait3A_1038, %dma_wait3A_1039] : memref<200x128xf32, #tpu.memory_space<vmem>> -> memref<72x128xf32, #tpu.memory_space<vmem>>
    %dma_wait3A_1041 = tpu.memref_slice %arg11[%add3A_978] : memref<6400xi32, #tpu.memory_space<vmem>> -> memref<72xi32, #tpu.memory_space<vmem>>
    %dma_wait3A_1042 = arith.constant 0 : i32
    %dma_wait3A_1043 = arith.constant 0 : i32
    %dma_wait3A_1044 = tpu.memref_slice %arg4[%dma_wait3A_1042, %dma_wait3A_1043] : memref<100000x128xf32, #tpu.memory_space<hbm>> -> memref<100000x128xf32, #tpu.memory_space<hbm>>
    tpu.wait_indirect_dma semaphore(%arg16 : memref<!tpu.dma_semaphore, #tpu.memory_space<semaphore_mem>>) src(%dma_wait3A_1044 : memref<100000x128xf32, #tpu.memory_space<hbm>>) dst(%dma_wait3A_1040 : memref<72x128xf32, #tpu.memory_space<vmem>>)
    %add3A_1045 = arith.constant 22 : i32
    %add3A_1046 = arith.addi %multiple_of3A, %add3A_1045 : i32
    %mul3A_1047 = arith.constant 200 : i32
    %mul3A_1048 = arith.muli %add3A_1046, %mul3A_1047 : i32
    %multiple_of3A_1049 = tpu.assume_multiple %mul3A_1048, 8 : i32
    %dma_start3A_1050 = arith.constant 0 : i32
    %dma_start3A_1051 = tpu.memref_slice %arg7[%multiple_of3A_1049, %dma_start3A_1050] : memref<204800x128xf32, #tpu.memory_space<hbm>> -> memref<200x128xf32, #tpu.memory_space<hbm>>
    %dma_start3A_1052 = arith.constant 0 : i32
    %dma_start3A_1053 = tpu.memref_slice %arg7[%multiple_of3A_1049, %dma_start3A_1052] : memref<204800x128xf32, #tpu.memory_space<hbm>> -> memref<200x128xf32, #tpu.memory_space<hbm>>
    tpu.enqueue_dma source(%arg13 : memref<200x128xf32, #tpu.memory_space<vmem>>) target(%dma_start3A_1053 : memref<200x128xf32, #tpu.memory_space<hbm>>) target_semaphore(%arg19 : memref<!tpu.dma_semaphore, #tpu.memory_space<semaphore_mem>>)
    %dma_wait3A_1054 = arith.constant 0 : i32
    %dma_wait3A_1055 = tpu.memref_slice %arg7[%multiple_of3A_1004, %dma_wait3A_1054] : memref<204800x128xf32, #tpu.memory_space<hbm>> -> memref<200x128xf32, #tpu.memory_space<hbm>>
    %dma_wait3A_1056 = arith.constant 0 : i32
    %dma_wait3A_1057 = tpu.memref_slice %arg7[%multiple_of3A_1004, %dma_wait3A_1056] : memref<204800x128xf32, #tpu.memory_space<hbm>> -> memref<200x128xf32, #tpu.memory_space<hbm>>
    tpu.wait_dma2 semaphore(%arg18 : memref<!tpu.dma_semaphore, #tpu.memory_space<semaphore_mem>>) src(%arg12 : memref<200x128xf32, #tpu.memory_space<vmem>>) dst(%dma_wait3A_1057 : memref<200x128xf32, #tpu.memory_space<hbm>>)
    %multiple_of3A_1058 = arith.constant 4800 : i32
    %multiple_of3A_1059 = tpu.assume_multiple %multiple_of3A_1058, 8 : i32
    %dma_start3A_1060 = arith.constant 0 : i32
    %dma_start3A_1061 = arith.constant 0 : i32
    %dma_start3A_1062 = tpu.memref_slice %arg12[%dma_start3A_1060, %dma_start3A_1061] : memref<200x128xf32, #tpu.memory_space<vmem>> -> memref<128x128xf32, #tpu.memory_space<vmem>>
    %dma_start3A_1063 = tpu.memref_slice %arg11[%multiple_of3A_1059] : memref<6400xi32, #tpu.memory_space<vmem>> -> memref<128xi32, #tpu.memory_space<vmem>>
    %dma_start3A_1064 = arith.constant 0 : i32
    %dma_start3A_1065 = arith.constant 0 : i32
    %dma_start3A_1066 = tpu.memref_slice %arg4[%dma_start3A_1064, %dma_start3A_1065] : memref<100000x128xf32, #tpu.memory_space<hbm>> -> memref<100000x128xf32, #tpu.memory_space<hbm>>
    tpu.enqueue_indirect_dma source(%dma_start3A_1066 : memref<100000x128xf32, #tpu.memory_space<hbm>>) target(%dma_start3A_1062 : memref<128x128xf32, #tpu.memory_space<vmem>>) offsets(%dma_start3A_1063 : memref<128xi32, #tpu.memory_space<vmem>>) semaphore(%arg15 : memref<!tpu.dma_semaphore, #tpu.memory_space<semaphore_mem>>)
    %add3A_1067 = arith.constant 128 : i32
    %add3A_1068 = arith.addi %multiple_of3A_1059, %add3A_1067 : i32
    %dma_start3A_1069 = arith.constant 128 : i32
    %dma_start3A_1070 = arith.constant 0 : i32
    %dma_start3A_1071 = tpu.memref_slice %arg12[%dma_start3A_1069, %dma_start3A_1070] : memref<200x128xf32, #tpu.memory_space<vmem>> -> memref<72x128xf32, #tpu.memory_space<vmem>>
    %dma_start3A_1072 = tpu.memref_slice %arg11[%add3A_1068] : memref<6400xi32, #tpu.memory_space<vmem>> -> memref<72xi32, #tpu.memory_space<vmem>>
    %dma_start3A_1073 = arith.constant 0 : i32
    %dma_start3A_1074 = arith.constant 0 : i32
    %dma_start3A_1075 = tpu.memref_slice %arg4[%dma_start3A_1073, %dma_start3A_1074] : memref<100000x128xf32, #tpu.memory_space<hbm>> -> memref<100000x128xf32, #tpu.memory_space<hbm>>
    tpu.enqueue_indirect_dma source(%dma_start3A_1075 : memref<100000x128xf32, #tpu.memory_space<hbm>>) target(%dma_start3A_1071 : memref<72x128xf32, #tpu.memory_space<vmem>>) offsets(%dma_start3A_1072 : memref<72xi32, #tpu.memory_space<vmem>>) semaphore(%arg15 : memref<!tpu.dma_semaphore, #tpu.memory_space<semaphore_mem>>)
    %dma_wait3A_1076 = arith.constant 0 : i32
    %dma_wait3A_1077 = arith.constant 0 : i32
    %dma_wait3A_1078 = tpu.memref_slice %arg14[%dma_wait3A_1076, %dma_wait3A_1077] : memref<200x128xf32, #tpu.memory_space<vmem>> -> memref<128x128xf32, #tpu.memory_space<vmem>>
    %dma_wait3A_1079 = tpu.memref_slice %arg11[%multiple_of3A_1014] : memref<6400xi32, #tpu.memory_space<vmem>> -> memref<128xi32, #tpu.memory_space<vmem>>
    %dma_wait3A_1080 = arith.constant 0 : i32
    %dma_wait3A_1081 = arith.constant 0 : i32
    %dma_wait3A_1082 = tpu.memref_slice %arg4[%dma_wait3A_1080, %dma_wait3A_1081] : memref<100000x128xf32, #tpu.memory_space<hbm>> -> memref<100000x128xf32, #tpu.memory_space<hbm>>
    tpu.wait_indirect_dma semaphore(%arg17 : memref<!tpu.dma_semaphore, #tpu.memory_space<semaphore_mem>>) src(%dma_wait3A_1082 : memref<100000x128xf32, #tpu.memory_space<hbm>>) dst(%dma_wait3A_1078 : memref<128x128xf32, #tpu.memory_space<vmem>>)
    %dma_wait3A_1083 = arith.constant 128 : i32
    %dma_wait3A_1084 = arith.constant 0 : i32
    %dma_wait3A_1085 = tpu.memref_slice %arg14[%dma_wait3A_1083, %dma_wait3A_1084] : memref<200x128xf32, #tpu.memory_space<vmem>> -> memref<72x128xf32, #tpu.memory_space<vmem>>
    %dma_wait3A_1086 = tpu.memref_slice %arg11[%add3A_1023] : memref<6400xi32, #tpu.memory_space<vmem>> -> memref<72xi32, #tpu.memory_space<vmem>>
    %dma_wait3A_1087 = arith.constant 0 : i32
    %dma_wait3A_1088 = arith.constant 0 : i32
    %dma_wait3A_1089 = tpu.memref_slice %arg4[%dma_wait3A_1087, %dma_wait3A_1088] : memref<100000x128xf32, #tpu.memory_space<hbm>> -> memref<100000x128xf32, #tpu.memory_space<hbm>>
    tpu.wait_indirect_dma semaphore(%arg17 : memref<!tpu.dma_semaphore, #tpu.memory_space<semaphore_mem>>) src(%dma_wait3A_1089 : memref<100000x128xf32, #tpu.memory_space<hbm>>) dst(%dma_wait3A_1085 : memref<72x128xf32, #tpu.memory_space<vmem>>)
    %add3A_1090 = arith.constant 23 : i32
    %add3A_1091 = arith.addi %multiple_of3A, %add3A_1090 : i32
    %mul3A_1092 = arith.constant 200 : i32
    %mul3A_1093 = arith.muli %add3A_1091, %mul3A_1092 : i32
    %multiple_of3A_1094 = tpu.assume_multiple %mul3A_1093, 8 : i32
    %dma_start3A_1095 = arith.constant 0 : i32
    %dma_start3A_1096 = tpu.memref_slice %arg7[%multiple_of3A_1094, %dma_start3A_1095] : memref<204800x128xf32, #tpu.memory_space<hbm>> -> memref<200x128xf32, #tpu.memory_space<hbm>>
    %dma_start3A_1097 = arith.constant 0 : i32
    %dma_start3A_1098 = tpu.memref_slice %arg7[%multiple_of3A_1094, %dma_start3A_1097] : memref<204800x128xf32, #tpu.memory_space<hbm>> -> memref<200x128xf32, #tpu.memory_space<hbm>>
    tpu.enqueue_dma source(%arg14 : memref<200x128xf32, #tpu.memory_space<vmem>>) target(%dma_start3A_1098 : memref<200x128xf32, #tpu.memory_space<hbm>>) target_semaphore(%arg20 : memref<!tpu.dma_semaphore, #tpu.memory_space<semaphore_mem>>)
    %dma_wait3A_1099 = arith.constant 0 : i32
    %dma_wait3A_1100 = tpu.memref_slice %arg7[%multiple_of3A_1049, %dma_wait3A_1099] : memref<204800x128xf32, #tpu.memory_space<hbm>> -> memref<200x128xf32, #tpu.memory_space<hbm>>
    %dma_wait3A_1101 = arith.constant 0 : i32
    %dma_wait3A_1102 = tpu.memref_slice %arg7[%multiple_of3A_1049, %dma_wait3A_1101] : memref<204800x128xf32, #tpu.memory_space<hbm>> -> memref<200x128xf32, #tpu.memory_space<hbm>>
    tpu.wait_dma2 semaphore(%arg19 : memref<!tpu.dma_semaphore, #tpu.memory_space<semaphore_mem>>) src(%arg13 : memref<200x128xf32, #tpu.memory_space<vmem>>) dst(%dma_wait3A_1102 : memref<200x128xf32, #tpu.memory_space<hbm>>)
    %multiple_of3A_1103 = arith.constant 5000 : i32
    %multiple_of3A_1104 = tpu.assume_multiple %multiple_of3A_1103, 8 : i32
    %dma_start3A_1105 = arith.constant 0 : i32
    %dma_start3A_1106 = arith.constant 0 : i32
    %dma_start3A_1107 = tpu.memref_slice %arg13[%dma_start3A_1105, %dma_start3A_1106] : memref<200x128xf32, #tpu.memory_space<vmem>> -> memref<128x128xf32, #tpu.memory_space<vmem>>
    %dma_start3A_1108 = tpu.memref_slice %arg11[%multiple_of3A_1104] : memref<6400xi32, #tpu.memory_space<vmem>> -> memref<128xi32, #tpu.memory_space<vmem>>
    %dma_start3A_1109 = arith.constant 0 : i32
    %dma_start3A_1110 = arith.constant 0 : i32
    %dma_start3A_1111 = tpu.memref_slice %arg4[%dma_start3A_1109, %dma_start3A_1110] : memref<100000x128xf32, #tpu.memory_space<hbm>> -> memref<100000x128xf32, #tpu.memory_space<hbm>>
    tpu.enqueue_indirect_dma source(%dma_start3A_1111 : memref<100000x128xf32, #tpu.memory_space<hbm>>) target(%dma_start3A_1107 : memref<128x128xf32, #tpu.memory_space<vmem>>) offsets(%dma_start3A_1108 : memref<128xi32, #tpu.memory_space<vmem>>) semaphore(%arg16 : memref<!tpu.dma_semaphore, #tpu.memory_space<semaphore_mem>>)
    %add3A_1112 = arith.constant 128 : i32
    %add3A_1113 = arith.addi %multiple_of3A_1104, %add3A_1112 : i32
    %dma_start3A_1114 = arith.constant 128 : i32
    %dma_start3A_1115 = arith.constant 0 : i32
    %dma_start3A_1116 = tpu.memref_slice %arg13[%dma_start3A_1114, %dma_start3A_1115] : memref<200x128xf32, #tpu.memory_space<vmem>> -> memref<72x128xf32, #tpu.memory_space<vmem>>
    %dma_start3A_1117 = tpu.memref_slice %arg11[%add3A_1113] : memref<6400xi32, #tpu.memory_space<vmem>> -> memref<72xi32, #tpu.memory_space<vmem>>
    %dma_start3A_1118 = arith.constant 0 : i32
    %dma_start3A_1119 = arith.constant 0 : i32
    %dma_start3A_1120 = tpu.memref_slice %arg4[%dma_start3A_1118, %dma_start3A_1119] : memref<100000x128xf32, #tpu.memory_space<hbm>> -> memref<100000x128xf32, #tpu.memory_space<hbm>>
    tpu.enqueue_indirect_dma source(%dma_start3A_1120 : memref<100000x128xf32, #tpu.memory_space<hbm>>) target(%dma_start3A_1116 : memref<72x128xf32, #tpu.memory_space<vmem>>) offsets(%dma_start3A_1117 : memref<72xi32, #tpu.memory_space<vmem>>) semaphore(%arg16 : memref<!tpu.dma_semaphore, #tpu.memory_space<semaphore_mem>>)
    %dma_wait3A_1121 = arith.constant 0 : i32
    %dma_wait3A_1122 = arith.constant 0 : i32
    %dma_wait3A_1123 = tpu.memref_slice %arg12[%dma_wait3A_1121, %dma_wait3A_1122] : memref<200x128xf32, #tpu.memory_space<vmem>> -> memref<128x128xf32, #tpu.memory_space<vmem>>
    %dma_wait3A_1124 = tpu.memref_slice %arg11[%multiple_of3A_1059] : memref<6400xi32, #tpu.memory_space<vmem>> -> memref<128xi32, #tpu.memory_space<vmem>>
    %dma_wait3A_1125 = arith.constant 0 : i32
    %dma_wait3A_1126 = arith.constant 0 : i32
    %dma_wait3A_1127 = tpu.memref_slice %arg4[%dma_wait3A_1125, %dma_wait3A_1126] : memref<100000x128xf32, #tpu.memory_space<hbm>> -> memref<100000x128xf32, #tpu.memory_space<hbm>>
    tpu.wait_indirect_dma semaphore(%arg15 : memref<!tpu.dma_semaphore, #tpu.memory_space<semaphore_mem>>) src(%dma_wait3A_1127 : memref<100000x128xf32, #tpu.memory_space<hbm>>) dst(%dma_wait3A_1123 : memref<128x128xf32, #tpu.memory_space<vmem>>)
    %dma_wait3A_1128 = arith.constant 128 : i32
    %dma_wait3A_1129 = arith.constant 0 : i32
    %dma_wait3A_1130 = tpu.memref_slice %arg12[%dma_wait3A_1128, %dma_wait3A_1129] : memref<200x128xf32, #tpu.memory_space<vmem>> -> memref<72x128xf32, #tpu.memory_space<vmem>>
    %dma_wait3A_1131 = tpu.memref_slice %arg11[%add3A_1068] : memref<6400xi32, #tpu.memory_space<vmem>> -> memref<72xi32, #tpu.memory_space<vmem>>
    %dma_wait3A_1132 = arith.constant 0 : i32
    %dma_wait3A_1133 = arith.constant 0 : i32
    %dma_wait3A_1134 = tpu.memref_slice %arg4[%dma_wait3A_1132, %dma_wait3A_1133] : memref<100000x128xf32, #tpu.memory_space<hbm>> -> memref<100000x128xf32, #tpu.memory_space<hbm>>
    tpu.wait_indirect_dma semaphore(%arg15 : memref<!tpu.dma_semaphore, #tpu.memory_space<semaphore_mem>>) src(%dma_wait3A_1134 : memref<100000x128xf32, #tpu.memory_space<hbm>>) dst(%dma_wait3A_1130 : memref<72x128xf32, #tpu.memory_space<vmem>>)
    %add3A_1135 = arith.constant 24 : i32
    %add3A_1136 = arith.addi %multiple_of3A, %add3A_1135 : i32
    %mul3A_1137 = arith.constant 200 : i32
    %mul3A_1138 = arith.muli %add3A_1136, %mul3A_1137 : i32
    %multiple_of3A_1139 = tpu.assume_multiple %mul3A_1138, 8 : i32
    %dma_start3A_1140 = arith.constant 0 : i32
    %dma_start3A_1141 = tpu.memref_slice %arg7[%multiple_of3A_1139, %dma_start3A_1140] : memref<204800x128xf32, #tpu.memory_space<hbm>> -> memref<200x128xf32, #tpu.memory_space<hbm>>
    %dma_start3A_1142 = arith.constant 0 : i32
    %dma_start3A_1143 = tpu.memref_slice %arg7[%multiple_of3A_1139, %dma_start3A_1142] : memref<204800x128xf32, #tpu.memory_space<hbm>> -> memref<200x128xf32, #tpu.memory_space<hbm>>
    tpu.enqueue_dma source(%arg12 : memref<200x128xf32, #tpu.memory_space<vmem>>) target(%dma_start3A_1143 : memref<200x128xf32, #tpu.memory_space<hbm>>) target_semaphore(%arg18 : memref<!tpu.dma_semaphore, #tpu.memory_space<semaphore_mem>>)
    %dma_wait3A_1144 = arith.constant 0 : i32
    %dma_wait3A_1145 = tpu.memref_slice %arg7[%multiple_of3A_1094, %dma_wait3A_1144] : memref<204800x128xf32, #tpu.memory_space<hbm>> -> memref<200x128xf32, #tpu.memory_space<hbm>>
    %dma_wait3A_1146 = arith.constant 0 : i32
    %dma_wait3A_1147 = tpu.memref_slice %arg7[%multiple_of3A_1094, %dma_wait3A_1146] : memref<204800x128xf32, #tpu.memory_space<hbm>> -> memref<200x128xf32, #tpu.memory_space<hbm>>
    tpu.wait_dma2 semaphore(%arg20 : memref<!tpu.dma_semaphore, #tpu.memory_space<semaphore_mem>>) src(%arg14 : memref<200x128xf32, #tpu.memory_space<vmem>>) dst(%dma_wait3A_1147 : memref<200x128xf32, #tpu.memory_space<hbm>>)
    %multiple_of3A_1148 = arith.constant 5200 : i32
    %multiple_of3A_1149 = tpu.assume_multiple %multiple_of3A_1148, 8 : i32
    %dma_start3A_1150 = arith.constant 0 : i32
    %dma_start3A_1151 = arith.constant 0 : i32
    %dma_start3A_1152 = tpu.memref_slice %arg14[%dma_start3A_1150, %dma_start3A_1151] : memref<200x128xf32, #tpu.memory_space<vmem>> -> memref<128x128xf32, #tpu.memory_space<vmem>>
    %dma_start3A_1153 = tpu.memref_slice %arg11[%multiple_of3A_1149] : memref<6400xi32, #tpu.memory_space<vmem>> -> memref<128xi32, #tpu.memory_space<vmem>>
    %dma_start3A_1154 = arith.constant 0 : i32
    %dma_start3A_1155 = arith.constant 0 : i32
    %dma_start3A_1156 = tpu.memref_slice %arg4[%dma_start3A_1154, %dma_start3A_1155] : memref<100000x128xf32, #tpu.memory_space<hbm>> -> memref<100000x128xf32, #tpu.memory_space<hbm>>
    tpu.enqueue_indirect_dma source(%dma_start3A_1156 : memref<100000x128xf32, #tpu.memory_space<hbm>>) target(%dma_start3A_1152 : memref<128x128xf32, #tpu.memory_space<vmem>>) offsets(%dma_start3A_1153 : memref<128xi32, #tpu.memory_space<vmem>>) semaphore(%arg17 : memref<!tpu.dma_semaphore, #tpu.memory_space<semaphore_mem>>)
    %add3A_1157 = arith.constant 128 : i32
    %add3A_1158 = arith.addi %multiple_of3A_1149, %add3A_1157 : i32
    %dma_start3A_1159 = arith.constant 128 : i32
    %dma_start3A_1160 = arith.constant 0 : i32
    %dma_start3A_1161 = tpu.memref_slice %arg14[%dma_start3A_1159, %dma_start3A_1160] : memref<200x128xf32, #tpu.memory_space<vmem>> -> memref<72x128xf32, #tpu.memory_space<vmem>>
    %dma_start3A_1162 = tpu.memref_slice %arg11[%add3A_1158] : memref<6400xi32, #tpu.memory_space<vmem>> -> memref<72xi32, #tpu.memory_space<vmem>>
    %dma_start3A_1163 = arith.constant 0 : i32
    %dma_start3A_1164 = arith.constant 0 : i32
    %dma_start3A_1165 = tpu.memref_slice %arg4[%dma_start3A_1163, %dma_start3A_1164] : memref<100000x128xf32, #tpu.memory_space<hbm>> -> memref<100000x128xf32, #tpu.memory_space<hbm>>
    tpu.enqueue_indirect_dma source(%dma_start3A_1165 : memref<100000x128xf32, #tpu.memory_space<hbm>>) target(%dma_start3A_1161 : memref<72x128xf32, #tpu.memory_space<vmem>>) offsets(%dma_start3A_1162 : memref<72xi32, #tpu.memory_space<vmem>>) semaphore(%arg17 : memref<!tpu.dma_semaphore, #tpu.memory_space<semaphore_mem>>)
    %dma_wait3A_1166 = arith.constant 0 : i32
    %dma_wait3A_1167 = arith.constant 0 : i32
    %dma_wait3A_1168 = tpu.memref_slice %arg13[%dma_wait3A_1166, %dma_wait3A_1167] : memref<200x128xf32, #tpu.memory_space<vmem>> -> memref<128x128xf32, #tpu.memory_space<vmem>>
    %dma_wait3A_1169 = tpu.memref_slice %arg11[%multiple_of3A_1104] : memref<6400xi32, #tpu.memory_space<vmem>> -> memref<128xi32, #tpu.memory_space<vmem>>
    %dma_wait3A_1170 = arith.constant 0 : i32
    %dma_wait3A_1171 = arith.constant 0 : i32
    %dma_wait3A_1172 = tpu.memref_slice %arg4[%dma_wait3A_1170, %dma_wait3A_1171] : memref<100000x128xf32, #tpu.memory_space<hbm>> -> memref<100000x128xf32, #tpu.memory_space<hbm>>
    tpu.wait_indirect_dma semaphore(%arg16 : memref<!tpu.dma_semaphore, #tpu.memory_space<semaphore_mem>>) src(%dma_wait3A_1172 : memref<100000x128xf32, #tpu.memory_space<hbm>>) dst(%dma_wait3A_1168 : memref<128x128xf32, #tpu.memory_space<vmem>>)
    %dma_wait3A_1173 = arith.constant 128 : i32
    %dma_wait3A_1174 = arith.constant 0 : i32
    %dma_wait3A_1175 = tpu.memref_slice %arg13[%dma_wait3A_1173, %dma_wait3A_1174] : memref<200x128xf32, #tpu.memory_space<vmem>> -> memref<72x128xf32, #tpu.memory_space<vmem>>
    %dma_wait3A_1176 = tpu.memref_slice %arg11[%add3A_1113] : memref<6400xi32, #tpu.memory_space<vmem>> -> memref<72xi32, #tpu.memory_space<vmem>>
    %dma_wait3A_1177 = arith.constant 0 : i32
    %dma_wait3A_1178 = arith.constant 0 : i32
    %dma_wait3A_1179 = tpu.memref_slice %arg4[%dma_wait3A_1177, %dma_wait3A_1178] : memref<100000x128xf32, #tpu.memory_space<hbm>> -> memref<100000x128xf32, #tpu.memory_space<hbm>>
    tpu.wait_indirect_dma semaphore(%arg16 : memref<!tpu.dma_semaphore, #tpu.memory_space<semaphore_mem>>) src(%dma_wait3A_1179 : memref<100000x128xf32, #tpu.memory_space<hbm>>) dst(%dma_wait3A_1175 : memref<72x128xf32, #tpu.memory_space<vmem>>)
    %add3A_1180 = arith.constant 25 : i32
    %add3A_1181 = arith.addi %multiple_of3A, %add3A_1180 : i32
    %mul3A_1182 = arith.constant 200 : i32
    %mul3A_1183 = arith.muli %add3A_1181, %mul3A_1182 : i32
    %multiple_of3A_1184 = tpu.assume_multiple %mul3A_1183, 8 : i32
    %dma_start3A_1185 = arith.constant 0 : i32
    %dma_start3A_1186 = tpu.memref_slice %arg7[%multiple_of3A_1184, %dma_start3A_1185] : memref<204800x128xf32, #tpu.memory_space<hbm>> -> memref<200x128xf32, #tpu.memory_space<hbm>>
    %dma_start3A_1187 = arith.constant 0 : i32
    %dma_start3A_1188 = tpu.memref_slice %arg7[%multiple_of3A_1184, %dma_start3A_1187] : memref<204800x128xf32, #tpu.memory_space<hbm>> -> memref<200x128xf32, #tpu.memory_space<hbm>>
    tpu.enqueue_dma source(%arg13 : memref<200x128xf32, #tpu.memory_space<vmem>>) target(%dma_start3A_1188 : memref<200x128xf32, #tpu.memory_space<hbm>>) target_semaphore(%arg19 : memref<!tpu.dma_semaphore, #tpu.memory_space<semaphore_mem>>)
    %dma_wait3A_1189 = arith.constant 0 : i32
    %dma_wait3A_1190 = tpu.memref_slice %arg7[%multiple_of3A_1139, %dma_wait3A_1189] : memref<204800x128xf32, #tpu.memory_space<hbm>> -> memref<200x128xf32, #tpu.memory_space<hbm>>
    %dma_wait3A_1191 = arith.constant 0 : i32
    %dma_wait3A_1192 = tpu.memref_slice %arg7[%multiple_of3A_1139, %dma_wait3A_1191] : memref<204800x128xf32, #tpu.memory_space<hbm>> -> memref<200x128xf32, #tpu.memory_space<hbm>>
    tpu.wait_dma2 semaphore(%arg18 : memref<!tpu.dma_semaphore, #tpu.memory_space<semaphore_mem>>) src(%arg12 : memref<200x128xf32, #tpu.memory_space<vmem>>) dst(%dma_wait3A_1192 : memref<200x128xf32, #tpu.memory_space<hbm>>)
    %multiple_of3A_1193 = arith.constant 5400 : i32
    %multiple_of3A_1194 = tpu.assume_multiple %multiple_of3A_1193, 8 : i32
    %dma_start3A_1195 = arith.constant 0 : i32
    %dma_start3A_1196 = arith.constant 0 : i32
    %dma_start3A_1197 = tpu.memref_slice %arg12[%dma_start3A_1195, %dma_start3A_1196] : memref<200x128xf32, #tpu.memory_space<vmem>> -> memref<128x128xf32, #tpu.memory_space<vmem>>
    %dma_start3A_1198 = tpu.memref_slice %arg11[%multiple_of3A_1194] : memref<6400xi32, #tpu.memory_space<vmem>> -> memref<128xi32, #tpu.memory_space<vmem>>
    %dma_start3A_1199 = arith.constant 0 : i32
    %dma_start3A_1200 = arith.constant 0 : i32
    %dma_start3A_1201 = tpu.memref_slice %arg4[%dma_start3A_1199, %dma_start3A_1200] : memref<100000x128xf32, #tpu.memory_space<hbm>> -> memref<100000x128xf32, #tpu.memory_space<hbm>>
    tpu.enqueue_indirect_dma source(%dma_start3A_1201 : memref<100000x128xf32, #tpu.memory_space<hbm>>) target(%dma_start3A_1197 : memref<128x128xf32, #tpu.memory_space<vmem>>) offsets(%dma_start3A_1198 : memref<128xi32, #tpu.memory_space<vmem>>) semaphore(%arg15 : memref<!tpu.dma_semaphore, #tpu.memory_space<semaphore_mem>>)
    %add3A_1202 = arith.constant 128 : i32
    %add3A_1203 = arith.addi %multiple_of3A_1194, %add3A_1202 : i32
    %dma_start3A_1204 = arith.constant 128 : i32
    %dma_start3A_1205 = arith.constant 0 : i32
    %dma_start3A_1206 = tpu.memref_slice %arg12[%dma_start3A_1204, %dma_start3A_1205] : memref<200x128xf32, #tpu.memory_space<vmem>> -> memref<72x128xf32, #tpu.memory_space<vmem>>
    %dma_start3A_1207 = tpu.memref_slice %arg11[%add3A_1203] : memref<6400xi32, #tpu.memory_space<vmem>> -> memref<72xi32, #tpu.memory_space<vmem>>
    %dma_start3A_1208 = arith.constant 0 : i32
    %dma_start3A_1209 = arith.constant 0 : i32
    %dma_start3A_1210 = tpu.memref_slice %arg4[%dma_start3A_1208, %dma_start3A_1209] : memref<100000x128xf32, #tpu.memory_space<hbm>> -> memref<100000x128xf32, #tpu.memory_space<hbm>>
    tpu.enqueue_indirect_dma source(%dma_start3A_1210 : memref<100000x128xf32, #tpu.memory_space<hbm>>) target(%dma_start3A_1206 : memref<72x128xf32, #tpu.memory_space<vmem>>) offsets(%dma_start3A_1207 : memref<72xi32, #tpu.memory_space<vmem>>) semaphore(%arg15 : memref<!tpu.dma_semaphore, #tpu.memory_space<semaphore_mem>>)
    %dma_wait3A_1211 = arith.constant 0 : i32
    %dma_wait3A_1212 = arith.constant 0 : i32
    %dma_wait3A_1213 = tpu.memref_slice %arg14[%dma_wait3A_1211, %dma_wait3A_1212] : memref<200x128xf32, #tpu.memory_space<vmem>> -> memref<128x128xf32, #tpu.memory_space<vmem>>
    %dma_wait3A_1214 = tpu.memref_slice %arg11[%multiple_of3A_1149] : memref<6400xi32, #tpu.memory_space<vmem>> -> memref<128xi32, #tpu.memory_space<vmem>>
    %dma_wait3A_1215 = arith.constant 0 : i32
    %dma_wait3A_1216 = arith.constant 0 : i32
    %dma_wait3A_1217 = tpu.memref_slice %arg4[%dma_wait3A_1215, %dma_wait3A_1216] : memref<100000x128xf32, #tpu.memory_space<hbm>> -> memref<100000x128xf32, #tpu.memory_space<hbm>>
    tpu.wait_indirect_dma semaphore(%arg17 : memref<!tpu.dma_semaphore, #tpu.memory_space<semaphore_mem>>) src(%dma_wait3A_1217 : memref<100000x128xf32, #tpu.memory_space<hbm>>) dst(%dma_wait3A_1213 : memref<128x128xf32, #tpu.memory_space<vmem>>)
    %dma_wait3A_1218 = arith.constant 128 : i32
    %dma_wait3A_1219 = arith.constant 0 : i32
    %dma_wait3A_1220 = tpu.memref_slice %arg14[%dma_wait3A_1218, %dma_wait3A_1219] : memref<200x128xf32, #tpu.memory_space<vmem>> -> memref<72x128xf32, #tpu.memory_space<vmem>>
    %dma_wait3A_1221 = tpu.memref_slice %arg11[%add3A_1158] : memref<6400xi32, #tpu.memory_space<vmem>> -> memref<72xi32, #tpu.memory_space<vmem>>
    %dma_wait3A_1222 = arith.constant 0 : i32
    %dma_wait3A_1223 = arith.constant 0 : i32
    %dma_wait3A_1224 = tpu.memref_slice %arg4[%dma_wait3A_1222, %dma_wait3A_1223] : memref<100000x128xf32, #tpu.memory_space<hbm>> -> memref<100000x128xf32, #tpu.memory_space<hbm>>
    tpu.wait_indirect_dma semaphore(%arg17 : memref<!tpu.dma_semaphore, #tpu.memory_space<semaphore_mem>>) src(%dma_wait3A_1224 : memref<100000x128xf32, #tpu.memory_space<hbm>>) dst(%dma_wait3A_1220 : memref<72x128xf32, #tpu.memory_space<vmem>>)
    %add3A_1225 = arith.constant 26 : i32
    %add3A_1226 = arith.addi %multiple_of3A, %add3A_1225 : i32
    %mul3A_1227 = arith.constant 200 : i32
    %mul3A_1228 = arith.muli %add3A_1226, %mul3A_1227 : i32
    %multiple_of3A_1229 = tpu.assume_multiple %mul3A_1228, 8 : i32
    %dma_start3A_1230 = arith.constant 0 : i32
    %dma_start3A_1231 = tpu.memref_slice %arg7[%multiple_of3A_1229, %dma_start3A_1230] : memref<204800x128xf32, #tpu.memory_space<hbm>> -> memref<200x128xf32, #tpu.memory_space<hbm>>
    %dma_start3A_1232 = arith.constant 0 : i32
    %dma_start3A_1233 = tpu.memref_slice %arg7[%multiple_of3A_1229, %dma_start3A_1232] : memref<204800x128xf32, #tpu.memory_space<hbm>> -> memref<200x128xf32, #tpu.memory_space<hbm>>
    tpu.enqueue_dma source(%arg14 : memref<200x128xf32, #tpu.memory_space<vmem>>) target(%dma_start3A_1233 : memref<200x128xf32, #tpu.memory_space<hbm>>) target_semaphore(%arg20 : memref<!tpu.dma_semaphore, #tpu.memory_space<semaphore_mem>>)
    %dma_wait3A_1234 = arith.constant 0 : i32
    %dma_wait3A_1235 = tpu.memref_slice %arg7[%multiple_of3A_1184, %dma_wait3A_1234] : memref<204800x128xf32, #tpu.memory_space<hbm>> -> memref<200x128xf32, #tpu.memory_space<hbm>>
    %dma_wait3A_1236 = arith.constant 0 : i32
    %dma_wait3A_1237 = tpu.memref_slice %arg7[%multiple_of3A_1184, %dma_wait3A_1236] : memref<204800x128xf32, #tpu.memory_space<hbm>> -> memref<200x128xf32, #tpu.memory_space<hbm>>
    tpu.wait_dma2 semaphore(%arg19 : memref<!tpu.dma_semaphore, #tpu.memory_space<semaphore_mem>>) src(%arg13 : memref<200x128xf32, #tpu.memory_space<vmem>>) dst(%dma_wait3A_1237 : memref<200x128xf32, #tpu.memory_space<hbm>>)
    %multiple_of3A_1238 = arith.constant 5600 : i32
    %multiple_of3A_1239 = tpu.assume_multiple %multiple_of3A_1238, 8 : i32
    %dma_start3A_1240 = arith.constant 0 : i32
    %dma_start3A_1241 = arith.constant 0 : i32
    %dma_start3A_1242 = tpu.memref_slice %arg13[%dma_start3A_1240, %dma_start3A_1241] : memref<200x128xf32, #tpu.memory_space<vmem>> -> memref<128x128xf32, #tpu.memory_space<vmem>>
    %dma_start3A_1243 = tpu.memref_slice %arg11[%multiple_of3A_1239] : memref<6400xi32, #tpu.memory_space<vmem>> -> memref<128xi32, #tpu.memory_space<vmem>>
    %dma_start3A_1244 = arith.constant 0 : i32
    %dma_start3A_1245 = arith.constant 0 : i32
    %dma_start3A_1246 = tpu.memref_slice %arg4[%dma_start3A_1244, %dma_start3A_1245] : memref<100000x128xf32, #tpu.memory_space<hbm>> -> memref<100000x128xf32, #tpu.memory_space<hbm>>
    tpu.enqueue_indirect_dma source(%dma_start3A_1246 : memref<100000x128xf32, #tpu.memory_space<hbm>>) target(%dma_start3A_1242 : memref<128x128xf32, #tpu.memory_space<vmem>>) offsets(%dma_start3A_1243 : memref<128xi32, #tpu.memory_space<vmem>>) semaphore(%arg16 : memref<!tpu.dma_semaphore, #tpu.memory_space<semaphore_mem>>)
    %add3A_1247 = arith.constant 128 : i32
    %add3A_1248 = arith.addi %multiple_of3A_1239, %add3A_1247 : i32
    %dma_start3A_1249 = arith.constant 128 : i32
    %dma_start3A_1250 = arith.constant 0 : i32
    %dma_start3A_1251 = tpu.memref_slice %arg13[%dma_start3A_1249, %dma_start3A_1250] : memref<200x128xf32, #tpu.memory_space<vmem>> -> memref<72x128xf32, #tpu.memory_space<vmem>>
    %dma_start3A_1252 = tpu.memref_slice %arg11[%add3A_1248] : memref<6400xi32, #tpu.memory_space<vmem>> -> memref<72xi32, #tpu.memory_space<vmem>>
    %dma_start3A_1253 = arith.constant 0 : i32
    %dma_start3A_1254 = arith.constant 0 : i32
    %dma_start3A_1255 = tpu.memref_slice %arg4[%dma_start3A_1253, %dma_start3A_1254] : memref<100000x128xf32, #tpu.memory_space<hbm>> -> memref<100000x128xf32, #tpu.memory_space<hbm>>
    tpu.enqueue_indirect_dma source(%dma_start3A_1255 : memref<100000x128xf32, #tpu.memory_space<hbm>>) target(%dma_start3A_1251 : memref<72x128xf32, #tpu.memory_space<vmem>>) offsets(%dma_start3A_1252 : memref<72xi32, #tpu.memory_space<vmem>>) semaphore(%arg16 : memref<!tpu.dma_semaphore, #tpu.memory_space<semaphore_mem>>)
    %dma_wait3A_1256 = arith.constant 0 : i32
    %dma_wait3A_1257 = arith.constant 0 : i32
    %dma_wait3A_1258 = tpu.memref_slice %arg12[%dma_wait3A_1256, %dma_wait3A_1257] : memref<200x128xf32, #tpu.memory_space<vmem>> -> memref<128x128xf32, #tpu.memory_space<vmem>>
    %dma_wait3A_1259 = tpu.memref_slice %arg11[%multiple_of3A_1194] : memref<6400xi32, #tpu.memory_space<vmem>> -> memref<128xi32, #tpu.memory_space<vmem>>
    %dma_wait3A_1260 = arith.constant 0 : i32
    %dma_wait3A_1261 = arith.constant 0 : i32
    %dma_wait3A_1262 = tpu.memref_slice %arg4[%dma_wait3A_1260, %dma_wait3A_1261] : memref<100000x128xf32, #tpu.memory_space<hbm>> -> memref<100000x128xf32, #tpu.memory_space<hbm>>
    tpu.wait_indirect_dma semaphore(%arg15 : memref<!tpu.dma_semaphore, #tpu.memory_space<semaphore_mem>>) src(%dma_wait3A_1262 : memref<100000x128xf32, #tpu.memory_space<hbm>>) dst(%dma_wait3A_1258 : memref<128x128xf32, #tpu.memory_space<vmem>>)
    %dma_wait3A_1263 = arith.constant 128 : i32
    %dma_wait3A_1264 = arith.constant 0 : i32
    %dma_wait3A_1265 = tpu.memref_slice %arg12[%dma_wait3A_1263, %dma_wait3A_1264] : memref<200x128xf32, #tpu.memory_space<vmem>> -> memref<72x128xf32, #tpu.memory_space<vmem>>
    %dma_wait3A_1266 = tpu.memref_slice %arg11[%add3A_1203] : memref<6400xi32, #tpu.memory_space<vmem>> -> memref<72xi32, #tpu.memory_space<vmem>>
    %dma_wait3A_1267 = arith.constant 0 : i32
    %dma_wait3A_1268 = arith.constant 0 : i32
    %dma_wait3A_1269 = tpu.memref_slice %arg4[%dma_wait3A_1267, %dma_wait3A_1268] : memref<100000x128xf32, #tpu.memory_space<hbm>> -> memref<100000x128xf32, #tpu.memory_space<hbm>>
    tpu.wait_indirect_dma semaphore(%arg15 : memref<!tpu.dma_semaphore, #tpu.memory_space<semaphore_mem>>) src(%dma_wait3A_1269 : memref<100000x128xf32, #tpu.memory_space<hbm>>) dst(%dma_wait3A_1265 : memref<72x128xf32, #tpu.memory_space<vmem>>)
    %add3A_1270 = arith.constant 27 : i32
    %add3A_1271 = arith.addi %multiple_of3A, %add3A_1270 : i32
    %mul3A_1272 = arith.constant 200 : i32
    %mul3A_1273 = arith.muli %add3A_1271, %mul3A_1272 : i32
    %multiple_of3A_1274 = tpu.assume_multiple %mul3A_1273, 8 : i32
    %dma_start3A_1275 = arith.constant 0 : i32
    %dma_start3A_1276 = tpu.memref_slice %arg7[%multiple_of3A_1274, %dma_start3A_1275] : memref<204800x128xf32, #tpu.memory_space<hbm>> -> memref<200x128xf32, #tpu.memory_space<hbm>>
    %dma_start3A_1277 = arith.constant 0 : i32
    %dma_start3A_1278 = tpu.memref_slice %arg7[%multiple_of3A_1274, %dma_start3A_1277] : memref<204800x128xf32, #tpu.memory_space<hbm>> -> memref<200x128xf32, #tpu.memory_space<hbm>>
    tpu.enqueue_dma source(%arg12 : memref<200x128xf32, #tpu.memory_space<vmem>>) target(%dma_start3A_1278 : memref<200x128xf32, #tpu.memory_space<hbm>>) target_semaphore(%arg18 : memref<!tpu.dma_semaphore, #tpu.memory_space<semaphore_mem>>)
    %dma_wait3A_1279 = arith.constant 0 : i32
    %dma_wait3A_1280 = tpu.memref_slice %arg7[%multiple_of3A_1229, %dma_wait3A_1279] : memref<204800x128xf32, #tpu.memory_space<hbm>> -> memref<200x128xf32, #tpu.memory_space<hbm>>
    %dma_wait3A_1281 = arith.constant 0 : i32
    %dma_wait3A_1282 = tpu.memref_slice %arg7[%multiple_of3A_1229, %dma_wait3A_1281] : memref<204800x128xf32, #tpu.memory_space<hbm>> -> memref<200x128xf32, #tpu.memory_space<hbm>>
    tpu.wait_dma2 semaphore(%arg20 : memref<!tpu.dma_semaphore, #tpu.memory_space<semaphore_mem>>) src(%arg14 : memref<200x128xf32, #tpu.memory_space<vmem>>) dst(%dma_wait3A_1282 : memref<200x128xf32, #tpu.memory_space<hbm>>)
    %multiple_of3A_1283 = arith.constant 5800 : i32
    %multiple_of3A_1284 = tpu.assume_multiple %multiple_of3A_1283, 8 : i32
    %dma_start3A_1285 = arith.constant 0 : i32
    %dma_start3A_1286 = arith.constant 0 : i32
    %dma_start3A_1287 = tpu.memref_slice %arg14[%dma_start3A_1285, %dma_start3A_1286] : memref<200x128xf32, #tpu.memory_space<vmem>> -> memref<128x128xf32, #tpu.memory_space<vmem>>
    %dma_start3A_1288 = tpu.memref_slice %arg11[%multiple_of3A_1284] : memref<6400xi32, #tpu.memory_space<vmem>> -> memref<128xi32, #tpu.memory_space<vmem>>
    %dma_start3A_1289 = arith.constant 0 : i32
    %dma_start3A_1290 = arith.constant 0 : i32
    %dma_start3A_1291 = tpu.memref_slice %arg4[%dma_start3A_1289, %dma_start3A_1290] : memref<100000x128xf32, #tpu.memory_space<hbm>> -> memref<100000x128xf32, #tpu.memory_space<hbm>>
    tpu.enqueue_indirect_dma source(%dma_start3A_1291 : memref<100000x128xf32, #tpu.memory_space<hbm>>) target(%dma_start3A_1287 : memref<128x128xf32, #tpu.memory_space<vmem>>) offsets(%dma_start3A_1288 : memref<128xi32, #tpu.memory_space<vmem>>) semaphore(%arg17 : memref<!tpu.dma_semaphore, #tpu.memory_space<semaphore_mem>>)
    %add3A_1292 = arith.constant 128 : i32
    %add3A_1293 = arith.addi %multiple_of3A_1284, %add3A_1292 : i32
    %dma_start3A_1294 = arith.constant 128 : i32
    %dma_start3A_1295 = arith.constant 0 : i32
    %dma_start3A_1296 = tpu.memref_slice %arg14[%dma_start3A_1294, %dma_start3A_1295] : memref<200x128xf32, #tpu.memory_space<vmem>> -> memref<72x128xf32, #tpu.memory_space<vmem>>
    %dma_start3A_1297 = tpu.memref_slice %arg11[%add3A_1293] : memref<6400xi32, #tpu.memory_space<vmem>> -> memref<72xi32, #tpu.memory_space<vmem>>
    %dma_start3A_1298 = arith.constant 0 : i32
    %dma_start3A_1299 = arith.constant 0 : i32
    %dma_start3A_1300 = tpu.memref_slice %arg4[%dma_start3A_1298, %dma_start3A_1299] : memref<100000x128xf32, #tpu.memory_space<hbm>> -> memref<100000x128xf32, #tpu.memory_space<hbm>>
    tpu.enqueue_indirect_dma source(%dma_start3A_1300 : memref<100000x128xf32, #tpu.memory_space<hbm>>) target(%dma_start3A_1296 : memref<72x128xf32, #tpu.memory_space<vmem>>) offsets(%dma_start3A_1297 : memref<72xi32, #tpu.memory_space<vmem>>) semaphore(%arg17 : memref<!tpu.dma_semaphore, #tpu.memory_space<semaphore_mem>>)
    %dma_wait3A_1301 = arith.constant 0 : i32
    %dma_wait3A_1302 = arith.constant 0 : i32
    %dma_wait3A_1303 = tpu.memref_slice %arg13[%dma_wait3A_1301, %dma_wait3A_1302] : memref<200x128xf32, #tpu.memory_space<vmem>> -> memref<128x128xf32, #tpu.memory_space<vmem>>
    %dma_wait3A_1304 = tpu.memref_slice %arg11[%multiple_of3A_1239] : memref<6400xi32, #tpu.memory_space<vmem>> -> memref<128xi32, #tpu.memory_space<vmem>>
    %dma_wait3A_1305 = arith.constant 0 : i32
    %dma_wait3A_1306 = arith.constant 0 : i32
    %dma_wait3A_1307 = tpu.memref_slice %arg4[%dma_wait3A_1305, %dma_wait3A_1306] : memref<100000x128xf32, #tpu.memory_space<hbm>> -> memref<100000x128xf32, #tpu.memory_space<hbm>>
    tpu.wait_indirect_dma semaphore(%arg16 : memref<!tpu.dma_semaphore, #tpu.memory_space<semaphore_mem>>) src(%dma_wait3A_1307 : memref<100000x128xf32, #tpu.memory_space<hbm>>) dst(%dma_wait3A_1303 : memref<128x128xf32, #tpu.memory_space<vmem>>)
    %dma_wait3A_1308 = arith.constant 128 : i32
    %dma_wait3A_1309 = arith.constant 0 : i32
    %dma_wait3A_1310 = tpu.memref_slice %arg13[%dma_wait3A_1308, %dma_wait3A_1309] : memref<200x128xf32, #tpu.memory_space<vmem>> -> memref<72x128xf32, #tpu.memory_space<vmem>>
    %dma_wait3A_1311 = tpu.memref_slice %arg11[%add3A_1248] : memref<6400xi32, #tpu.memory_space<vmem>> -> memref<72xi32, #tpu.memory_space<vmem>>
    %dma_wait3A_1312 = arith.constant 0 : i32
    %dma_wait3A_1313 = arith.constant 0 : i32
    %dma_wait3A_1314 = tpu.memref_slice %arg4[%dma_wait3A_1312, %dma_wait3A_1313] : memref<100000x128xf32, #tpu.memory_space<hbm>> -> memref<100000x128xf32, #tpu.memory_space<hbm>>
    tpu.wait_indirect_dma semaphore(%arg16 : memref<!tpu.dma_semaphore, #tpu.memory_space<semaphore_mem>>) src(%dma_wait3A_1314 : memref<100000x128xf32, #tpu.memory_space<hbm>>) dst(%dma_wait3A_1310 : memref<72x128xf32, #tpu.memory_space<vmem>>)
    %add3A_1315 = arith.constant 28 : i32
    %add3A_1316 = arith.addi %multiple_of3A, %add3A_1315 : i32
    %mul3A_1317 = arith.constant 200 : i32
    %mul3A_1318 = arith.muli %add3A_1316, %mul3A_1317 : i32
    %multiple_of3A_1319 = tpu.assume_multiple %mul3A_1318, 8 : i32
    %dma_start3A_1320 = arith.constant 0 : i32
    %dma_start3A_1321 = tpu.memref_slice %arg7[%multiple_of3A_1319, %dma_start3A_1320] : memref<204800x128xf32, #tpu.memory_space<hbm>> -> memref<200x128xf32, #tpu.memory_space<hbm>>
    %dma_start3A_1322 = arith.constant 0 : i32
    %dma_start3A_1323 = tpu.memref_slice %arg7[%multiple_of3A_1319, %dma_start3A_1322] : memref<204800x128xf32, #tpu.memory_space<hbm>> -> memref<200x128xf32, #tpu.memory_space<hbm>>
    tpu.enqueue_dma source(%arg13 : memref<200x128xf32, #tpu.memory_space<vmem>>) target(%dma_start3A_1323 : memref<200x128xf32, #tpu.memory_space<hbm>>) target_semaphore(%arg19 : memref<!tpu.dma_semaphore, #tpu.memory_space<semaphore_mem>>)
    %dma_wait3A_1324 = arith.constant 0 : i32
    %dma_wait3A_1325 = tpu.memref_slice %arg7[%multiple_of3A_1274, %dma_wait3A_1324] : memref<204800x128xf32, #tpu.memory_space<hbm>> -> memref<200x128xf32, #tpu.memory_space<hbm>>
    %dma_wait3A_1326 = arith.constant 0 : i32
    %dma_wait3A_1327 = tpu.memref_slice %arg7[%multiple_of3A_1274, %dma_wait3A_1326] : memref<204800x128xf32, #tpu.memory_space<hbm>> -> memref<200x128xf32, #tpu.memory_space<hbm>>
    tpu.wait_dma2 semaphore(%arg18 : memref<!tpu.dma_semaphore, #tpu.memory_space<semaphore_mem>>) src(%arg12 : memref<200x128xf32, #tpu.memory_space<vmem>>) dst(%dma_wait3A_1327 : memref<200x128xf32, #tpu.memory_space<hbm>>)
    %multiple_of3A_1328 = arith.constant 6000 : i32
    %multiple_of3A_1329 = tpu.assume_multiple %multiple_of3A_1328, 8 : i32
    %dma_start3A_1330 = arith.constant 0 : i32
    %dma_start3A_1331 = arith.constant 0 : i32
    %dma_start3A_1332 = tpu.memref_slice %arg12[%dma_start3A_1330, %dma_start3A_1331] : memref<200x128xf32, #tpu.memory_space<vmem>> -> memref<128x128xf32, #tpu.memory_space<vmem>>
    %dma_start3A_1333 = tpu.memref_slice %arg11[%multiple_of3A_1329] : memref<6400xi32, #tpu.memory_space<vmem>> -> memref<128xi32, #tpu.memory_space<vmem>>
    %dma_start3A_1334 = arith.constant 0 : i32
    %dma_start3A_1335 = arith.constant 0 : i32
    %dma_start3A_1336 = tpu.memref_slice %arg4[%dma_start3A_1334, %dma_start3A_1335] : memref<100000x128xf32, #tpu.memory_space<hbm>> -> memref<100000x128xf32, #tpu.memory_space<hbm>>
    tpu.enqueue_indirect_dma source(%dma_start3A_1336 : memref<100000x128xf32, #tpu.memory_space<hbm>>) target(%dma_start3A_1332 : memref<128x128xf32, #tpu.memory_space<vmem>>) offsets(%dma_start3A_1333 : memref<128xi32, #tpu.memory_space<vmem>>) semaphore(%arg15 : memref<!tpu.dma_semaphore, #tpu.memory_space<semaphore_mem>>)
    %add3A_1337 = arith.constant 128 : i32
    %add3A_1338 = arith.addi %multiple_of3A_1329, %add3A_1337 : i32
    %dma_start3A_1339 = arith.constant 128 : i32
    %dma_start3A_1340 = arith.constant 0 : i32
    %dma_start3A_1341 = tpu.memref_slice %arg12[%dma_start3A_1339, %dma_start3A_1340] : memref<200x128xf32, #tpu.memory_space<vmem>> -> memref<72x128xf32, #tpu.memory_space<vmem>>
    %dma_start3A_1342 = tpu.memref_slice %arg11[%add3A_1338] : memref<6400xi32, #tpu.memory_space<vmem>> -> memref<72xi32, #tpu.memory_space<vmem>>
    %dma_start3A_1343 = arith.constant 0 : i32
    %dma_start3A_1344 = arith.constant 0 : i32
    %dma_start3A_1345 = tpu.memref_slice %arg4[%dma_start3A_1343, %dma_start3A_1344] : memref<100000x128xf32, #tpu.memory_space<hbm>> -> memref<100000x128xf32, #tpu.memory_space<hbm>>
    tpu.enqueue_indirect_dma source(%dma_start3A_1345 : memref<100000x128xf32, #tpu.memory_space<hbm>>) target(%dma_start3A_1341 : memref<72x128xf32, #tpu.memory_space<vmem>>) offsets(%dma_start3A_1342 : memref<72xi32, #tpu.memory_space<vmem>>) semaphore(%arg15 : memref<!tpu.dma_semaphore, #tpu.memory_space<semaphore_mem>>)
    %dma_wait3A_1346 = arith.constant 0 : i32
    %dma_wait3A_1347 = arith.constant 0 : i32
    %dma_wait3A_1348 = tpu.memref_slice %arg14[%dma_wait3A_1346, %dma_wait3A_1347] : memref<200x128xf32, #tpu.memory_space<vmem>> -> memref<128x128xf32, #tpu.memory_space<vmem>>
    %dma_wait3A_1349 = tpu.memref_slice %arg11[%multiple_of3A_1284] : memref<6400xi32, #tpu.memory_space<vmem>> -> memref<128xi32, #tpu.memory_space<vmem>>
    %dma_wait3A_1350 = arith.constant 0 : i32
    %dma_wait3A_1351 = arith.constant 0 : i32
    %dma_wait3A_1352 = tpu.memref_slice %arg4[%dma_wait3A_1350, %dma_wait3A_1351] : memref<100000x128xf32, #tpu.memory_space<hbm>> -> memref<100000x128xf32, #tpu.memory_space<hbm>>
    tpu.wait_indirect_dma semaphore(%arg17 : memref<!tpu.dma_semaphore, #tpu.memory_space<semaphore_mem>>) src(%dma_wait3A_1352 : memref<100000x128xf32, #tpu.memory_space<hbm>>) dst(%dma_wait3A_1348 : memref<128x128xf32, #tpu.memory_space<vmem>>)
    %dma_wait3A_1353 = arith.constant 128 : i32
    %dma_wait3A_1354 = arith.constant 0 : i32
    %dma_wait3A_1355 = tpu.memref_slice %arg14[%dma_wait3A_1353, %dma_wait3A_1354] : memref<200x128xf32, #tpu.memory_space<vmem>> -> memref<72x128xf32, #tpu.memory_space<vmem>>
    %dma_wait3A_1356 = tpu.memref_slice %arg11[%add3A_1293] : memref<6400xi32, #tpu.memory_space<vmem>> -> memref<72xi32, #tpu.memory_space<vmem>>
    %dma_wait3A_1357 = arith.constant 0 : i32
    %dma_wait3A_1358 = arith.constant 0 : i32
    %dma_wait3A_1359 = tpu.memref_slice %arg4[%dma_wait3A_1357, %dma_wait3A_1358] : memref<100000x128xf32, #tpu.memory_space<hbm>> -> memref<100000x128xf32, #tpu.memory_space<hbm>>
    tpu.wait_indirect_dma semaphore(%arg17 : memref<!tpu.dma_semaphore, #tpu.memory_space<semaphore_mem>>) src(%dma_wait3A_1359 : memref<100000x128xf32, #tpu.memory_space<hbm>>) dst(%dma_wait3A_1355 : memref<72x128xf32, #tpu.memory_space<vmem>>)
    %add3A_1360 = arith.constant 29 : i32
    %add3A_1361 = arith.addi %multiple_of3A, %add3A_1360 : i32
    %mul3A_1362 = arith.constant 200 : i32
    %mul3A_1363 = arith.muli %add3A_1361, %mul3A_1362 : i32
    %multiple_of3A_1364 = tpu.assume_multiple %mul3A_1363, 8 : i32
    %dma_start3A_1365 = arith.constant 0 : i32
    %dma_start3A_1366 = tpu.memref_slice %arg7[%multiple_of3A_1364, %dma_start3A_1365] : memref<204800x128xf32, #tpu.memory_space<hbm>> -> memref<200x128xf32, #tpu.memory_space<hbm>>
    %dma_start3A_1367 = arith.constant 0 : i32
    %dma_start3A_1368 = tpu.memref_slice %arg7[%multiple_of3A_1364, %dma_start3A_1367] : memref<204800x128xf32, #tpu.memory_space<hbm>> -> memref<200x128xf32, #tpu.memory_space<hbm>>
    tpu.enqueue_dma source(%arg14 : memref<200x128xf32, #tpu.memory_space<vmem>>) target(%dma_start3A_1368 : memref<200x128xf32, #tpu.memory_space<hbm>>) target_semaphore(%arg20 : memref<!tpu.dma_semaphore, #tpu.memory_space<semaphore_mem>>)
    %dma_wait3A_1369 = arith.constant 0 : i32
    %dma_wait3A_1370 = tpu.memref_slice %arg7[%multiple_of3A_1319, %dma_wait3A_1369] : memref<204800x128xf32, #tpu.memory_space<hbm>> -> memref<200x128xf32, #tpu.memory_space<hbm>>
    %dma_wait3A_1371 = arith.constant 0 : i32
    %dma_wait3A_1372 = tpu.memref_slice %arg7[%multiple_of3A_1319, %dma_wait3A_1371] : memref<204800x128xf32, #tpu.memory_space<hbm>> -> memref<200x128xf32, #tpu.memory_space<hbm>>
    tpu.wait_dma2 semaphore(%arg19 : memref<!tpu.dma_semaphore, #tpu.memory_space<semaphore_mem>>) src(%arg13 : memref<200x128xf32, #tpu.memory_space<vmem>>) dst(%dma_wait3A_1372 : memref<200x128xf32, #tpu.memory_space<hbm>>)
    %multiple_of3A_1373 = arith.constant 6200 : i32
    %multiple_of3A_1374 = tpu.assume_multiple %multiple_of3A_1373, 8 : i32
    %dma_start3A_1375 = arith.constant 0 : i32
    %dma_start3A_1376 = arith.constant 0 : i32
    %dma_start3A_1377 = tpu.memref_slice %arg13[%dma_start3A_1375, %dma_start3A_1376] : memref<200x128xf32, #tpu.memory_space<vmem>> -> memref<128x128xf32, #tpu.memory_space<vmem>>
    %dma_start3A_1378 = tpu.memref_slice %arg11[%multiple_of3A_1374] : memref<6400xi32, #tpu.memory_space<vmem>> -> memref<128xi32, #tpu.memory_space<vmem>>
    %dma_start3A_1379 = arith.constant 0 : i32
    %dma_start3A_1380 = arith.constant 0 : i32
    %dma_start3A_1381 = tpu.memref_slice %arg4[%dma_start3A_1379, %dma_start3A_1380] : memref<100000x128xf32, #tpu.memory_space<hbm>> -> memref<100000x128xf32, #tpu.memory_space<hbm>>
    tpu.enqueue_indirect_dma source(%dma_start3A_1381 : memref<100000x128xf32, #tpu.memory_space<hbm>>) target(%dma_start3A_1377 : memref<128x128xf32, #tpu.memory_space<vmem>>) offsets(%dma_start3A_1378 : memref<128xi32, #tpu.memory_space<vmem>>) semaphore(%arg16 : memref<!tpu.dma_semaphore, #tpu.memory_space<semaphore_mem>>)
    %add3A_1382 = arith.constant 128 : i32
    %add3A_1383 = arith.addi %multiple_of3A_1374, %add3A_1382 : i32
    %dma_start3A_1384 = arith.constant 128 : i32
    %dma_start3A_1385 = arith.constant 0 : i32
    %dma_start3A_1386 = tpu.memref_slice %arg13[%dma_start3A_1384, %dma_start3A_1385] : memref<200x128xf32, #tpu.memory_space<vmem>> -> memref<72x128xf32, #tpu.memory_space<vmem>>
    %dma_start3A_1387 = tpu.memref_slice %arg11[%add3A_1383] : memref<6400xi32, #tpu.memory_space<vmem>> -> memref<72xi32, #tpu.memory_space<vmem>>
    %dma_start3A_1388 = arith.constant 0 : i32
    %dma_start3A_1389 = arith.constant 0 : i32
    %dma_start3A_1390 = tpu.memref_slice %arg4[%dma_start3A_1388, %dma_start3A_1389] : memref<100000x128xf32, #tpu.memory_space<hbm>> -> memref<100000x128xf32, #tpu.memory_space<hbm>>
    tpu.enqueue_indirect_dma source(%dma_start3A_1390 : memref<100000x128xf32, #tpu.memory_space<hbm>>) target(%dma_start3A_1386 : memref<72x128xf32, #tpu.memory_space<vmem>>) offsets(%dma_start3A_1387 : memref<72xi32, #tpu.memory_space<vmem>>) semaphore(%arg16 : memref<!tpu.dma_semaphore, #tpu.memory_space<semaphore_mem>>)
    %dma_wait3A_1391 = arith.constant 0 : i32
    %dma_wait3A_1392 = arith.constant 0 : i32
    %dma_wait3A_1393 = tpu.memref_slice %arg12[%dma_wait3A_1391, %dma_wait3A_1392] : memref<200x128xf32, #tpu.memory_space<vmem>> -> memref<128x128xf32, #tpu.memory_space<vmem>>
    %dma_wait3A_1394 = tpu.memref_slice %arg11[%multiple_of3A_1329] : memref<6400xi32, #tpu.memory_space<vmem>> -> memref<128xi32, #tpu.memory_space<vmem>>
    %dma_wait3A_1395 = arith.constant 0 : i32
    %dma_wait3A_1396 = arith.constant 0 : i32
    %dma_wait3A_1397 = tpu.memref_slice %arg4[%dma_wait3A_1395, %dma_wait3A_1396] : memref<100000x128xf32, #tpu.memory_space<hbm>> -> memref<100000x128xf32, #tpu.memory_space<hbm>>
    tpu.wait_indirect_dma semaphore(%arg15 : memref<!tpu.dma_semaphore, #tpu.memory_space<semaphore_mem>>) src(%dma_wait3A_1397 : memref<100000x128xf32, #tpu.memory_space<hbm>>) dst(%dma_wait3A_1393 : memref<128x128xf32, #tpu.memory_space<vmem>>)
    %dma_wait3A_1398 = arith.constant 128 : i32
    %dma_wait3A_1399 = arith.constant 0 : i32
    %dma_wait3A_1400 = tpu.memref_slice %arg12[%dma_wait3A_1398, %dma_wait3A_1399] : memref<200x128xf32, #tpu.memory_space<vmem>> -> memref<72x128xf32, #tpu.memory_space<vmem>>
    %dma_wait3A_1401 = tpu.memref_slice %arg11[%add3A_1338] : memref<6400xi32, #tpu.memory_space<vmem>> -> memref<72xi32, #tpu.memory_space<vmem>>
    %dma_wait3A_1402 = arith.constant 0 : i32
    %dma_wait3A_1403 = arith.constant 0 : i32
    %dma_wait3A_1404 = tpu.memref_slice %arg4[%dma_wait3A_1402, %dma_wait3A_1403] : memref<100000x128xf32, #tpu.memory_space<hbm>> -> memref<100000x128xf32, #tpu.memory_space<hbm>>
    tpu.wait_indirect_dma semaphore(%arg15 : memref<!tpu.dma_semaphore, #tpu.memory_space<semaphore_mem>>) src(%dma_wait3A_1404 : memref<100000x128xf32, #tpu.memory_space<hbm>>) dst(%dma_wait3A_1400 : memref<72x128xf32, #tpu.memory_space<vmem>>)
    %add3A_1405 = arith.constant 30 : i32
    %add3A_1406 = arith.addi %multiple_of3A, %add3A_1405 : i32
    %mul3A_1407 = arith.constant 200 : i32
    %mul3A_1408 = arith.muli %add3A_1406, %mul3A_1407 : i32
    %multiple_of3A_1409 = tpu.assume_multiple %mul3A_1408, 8 : i32
    %dma_start3A_1410 = arith.constant 0 : i32
    %dma_start3A_1411 = tpu.memref_slice %arg7[%multiple_of3A_1409, %dma_start3A_1410] : memref<204800x128xf32, #tpu.memory_space<hbm>> -> memref<200x128xf32, #tpu.memory_space<hbm>>
    %dma_start3A_1412 = arith.constant 0 : i32
    %dma_start3A_1413 = tpu.memref_slice %arg7[%multiple_of3A_1409, %dma_start3A_1412] : memref<204800x128xf32, #tpu.memory_space<hbm>> -> memref<200x128xf32, #tpu.memory_space<hbm>>
    tpu.enqueue_dma source(%arg12 : memref<200x128xf32, #tpu.memory_space<vmem>>) target(%dma_start3A_1413 : memref<200x128xf32, #tpu.memory_space<hbm>>) target_semaphore(%arg18 : memref<!tpu.dma_semaphore, #tpu.memory_space<semaphore_mem>>)
    %dma_wait3A_1414 = arith.constant 0 : i32
    %dma_wait3A_1415 = arith.constant 0 : i32
    %dma_wait3A_1416 = tpu.memref_slice %arg13[%dma_wait3A_1414, %dma_wait3A_1415] : memref<200x128xf32, #tpu.memory_space<vmem>> -> memref<128x128xf32, #tpu.memory_space<vmem>>
    %dma_wait3A_1417 = tpu.memref_slice %arg11[%multiple_of3A_1374] : memref<6400xi32, #tpu.memory_space<vmem>> -> memref<128xi32, #tpu.memory_space<vmem>>
    %dma_wait3A_1418 = arith.constant 0 : i32
    %dma_wait3A_1419 = arith.constant 0 : i32
    %dma_wait3A_1420 = tpu.memref_slice %arg4[%dma_wait3A_1418, %dma_wait3A_1419] : memref<100000x128xf32, #tpu.memory_space<hbm>> -> memref<100000x128xf32, #tpu.memory_space<hbm>>
    tpu.wait_indirect_dma semaphore(%arg16 : memref<!tpu.dma_semaphore, #tpu.memory_space<semaphore_mem>>) src(%dma_wait3A_1420 : memref<100000x128xf32, #tpu.memory_space<hbm>>) dst(%dma_wait3A_1416 : memref<128x128xf32, #tpu.memory_space<vmem>>)
    %dma_wait3A_1421 = arith.constant 128 : i32
    %dma_wait3A_1422 = arith.constant 0 : i32
    %dma_wait3A_1423 = tpu.memref_slice %arg13[%dma_wait3A_1421, %dma_wait3A_1422] : memref<200x128xf32, #tpu.memory_space<vmem>> -> memref<72x128xf32, #tpu.memory_space<vmem>>
    %dma_wait3A_1424 = tpu.memref_slice %arg11[%add3A_1383] : memref<6400xi32, #tpu.memory_space<vmem>> -> memref<72xi32, #tpu.memory_space<vmem>>
    %dma_wait3A_1425 = arith.constant 0 : i32
    %dma_wait3A_1426 = arith.constant 0 : i32
    %dma_wait3A_1427 = tpu.memref_slice %arg4[%dma_wait3A_1425, %dma_wait3A_1426] : memref<100000x128xf32, #tpu.memory_space<hbm>> -> memref<100000x128xf32, #tpu.memory_space<hbm>>
    tpu.wait_indirect_dma semaphore(%arg16 : memref<!tpu.dma_semaphore, #tpu.memory_space<semaphore_mem>>) src(%dma_wait3A_1427 : memref<100000x128xf32, #tpu.memory_space<hbm>>) dst(%dma_wait3A_1423 : memref<72x128xf32, #tpu.memory_space<vmem>>)
    %add3A_1428 = arith.constant 31 : i32
    %add3A_1429 = arith.addi %multiple_of3A, %add3A_1428 : i32
    %mul3A_1430 = arith.constant 200 : i32
    %mul3A_1431 = arith.muli %add3A_1429, %mul3A_1430 : i32
    %multiple_of3A_1432 = tpu.assume_multiple %mul3A_1431, 8 : i32
    %dma_start3A_1433 = arith.constant 0 : i32
    %dma_start3A_1434 = tpu.memref_slice %arg7[%multiple_of3A_1432, %dma_start3A_1433] : memref<204800x128xf32, #tpu.memory_space<hbm>> -> memref<200x128xf32, #tpu.memory_space<hbm>>
    %dma_start3A_1435 = arith.constant 0 : i32
    %dma_start3A_1436 = tpu.memref_slice %arg7[%multiple_of3A_1432, %dma_start3A_1435] : memref<204800x128xf32, #tpu.memory_space<hbm>> -> memref<200x128xf32, #tpu.memory_space<hbm>>
    tpu.enqueue_dma source(%arg13 : memref<200x128xf32, #tpu.memory_space<vmem>>) target(%dma_start3A_1436 : memref<200x128xf32, #tpu.memory_space<hbm>>) target_semaphore(%arg19 : memref<!tpu.dma_semaphore, #tpu.memory_space<semaphore_mem>>)
    %dma_wait3A_1437 = arith.constant 0 : i32
    %dma_wait3A_1438 = tpu.memref_slice %arg7[%multiple_of3A_1364, %dma_wait3A_1437] : memref<204800x128xf32, #tpu.memory_space<hbm>> -> memref<200x128xf32, #tpu.memory_space<hbm>>
    %dma_wait3A_1439 = arith.constant 0 : i32
    %dma_wait3A_1440 = tpu.memref_slice %arg7[%multiple_of3A_1364, %dma_wait3A_1439] : memref<204800x128xf32, #tpu.memory_space<hbm>> -> memref<200x128xf32, #tpu.memory_space<hbm>>
    tpu.wait_dma2 semaphore(%arg20 : memref<!tpu.dma_semaphore, #tpu.memory_space<semaphore_mem>>) src(%arg14 : memref<200x128xf32, #tpu.memory_space<vmem>>) dst(%dma_wait3A_1440 : memref<200x128xf32, #tpu.memory_space<hbm>>)
    %dma_wait3A_1441 = arith.constant 0 : i32
    %dma_wait3A_1442 = tpu.memref_slice %arg7[%multiple_of3A_1409, %dma_wait3A_1441] : memref<204800x128xf32, #tpu.memory_space<hbm>> -> memref<200x128xf32, #tpu.memory_space<hbm>>
    %dma_wait3A_1443 = arith.constant 0 : i32
    %dma_wait3A_1444 = tpu.memref_slice %arg7[%multiple_of3A_1409, %dma_wait3A_1443] : memref<204800x128xf32, #tpu.memory_space<hbm>> -> memref<200x128xf32, #tpu.memory_space<hbm>>
    tpu.wait_dma2 semaphore(%arg18 : memref<!tpu.dma_semaphore, #tpu.memory_space<semaphore_mem>>) src(%arg12 : memref<200x128xf32, #tpu.memory_space<vmem>>) dst(%dma_wait3A_1444 : memref<200x128xf32, #tpu.memory_space<hbm>>)
    %dma_wait3A_1445 = arith.constant 0 : i32
    %dma_wait3A_1446 = tpu.memref_slice %arg7[%multiple_of3A_1432, %dma_wait3A_1445] : memref<204800x128xf32, #tpu.memory_space<hbm>> -> memref<200x128xf32, #tpu.memory_space<hbm>>
    %dma_wait3A_1447 = arith.constant 0 : i32
    %dma_wait3A_1448 = tpu.memref_slice %arg7[%multiple_of3A_1432, %dma_wait3A_1447] : memref<204800x128xf32, #tpu.memory_space<hbm>> -> memref<200x128xf32, #tpu.memory_space<hbm>>
    tpu.wait_dma2 semaphore(%arg19 : memref<!tpu.dma_semaphore, #tpu.memory_space<semaphore_mem>>) src(%arg13 : memref<200x128xf32, #tpu.memory_space<vmem>>) dst(%dma_wait3A_1448 : memref<200x128xf32, #tpu.memory_space<hbm>>)
    return
  }
}

module attributes {stable_mosaic.version = 14 : i64} {
  func.func @_softplus_table_body(%arg0: memref<16x128xf32, #tpu.memory_space<vmem>>, %arg1: memref<128x128xf32, #tpu.memory_space<vmem>>, %arg2: memref<1x128xf32, #tpu.memory_space<vmem>>, %arg3: memref<16x128xf32, #tpu.memory_space<vmem>>) attributes {dimension_semantics = [], scalar_prefetch = 0 : i64, scratch_operands = 0 : i64, tpu.core_type = #tpu.core_type<tc>} {
    %get3A = arith.constant 0 : index
    %get3A_0 = arith.constant 0 : index
    %get3A_1 = vector.load %arg0[%get3A, %get3A_0] : memref<16x128xf32, #tpu.memory_space<vmem>>, vector<16x128xf32>
    %get3A_2 = arith.constant 0 : index
    %get3A_3 = arith.constant 0 : index
    %get3A_4 = vector.load %arg1[%get3A_2, %get3A_3] : memref<128x128xf32, #tpu.memory_space<vmem>>, vector<128x128xf32>
    %dot_general3A = arith.constant dense<0.000000e+00> : vector<16x128xf32>
    %dot_general3A_5 = tpu.matmul %get3A_1, %get3A_4, %dot_general3A {dimension_numbers = #tpu.dot_dimension_numbers<[1], [0], [0], [1], [0, 0, 1, 1], [], []>, transpose_lhs_hint = false} : vector<16x128xf32>, vector<128x128xf32>, vector<16x128xf32> -> vector<16x128xf32>
    %get3A_6 = arith.constant 0 : index
    %get3A_7 = arith.constant 0 : index
    %get3A_8 = vector.load %arg2[%get3A_6, %get3A_7] : memref<1x128xf32, #tpu.memory_space<vmem>>, vector<1x128xf32>
    %add3A = vector.broadcast %get3A_8 : vector<1x128xf32> to vector<16x128xf32>
    %add3A_9 = arith.addf %dot_general3A_5, %add3A : vector<16x128xf32>
    %max3A = arith.constant 0.000000e+00 : f32
    %max3A_10 = vector.broadcast %max3A : f32 to vector<16x128xf32>
    %max3A_11 = arith.maximumf %add3A_9, %max3A_10 : vector<16x128xf32>
    %sub3A = arith.subf %add3A_9, %max3A_11 : vector<16x128xf32>
    %exp3A = math.exp %sub3A : vector<16x128xf32>
    %neg3A = arith.constant 0.000000e+00 : f32
    %neg3A_12 = vector.broadcast %neg3A : f32 to vector<16x128xf32>
    %neg3A_13 = arith.subf %neg3A_12, %max3A_11 : vector<16x128xf32>
    %exp3A_14 = math.exp %neg3A_13 : vector<16x128xf32>
    %add3A_15 = arith.addf %exp3A, %exp3A_14 : vector<16x128xf32>
    %log3A = math.log %add3A_15 : vector<16x128xf32>
    %add3A_16 = arith.addf %max3A_11, %log3A : vector<16x128xf32>
    %swap3A = arith.constant 0 : index
    %swap3A_17 = arith.constant 0 : index
    %swap3A_18 = vector.load %arg3[%swap3A, %swap3A_17] : memref<16x128xf32, #tpu.memory_space<vmem>>, vector<16x128xf32>
    tpu.vector_store %arg3[%swap3A, %swap3A_17], %add3A_16 {strides = array<i32>} : memref<16x128xf32, #tpu.memory_space<vmem>>, vector<16x128xf32>,
    return
  }
}

</mosaic_0001>

<sc_bundles>
// kernel: kernel.4.cloned.1.call-start
scs
__scs_entry_jumppad:
0x0: {  	(pc) =	sbr.rel $0x88, $3  }
0x1: {  	(tag) =	ssettag $0x0;
	lr =	simm.s32 $0x1  }
0x2: {  	[smem:$0x3F9A] =	sst lr;
	_ =	strace $0xD0000000  }
0x3: {  	_ = 	snop  }
0x4: {  	_ = 	snop  }
0x5: {  	_ = 	snop  }
0x6: {  	_ = 	snop  }
0x7: {  	_ = 	snop  }
__scs_overlays_trampoline_lowered:
0x8: {  	[smem:$0x3FA9] =	sst s0  }
0x9: {  	[smem:$0x3FAA] =	sst s1  }
0xa: {  	[smem:$0x3FAB] =	sst s2  }
0xb: {  	[smem:$0x3FAC] =	sst s3  }
0xc: {  	[smem:$0x3FAD] =	sst s4  }
0xd: {  	[smem:$0x3FAE] =	sst s5  }
0xe: {  	[smem:$0x3FAF] =	sst s6  }
0xf: {  	[smem:$0x3FB0] =	sst s7  }
0x10: {  	[smem:$0x3FB1] =	sst s8  }
0x11: {  	[smem:$0x3FB2] =	sst s9;
	s0 =	simm.s32 @!p0 $0x0  }
0x12: {  	s1 =	sld [smem:$0x3F98];
	s0 =	simm.s32 @p0 $0x1  }
0x13: {  	[smem:$0x3FB3] =	sst s0;
	s0 =	simm.s32 @!p1 $0x0  }
0x14: {  	s2 =	sld [smem:$0x3F97];
	s0 =	simm.s32 @p1 $0x1  }
0x15: {  	[smem:$0x3FB4] =	sst s0;
	s0 =	simm.s32 @!p2 $0x0  }
0x16: {  	s3 =	sld [smem:$0x3FDB];
	s0 =	simm.s32 @p2 $0x1  }
0x17: {  	s4 =	simm.s32 $0x1BF5;
	[smem:$0x3FB6] =	sst s0  }
0x18: {  	s0 =	sld [smem:$0x3F99];
	_ =	swait.ge [sflag:s4], $0x0  }
0x19: {  	s7 =	sld [smem:$0x3F9A]  }
0x1a: {  	s8 =	sadd.s32 $0xFFFFE003, lr  }
0x1b: {  	s9 =	sadd.s32 $0xFFFFFEF7, lr;
	s5 =	simm.s32 $0xFFFFFFFF;
	p2 =	slt.u32 s8, $0xFFFFF086  }
0x1c: {  	p1 =	slt.u32 s9, $0xF7A;
	s5 =	simm.s32 @!p2 $0x0  }
0x1d: {  	s5 =	simm.s32 @p1 $0x1;
	p0 =	seq.s32 s7, s2  }
0x1e: {  	s7 =	smul.u32 @!p0 $0xF7A, s2;
	p2 =	seq.s32 @!p0 s5, $0x0  }
0x1f: {  	s9 =	smul.u32 $0xF7A, s1;
	s8 =	simm.s32 @!p0 $0x1BF5;
	p2 =	por !p2, p0  }
0x20: {  	[sflag:s8] =	ssyncset.s32 @!p0 $0xFFFFF086;
	s6 =	sadd.s32 @!p0 s3, s7;
	s7 =	simm.s32 @!p0 $0x108  }
0x21: {  	s3 =	sadd.s32 s3, s9;
	s6 =	sadd.s32 @!p0 $0x88, s6;
	s7 =	simm.s32 @p2 $0x1082  }
0x22: {  	[simem:s7], [sflag:s8] =	dma.local @!p0 [hbm:s6], $0xF7A  }
0x23: {  	s9 =	sor.u32 $0xD0000000, s2;
	s6 =	simm.s32 $0x108;
	_ =	swait.ge @!p0 [sflag:s8], $0x0  }
0x24: {  	s3 =	sadd.s32 $0x88, s3;
	s6 =	simm.s32 @!p1 $0x1082;
	[sflag:s4] =	ssyncset.s32 $0xFFFFF086  }
0x25: {  	[simem:s6], [sflag:s4] =	dma.local [hbm:s3], $0xF7A  }
0x26: {  	[smem:$0x3F9A] =	sst s1;
	(tag) =	ssettag s2;
	_ =	strace s9  }
0x27: {  	s1 =	sld [smem:$0x3FAA]  }
0x28: {  	s2 =	sld [smem:$0x3FAB]  }
0x29: {  	s4 =	sld [smem:$0x3FAD]  }
0x2a: {  	p0 =	seq.s32 s5, $0x0;
	s5 =	sld [smem:$0x3FAE]  }
0x2b: {  	s6 =	sld [smem:$0x3FAF]  }
0x2c: {  	s7 =	sld [smem:$0x3FB0]  }
0x2d: {  	s3 =	simm.s32 $0x108;
	s8 =	sld [smem:$0x3FB1]  }
0x2e: {  	s3 =	simm.s32 @!p0 $0x1082;
	s9 =	sld [smem:$0x3FB2]  }
0x2f: {  	lr =	sadd.s32 s0, s3;
	s0 =	sld [smem:$0x3FA9]  }
0x30: {  	s3 =	sld [smem:$0x3FAC]  }
0x31: {  	[smem:$0x3FB5] =	sst s10  }
0x32: {  	s10 =	sld [smem:$0x3FB3];
	_ =	sdelay $0x3  }
0x33: {  	p0 =	seq.s32 s10, $0x1;
	s10 =	sld [smem:$0x3FB5];
	_ =	sdelay $0x3  }
0x34: {  	[smem:$0x3FB5] =	sst s10  }
0x35: {  	s10 =	sld [smem:$0x3FB4];
	_ =	sdelay $0x3  }
0x36: {  	p1 =	seq.s32 s10, $0x1;
	s10 =	sld [smem:$0x3FB5];
	_ =	sdelay $0x3  }
0x37: {  	[smem:$0x3FB5] =	sst s10  }
0x38: {  	s10 =	sld [smem:$0x3FB6]  }
0x39: {  	_ = 	snop;
	(pc) =	sbr.ind lr, $3  }
0x3a: {  	_ = 	snop  }
0x3b: {  	_ = 	snop  }
0x3c: {  	p2 =	seq.s32 s10, $0x1;
	s10 =	sld [smem:$0x3FB5]  }
0x3d: {  	_ =	shalt  }
0x3e: {  	_ =	shalt  }
0x3f: {  	_ =	shalt  }
0x40: {  	_ =	shalt  }
0x41: {  	_ =	shalt  }
0x42: {  	_ =	shalt  }
0x43: {  	_ =	shalt  }
0x44: {  	_ =	shalt  }
0x45: {  	_ =	shalt  }
0x46: {  	_ =	shalt  }
0x47: {  	_ =	shalt  }
0x48: {  	_ =	shalt  }
0x49: {  	_ =	shalt  }
0x4a: {  	_ =	shalt  }
0x4b: {  	_ =	shalt  }
0x4c: {  	_ =	shalt  }
0x4d: {  	_ =	shalt  }
0x4e: {  	_ =	shalt  }
0x4f: {  	_ =	shalt  }
0x50: {  	_ =	shalt  }
0x51: {  	_ =	shalt  }
0x52: {  	_ =	shalt  }
0x53: {  	_ =	shalt  }
0x54: {  	_ =	shalt  }
0x55: {  	_ =	shalt  }
0x56: {  	_ =	shalt  }
0x57: {  	_ =	shalt  }
0x58: {  	_ =	shalt  }
0x59: {  	_ =	shalt  }
0x5a: {  	_ =	shalt  }
0x5b: {  	_ =	shalt  }
0x5c: {  	_ =	shalt  }
0x5d: {  	_ =	shalt  }
0x5e: {  	_ =	shalt  }
0x5f: {  	_ =	shalt  }
0x60: {  	_ =	shalt  }
0x61: {  	_ =	shalt  }
0x62: {  	_ =	shalt  }
0x63: {  	_ =	shalt  }
0x64: {  	_ =	shalt  }
0x65: {  	_ =	shalt  }
0x66: {  	_ =	shalt  }
0x67: {  	_ =	shalt  }
0x68: {  	_ =	shalt  }
0x69: {  	_ =	shalt  }
0x6a: {  	_ =	shalt  }
0x6b: {  	_ =	shalt  }
0x6c: {  	_ =	shalt  }
0x6d: {  	_ =	shalt  }
0x6e: {  	_ =	shalt  }
0x6f: {  	_ =	shalt  }
0x70: {  	_ =	shalt  }
0x71: {  	_ =	shalt  }
0x72: {  	_ =	shalt  }
0x73: {  	_ =	shalt  }
0x74: {  	_ =	shalt  }
0x75: {  	_ =	shalt  }
0x76: {  	_ =	shalt  }
0x77: {  	_ =	shalt  }
0x78: {  	_ =	shalt  }
0x79: {  	_ =	shalt  }
0x7a: {  	_ =	shalt  }
0x7b: {  	_ =	shalt  }
0x7c: {  	_ =	shalt  }
0x7d: {  	_ =	shalt  }
0x7e: {  	_ =	shalt  }
0x7f: {  	_ =	shalt  }
0x80: {  	_ =	shalt  }
0x81: {  	_ =	shalt  }
0x82: {  	_ =	shalt  }
0x83: {  	_ =	shalt  }
0x84: {  	_ =	shalt  }
0x85: {  	_ =	shalt  }
0x86: {  	_ =	shalt  }
0x87: {  	_ =	shalt  }
.Lfunc_end0:
.L_simem_size_0:
called_computation_lowered:
.L_overlay_start_0:
0x88: {  	s2 =	sld [smem:$0x3FD9]  }
0x89: {  	s3 =	sld [smem:$0x3FFE];
	_ =	sdelay $0x1  }
0x8a: {  	s1 =	srdreg.scid  }
0x8b: {  	s0 =	sand.u32 $0x1, s1  }
0x8c: {  	s17 =	sshll.u32 s0, $0xA;
	s2 =	sadd.s32 s3, s2  }
0x8d: {  	s2 =	sadd.s32 s2, s17  }
0x8e: {  	[smem:$0x3FC1] =	sst s2  }
0x8f: {  	_ = 	snop  }
0x90: {  	s2 =	sld [smem:$0x3FC8]  }
0x91: {  	s18 =	sld [smem:$0x3FC7]  }
0x92: {  	s4 =	sld [smem:$0x3FD0];
	(tm) =	ssettm $0x1  }
0x93: {  	s5 =	sld [smem:$0x3FFB];
	_ =	sdelay $0x3  }
0x94: {  	_ =	strace s5  }
0x95: {  	s5 =	sld [smem:$0x3FFC];
	_ =	sdelay $0x3  }
0x96: {  	_ =	strace s5  }
0x97: {  	s5 =	sld [smem:$0x3FFD];
	_ =	sdelay $0x3  }
0x98: {  	_ =	strace s5  }
0x99: {  	_ =	strace $0x8FFFFFFF  }
0x9a: {  	s19 =	sld [smem:$0x3FDB];
	_ =	sdelay $0x1  }
0x9b: {  	s6 =	simm.s32 $_scs_section_size  }
0x9c: {  	s7 =	simm.s32 $_size__tile_overlayer_lowered;
	s8 =	simm.s32 $_tile_overlayer_lowered  }
0x9d: {  	s22 =	simm.s32 $0x1BFF;
	s21 =	sshll.u32 s8, $0x1;
	s5 =	sadd.s32 s6, s19  }
0x9e: {  	s9 =	simm.s32 $0x0;
	s20 =	sshll.u32 s7, $0x1;
	s7 =	sadd.s32 s21, s5  }
0x9f: {  	[timem:s9], [sflag:s22] =	dma.local [hbm:s7], s20  }
0xa0: {  	_ =	swait.ge [sflag:s22], s20  }
0xa1: {  	s6 =	ssub.s32 $0x0, s20;
	[sflag:s22] =	ssyncset.done $0x0  }
0xa2: {  	[sflag:s22] =	ssyncadd.s32 s6;
	_ =	sdelay $0x1  }
0xa3: {  	s23 =	simm.s32 $0x1B8B  }
0xa4: {  	_ =	swait.ge [sflag:s23], $0x1  }
0xa5: {  	[sflag:s23] =	ssyncset.done $0x0  }
0xa6: {  	s25 =	simm.s32 $0x1B8E;
	s24 =	sld [smem:$0x3FFE];
	[sflag:s23] =	ssyncadd.s32 $0xFFFFFFFF  }
0xa7: {  	s26 =	simm.s32 $execute0_lowered;
	[smem:$0x3FD2] =	sst s25  }
0xa8: {  	s7 =	sshll.u32 s26, $0x1;
	_ =	strace $0x80000046;
	[dreg:$0x1] =	wrdreg $0xFFFFFFFF  }
0xa9: {  	s28 =	simm.s32 $_size_execute0_lowered;
	s5 =	sadd.s32 s5, s7;
	[dreg:$0x0] =	wrdreg $0x0  }
0xaa: {  	s7 =	sshll.u32 s28, $0x1;
	[dreg:$0x2] =	wrdreg s5  }
0xab: {  	[dreg:$0x3] =	wrdreg s7  }
0xac: {  	[dreg:$0x4] =	wrdreg $0xC0  }
0xad: {  	_ =	task [dreg:s9], $0x5FFFF  }
0xae: {  	[dreg:$0x1] =	wrdreg $0xFFFFFFFF  }
0xaf: {  	[dreg:$0x0] =	wrdreg $0x60  }
0xb0: {  	[dreg:$0x2] =	wrdreg s24  }
0xb1: {  	[dreg:$0x3] =	wrdreg s2  }
0xb2: {  	[dreg:$0x4] =	wrdreg s18  }
0xb3: {  	[dreg:$0x5] =	wrdreg s4  }
0xb4: {  	[dreg:$0x6] =	wrdreg $0x9  }
0xb5: {  	_ =	task.clear_ibuf [dreg:s9], $0x7FFFF;
	_ =	strace $0x90000046  }
0xb6: {  	s29 =	simm.s32 $0x9;
	_ =	strace $0x80000048  }
0xb7: {  	_ =	swait.ge [sflag:s29], $0x1  }
0xb8: {  	[sflag:s29] =	ssyncadd.s32 $0xFFFFFFFF  }
0xb9: {  	_ =	strace $0x90000048  }
0xba: {  	_ =	sfence  }
0xbb: {  	s30 =	sld [smem:$0x0];
	_ =	sdelay $0x2  }
0xbc: {  	s31 =	sshll.u32 s1, $0xD;
	s1 =	sshrl.u32 s1, $0x2  }
0xbd: {  	s3 =	sand.u32 $0x4000, s31;
	s1 =	sadd.s32 s1, s30  }
0xbe: {  	s0 =	sor.u32 s3, s0;
	s1 =	sshll.u32 s1, $0x11  }
0xbf: {  	s0 =	sor.u32 s1, s0  }
0xc0: {  	s0 =	sadd.s32 $0x8F2B, s0  }
0xc1: {  	[sflag:s0] =	ssyncadd.remote.s32 $0x1  }
0xc2: {  	_ =	sfence.sel $0xFFFF  }
0xc3: {  	[dreg:$0x0] =	wrdreg $0xFFFFFFFF;
	(pc) =	sbr.abs _section_cstart, $3  }
0xc4: {  	[dreg:$0x1] =	wrdreg $0xFFFFFFFF  }
0xc5: {  	_ =	task.clear_ibuf [dreg:s9], $0x2FFFF;
	_ =	strace $0x9FFFFFFF  }
0xc6: {  	(tm) =	ssettm $0x7FFFFFFF  }
0xc7: {  	_ =	shalt  }
tec
execute0_lowered:
.L_overlay_start_1:
0x0: {  	(tag) =	ssettag $0x1  }
0x1: {  	s4 =	rddreg [dreg:$0x0]  }
0x2: {  	s5 =	rddreg [dreg:$0x1]  }
0x3: {  	s2 =	rddreg [dreg:$0x2];
	s0 =	srdreg.scid  }
0x4: {  	s6 =	rddreg [dreg:$0x3];
	s1 =	stileid.u32;
	s0 =	sand.u32 $0x1, s0  }
0x5: {  	s3 =	simm.s32 $0x0;
	s7 =	sshll.u32 s1, $0x6;
	s8 =	sshll.u32 s0, $0x5  }
0x6: {  	[smem:$0x7FF] =	sst s3;
	s15 =	sadd.s32 $0xA00, s4;
	s7 =	sor.u32 s8, s7  }
0x7: {  	s16 =	sadd.s32 $0x7C00, s4;
	_ =	strace $0x80000047;
	s9 =	smul.u32 $0x19, s7  }
0x8: {  	[dreg:$0x5] =	wrdreg s15;
	s10 =	sshrl.u32 s7, $0x3;
	s11 =	smul.u32 $0xC80, s7  }
0x9: {  	[dreg:$0x6] =	wrdreg s16;
	s7 =	smul.u32 $0x6400, s7;
	s5 =	sadd.s32 s5, s10  }
0xa: {  	s4 =	sadd.s32 s9, s4;
	[dreg:$0x7] =	wrdreg s5  }
0xb: {  	s7 =	sshrl.u32 s7, $0x3;
	s17 =	sadd.s32 $0x1800, s4;
	s4 =	sadd.s32 s6, s11  }
0xc: {  	s6 =	sadd.s32 s6, s7;
	[dreg:$0x8] =	wrdreg s17;
	s18 =	sadd.s32 $0xC80, s4  }
0xd: {  	s19 =	sadd.s32 $0x1900, s6;
	[dreg:$0x9] =	wrdreg s18  }
0xe: {  	s20 =	sadd.s32 $0x2580, s6;
	[dreg:$0xa] =	wrdreg s19  }
0xf: {  	s21 =	sadd.s32 $0x3200, s6;
	[dreg:$0xb] =	wrdreg s20  }
0x10: {  	s22 =	sadd.s32 $0x3E80, s6;
	[dreg:$0xc] =	wrdreg s21  }
0x11: {  	s23 =	sadd.s32 $0x4B00, s6;
	[dreg:$0xd] =	wrdreg s22  }
0x12: {  	s24 =	sadd.s32 $0x5780, s6;
	[dreg:$0xe] =	wrdreg s23  }
0x13: {  	s25 =	sadd.s32 $0x6400, s6;
	[dreg:$0xf] =	wrdreg s24  }
0x14: {  	s26 =	sadd.s32 $0x7080, s6;
	[dreg:$0x10] =	wrdreg s25  }
0x15: {  	s1 =	sadd.s32 $0x7D00, s6;
	[dreg:$0x11] =	wrdreg s26  }
0x16: {  	s7 =	sadd.s32 $0x8980, s6;
	[dreg:$0x12] =	wrdreg s1  }
0x17: {  	s8 =	sadd.s32 $0x9600, s6;
	[dreg:$0x13] =	wrdreg s7  }
0x18: {  	s9 =	sadd.s32 $0xA280, s6;
	[dreg:$0x14] =	wrdreg s8  }
0x19: {  	s10 =	sadd.s32 $0xAF00, s6;
	[dreg:$0x15] =	wrdreg s9  }
0x1a: {  	s11 =	sadd.s32 $0xBB80, s6;
	[dreg:$0x16] =	wrdreg s10  }
0x1b: {  	s12 =	sadd.s32 $0xC800, s6;
	[dreg:$0x17] =	wrdreg s11  }
0x1c: {  	s13 =	sadd.s32 $0xD480, s6;
	[dreg:$0x18] =	wrdreg s12  }
0x1d: {  	s14 =	sadd.s32 $0xE100, s6;
	[dreg:$0x19] =	wrdreg s13  }
0x1e: {  	s15 =	sadd.s32 $0xED80, s6;
	[dreg:$0x1a] =	wrdreg s14  }
0x1f: {  	s16 =	sadd.s32 $0xFA00, s6;
	[dreg:$0x1b] =	wrdreg s15  }
0x20: {  	s17 =	sadd.s32 $0x10680, s6;
	[dreg:$0x1c] =	wrdreg s16  }
0x21: {  	[dreg:$0x1d] =	wrdreg s17;
	s18 =	sadd.s32 $0x11300, s6  }
0x22: {  	s19 =	sadd.s32 $0x11F80, s6;
	[dreg:$0x1e] =	wrdreg s18  }
0x23: {  	s20 =	sadd.s32 $0x12C00, s6;
	[dreg:$0x1f] =	wrdreg s19  }
0x24: {  	s21 =	sadd.s32 $0x13880, s6;
	[smem:$0x7F3] =	sst s20  }
0x25: {  	s22 =	sadd.s32 $0x14500, s6;
	[smem:$0x7F6] =	sst s21  }
0x26: {  	s23 =	sadd.s32 $0x15180, s6;
	[smem:$0x7F8] =	sst s22  }
0x27: {  	s24 =	sadd.s32 $0x15E00, s6;
	[smem:$0x7F9] =	sst s23  }
0x28: {  	s25 =	sadd.s32 $0x16A80, s6;
	[smem:$0x7FA] =	sst s24  }
0x29: {  	s26 =	sadd.s32 $0x17700, s6;
	[smem:$0x7FB] =	sst s25  }
0x2a: {  	s1 =	sadd.s32 $0x18380, s6;
	[smem:$0x7FC] =	sst s26  }
0x2b: {  	s6 =	simm.s32 $0x20;
	[smem:$0x7FD] =	sst s1  }
0x2c: {  	s7 =	simm.s32 $0x6400;
	[smem:$0x7BF] =	sst s6  }
0x2d: {  	s8 =	simm.s32 $0x7500;
	[smem:$0x7BE] =	sst s7  }
0x2e: {  	s9 =	simm.s32 $0x7548;
	[smem:$0x7C0] =	sst s8  }
0x2f: {  	s10 =	simm.s32 $0x75C8;
	[smem:$0x7C1] =	sst s9  }
0x30: {  	s11 =	simm.s32 $0x7610;
	[smem:$0x7C2] =	sst s10  }
0x31: {  	s12 =	simm.s32 $0x7690;
	[smem:$0x7C3] =	sst s11  }
0x32: {  	s13 =	simm.s32 $0x76D8;
	[smem:$0x7C4] =	sst s12  }
0x33: {  	s14 =	simm.s32 $0x7758;
	[smem:$0x7C5] =	sst s13  }
0x34: {  	s15 =	simm.s32 $0x77A0;
	[smem:$0x7C6] =	sst s14  }
0x35: {  	s16 =	simm.s32 $0x7820;
	[smem:$0x7C7] =	sst s15  }
0x36: {  	s17 =	simm.s32 $0x7868;
	[smem:$0x7C8] =	sst s16  }
0x37: {  	[smem:$0x7C9] =	sst s17;
	s18 =	simm.s32 $0x78E8  }
0x38: {  	s19 =	simm.s32 $0x7930;
	[smem:$0x7CA] =	sst s18  }
0x39: {  	s20 =	simm.s32 $0x79B0;
	[smem:$0x7CB] =	sst s19  }
0x3a: {  	s21 =	simm.s32 $0x79F8;
	[smem:$0x7CC] =	sst s20  }
0x3b: {  	s22 =	simm.s32 $0x7A78;
	[smem:$0x7CD] =	sst s21  }
0x3c: {  	s23 =	simm.s32 $0x7AC0;
	[smem:$0x7CE] =	sst s22  }
0x3d: {  	s24 =	simm.s32 $0x7B40;
	[smem:$0x7CF] =	sst s23  }
0x3e: {  	s25 =	simm.s32 $0x7B88;
	[smem:$0x7D0] =	sst s24  }
0x3f: {  	s26 =	simm.s32 $0x7C08;
	[smem:$0x7D1] =	sst s25  }
0x40: {  	s1 =	simm.s32 $0x7C50;
	[smem:$0x7D2] =	sst s26  }
0x41: {  	s6 =	simm.s32 $0x7CD0;
	[smem:$0x7D3] =	sst s1  }
0x42: {  	s7 =	simm.s32 $0x7D18;
	[smem:$0x7D4] =	sst s6  }
0x43: {  	s8 =	simm.s32 $0x7D98;
	[smem:$0x7D5] =	sst s7  }
0x44: {  	s9 =	simm.s32 $0x7DE0;
	[smem:$0x7D6] =	sst s8  }
0x45: {  	s10 =	simm.s32 $0x7E60;
	[smem:$0x7D7] =	sst s9  }
0x46: {  	s11 =	simm.s32 $0x7EA8;
	[smem:$0x7D8] =	sst s10  }
0x47: {  	s12 =	simm.s32 $0x7F28;
	[smem:$0x7D9] =	sst s11  }
0x48: {  	s13 =	simm.s32 $0x7F70;
	[smem:$0x7DA] =	sst s12  }
0x49: {  	s14 =	simm.s32 $0x7FF0;
	[smem:$0x7DB] =	sst s13  }
0x4a: {  	s15 =	simm.s32 $0x8038;
	[smem:$0x7DC] =	sst s14  }
0x4b: {  	s16 =	simm.s32 $0x80B8;
	[smem:$0x7DD] =	sst s15  }
0x4c: {  	s17 =	simm.s32 $0x8100;
	[smem:$0x7DE] =	sst s16  }
0x4d: {  	[smem:$0x7DF] =	sst s17  }
0x4e: {  	s18 =	simm.s32 $0x8180;
	s17 =	rddreg [dreg:$0x5]  }
0x4f: {  	s19 =	simm.s32 $0x81C8;
	[smem:$0x7E0] =	sst s18  }
0x50: {  	s20 =	simm.s32 $0x8248;
	[smem:$0x7E1] =	sst s19  }
0x51: {  	s21 =	simm.s32 $0x8290;
	[smem:$0x7E2] =	sst s20  }
0x52: {  	s22 =	simm.s32 $0x8310;
	[smem:$0x7E3] =	sst s21  }
0x53: {  	s23 =	simm.s32 $0x8358;
	[smem:$0x7E4] =	sst s22  }
0x54: {  	s24 =	simm.s32 $0x83D8;
	[smem:$0x7E5] =	sst s23  }
0x55: {  	s25 =	simm.s32 $0x8420;
	[smem:$0x7E6] =	sst s24  }
0x56: {  	s26 =	simm.s32 $0x84A0;
	[smem:$0x7E7] =	sst s25  }
0x57: {  	s1 =	simm.s32 $0x84E8;
	[smem:$0x7E8] =	sst s26  }
0x58: {  	s6 =	simm.s32 $0x8568;
	[smem:$0x7E9] =	sst s1  }
0x59: {  	s7 =	simm.s32 $0x85B0;
	[smem:$0x7EA] =	sst s6  }
0x5a: {  	s8 =	simm.s32 $0x8630;
	[smem:$0x7EB] =	sst s7  }
0x5b: {  	s9 =	simm.s32 $0x8678;
	[smem:$0x7EC] =	sst s8  }
0x5c: {  	s10 =	simm.s32 $0x86F8;
	[smem:$0x7ED] =	sst s9  }
0x5d: {  	s11 =	simm.s32 $0x8740;
	[smem:$0x7EE] =	sst s10  }
0x5e: {  	s12 =	simm.s32 $0x87C0;
	[smem:$0x7EF] =	sst s11  }
0x5f: {  	s13 =	simm.s32 $0x8808;
	[smem:$0x7F0] =	sst s12  }
0x60: {  	s14 =	simm.s32 $0x8888;
	[smem:$0x7F1] =	sst s13  }
0x61: {  	s15 =	simm.s32 $0x88D0;
	[smem:$0x7F2] =	sst s14  }
0x62: {  	s16 =	simm.s32 $0x8950;
	[smem:$0x7F4] =	sst s15  }
0x63: {  	[smem:$0x7F5] =	sst s16;
	s18 =	simm.s32 $0x8998  }
0x64: {  	[tilespmem:s3], [sflag:$0x7] =	stream.linear.gather [hbm4b:s17+s3], $0x6400, $0x38;
	[tilespmem:$0x1B980] =	vst v63  }
0x65: {  	s5 =	simm.s32 $0x7;
	[smem:$0x7F7] =	sst s18  }
0x66: {  	_ =	swait.ge [sflag:s5], $0x6400  }
0x67: {  	[sflag:s5] =	ssyncset.done $0x0  }
0x68: {  	s6 =	simm.s32 $0x7400;
	s19 =	rddreg [dreg:$0x7];
	[sflag:s5] =	ssyncadd.s32 $0xFFFF9C00  }
0x69: {  	[tilespmem:s6], [sflag:$0x7] =	stream.linear.gather [hbm4b:s19+s3], $0x20, $0x38;
	[tilespmem:$0x1B980] =	vst v63  }
0x6a: {  	_ =	swait.ge [sflag:s5], $0x20  }
0x6b: {  	[sflag:s5] =	ssyncset.done $0x0  }
0x6c: {  	s7 =	simm.s32 $0x7480;
	s20 =	rddreg [dreg:$0x8];
	[sflag:s5] =	ssyncadd.s32 $0xFFFFFFE0  }
0x6d: {  	[tilespmem:s7], [sflag:$0x7] =	stream.linear.gather [hbm4b:s20+s3], $0x1900, $0x38;
	[tilespmem:$0x1B980] =	vst v63  }
0x6e: {  	_ =	swait.ge [sflag:s5], $0x1900  }
0x6f: {  	s21 =	sld [smem:$0x7BE]  }
0x70: {  	s23 =	sld [smem:$0x7BF]  }
0x71: {  	[sflag:s5] =	ssyncset.done $0x0  }
0x72: {  	s8 =	simm.s32 $0x1;
	s22 =	rddreg [dreg:$0x6];
	[sflag:s5] =	ssyncadd.s32 $0xFFFFE700  }
0x73: {  	[tilespmem:s21], [sflag:$0x1] =	stream.indirect.gather [hbm4b:s22+s23], $0x80, s6, s23, $0xb8;
	[tilespmem:$0x1B980] =	vst v63  }
0x74: {  	_ =	swait.ge [sflag:s8], $0x1000  }
0x75: {  	s9 =	simm.s32 $0x80;
	[sflag:s8] =	ssyncset.done $0x0  }
0x76: {  	s10 =	simm.s32 $0x8D80;
	s13 =	sld [smem:$0x7C0];
	[sflag:s8] =	ssyncadd.s32 $0xFFFFF000  }
0x77: {  	[tilespmem:s10], [sflag:$0x1] =	stream.indirect.gather [hbm4b:s2+s9], $0x80, s7, s9, $0xb8;
	[tilespmem:$0x1B980] =	vst v63  }
0x78: {  	s11 =	simm.s32 $0x48;
	s12 =	simm.s32 $0xCD80;
	s14 =	sld [smem:$0x7C1]  }
0x79: {  	[tilespmem:s12], [sflag:$0x1] =	stream.indirect.gather [hbm4b:s2+s11], $0x80, s13, s11, $0xb8;
	[tilespmem:$0x1B980] =	vst v63  }
0x7a: {  	s15 =	sld [smem:$0x7C2];
	s13 =	simm.s32 $0xF180  }
0x7b: {  	[tilespmem:s13], [sflag:$0x2] =	stream.indirect.gather [hbm4b:s2+s9], $0x80, s14, s9, $0xb8;
	[tilespmem:$0x1B980] =	vst v63  }
0x7c: {  	s14 =	simm.s32 $0x13180  }
0x7d: {  	[tilespmem:s14], [sflag:$0x2] =	stream.indirect.gather [hbm4b:s2+s11], $0x80, s15, s11, $0xb8;
	[tilespmem:$0x1B980] =	vst v63  }
0x7e: {  	_ =	swait.ge [sflag:s8], $0x4000  }
0x7f: {  	[sflag:s8] =	ssyncset.done $0x0  }
0x80: {  	[sflag:s8] =	ssyncadd.s32 $0xFFFFC000  }
0x81: {  	_ =	swait.ge [sflag:s8], $0x2400  }
0x82: {  	[sflag:s8] =	ssyncset.done $0x0  }
0x83: {  	s16 =	sld [smem:$0x7C3];
	[sflag:s8] =	ssyncadd.s32 $0xFFFFDC00  }
0x84: {  	[hbm4b:s4+s3] =	stream.linear.scatter [tilespmem:s10], [sflag:$0x4], $0x6400, $0x38;
	[tilespmem:$0x1B980] =	vst v63  }
0x85: {  	s15 =	simm.s32 $0x15580;
	s18 =	sld [smem:$0x7C4]  }
0x86: {  	[tilespmem:s15], [sflag:$0x3] =	stream.indirect.gather [hbm4b:s2+s9], $0x80, s16, s9, $0xb8;
	[tilespmem:$0x1B980] =	vst v63  }
0x87: {  	s17 =	simm.s32 $0x2;
	s16 =	simm.s32 $0x19580  }
0x88: {  	[tilespmem:s16], [sflag:$0x3] =	stream.indirect.gather [hbm4b:s2+s11], $0x80, s18, s11, $0xb8;
	[tilespmem:$0x1B980] =	vst v63  }
0x89: {  	_ =	swait.ge [sflag:s17], $0x4000  }
0x8a: {  	[sflag:s17] =	ssyncset.done $0x0  }
0x8b: {  	[sflag:s17] =	ssyncadd.s32 $0xFFFFC000  }
0x8c: {  	_ =	swait.ge [sflag:s17], $0x2400  }
0x8d: {  	[sflag:s17] =	ssyncset.done $0x0  }
0x8e: {  	s18 =	simm.s32 $0x4;
	s19 =	rddreg [dreg:$0x9];
	[sflag:s17] =	ssyncadd.s32 $0xFFFFDC00  }
0x8f: {  	[hbm4b:s19+s3] =	stream.linear.scatter [tilespmem:s13], [sflag:$0x5], $0x6400, $0x38;
	[tilespmem:$0x1B980] =	vst v63  }
0x90: {  	_ =	swait.ge [sflag:s18], $0x6400  }
0x91: {  	s24 =	sld [smem:$0x7C5]  }
0x92: {  	[sflag:s18] =	ssyncset.done $0x0  }
0x93: {  	s20 =	sld [smem:$0x7C6];
	[sflag:s18] =	ssyncadd.s32 $0xFFFF9C00  }
0x94: {  	[tilespmem:s10], [sflag:$0x1] =	stream.indirect.gather [hbm4b:s2+s9], $0x80, s24, s9, $0xb8;
	[tilespmem:$0x1B980] =	vst v63  }
0x95: {  	s19 =	simm.s32 $0x3  }
0x96: {  	[tilespmem:s12], [sflag:$0x1] =	stream.indirect.gather [hbm4b:s2+s11], $0x80, s20, s11, $0xb8;
	[tilespmem:$0x1B980] =	vst v63  }
0x97: {  	_ =	swait.ge [sflag:s19], $0x4000  }
0x98: {  	[sflag:s19] =	ssyncset.done $0x0  }
0x99: {  	[sflag:s19] =	ssyncadd.s32 $0xFFFFC000  }
0x9a: {  	_ =	swait.ge [sflag:s19], $0x2400  }
0x9b: {  	[sflag:s19] =	ssyncset.done $0x0  }
0x9c: {  	s20 =	simm.s32 $0x5;
	s21 =	rddreg [dreg:$0xa];
	[sflag:s19] =	ssyncadd.s32 $0xFFFFDC00  }
0x9d: {  	[hbm4b:s21+s3] =	stream.linear.scatter [tilespmem:s15], [sflag:$0x6], $0x6400, $0x38;
	[tilespmem:$0x1B980] =	vst v63  }
0x9e: {  	_ =	swait.ge [sflag:s20], $0x6400  }
0x9f: {  	s25 =	sld [smem:$0x7C7]  }
0xa0: {  	[sflag:s20] =	ssyncset.done $0x0  }
0xa1: {  	s22 =	sld [smem:$0x7C8];
	[sflag:s20] =	ssyncadd.s32 $0xFFFF9C00  }
0xa2: {  	[tilespmem:s13], [sflag:$0x2] =	stream.indirect.gather [hbm4b:s2+s9], $0x80, s25, s9, $0xb8;
	[tilespmem:$0x1B980] =	vst v63  }
0xa3: {  	_ = 	snop  }
0xa4: {  	[tilespmem:s14], [sflag:$0x2] =	stream.indirect.gather [hbm4b:s2+s11], $0x80, s22, s11, $0xb8;
	[tilespmem:$0x1B980] =	vst v63  }
0xa5: {  	_ =	swait.ge [sflag:s8], $0x4000  }
0xa6: {  	[sflag:s8] =	ssyncset.done $0x0  }
0xa7: {  	[sflag:s8] =	ssyncadd.s32 $0xFFFFC000  }
0xa8: {  	_ =	swait.ge [sflag:s8], $0x2400  }
0xa9: {  	[sflag:s8] =	ssyncset.done $0x0  }
0xaa: {  	s21 =	simm.s32 $0x6;
	s26 =	rddreg [dreg:$0xb];
	[sflag:s8] =	ssyncadd.s32 $0xFFFFDC00  }
0xab: {  	[hbm4b:s26+s3] =	stream.linear.scatter [tilespmem:s10], [sflag:$0x4], $0x6400, $0x38;
	[tilespmem:$0x1B980] =	vst v63  }
0xac: {  	_ =	swait.ge [sflag:s21], $0x6400  }
0xad: {  	s1 =	sld [smem:$0x7C9]  }
0xae: {  	[sflag:s21] =	ssyncset.done $0x0  }
0xaf: {  	s23 =	sld [smem:$0x7CA];
	[sflag:s21] =	ssyncadd.s32 $0xFFFF9C00  }
0xb0: {  	[tilespmem:s15], [sflag:$0x3] =	stream.indirect.gather [hbm4b:s2+s9], $0x80, s1, s9, $0xb8;
	[tilespmem:$0x1B980] =	vst v63  }
0xb1: {  	_ = 	snop  }
0xb2: {  	[tilespmem:s16], [sflag:$0x3] =	stream.indirect.gather [hbm4b:s2+s11], $0x80, s23, s11, $0xb8;
	[tilespmem:$0x1B980] =	vst v63  }
0xb3: {  	_ =	swait.ge [sflag:s17], $0x4000  }
0xb4: {  	[sflag:s17] =	ssyncset.done $0x0  }
0xb5: {  	[sflag:s17] =	ssyncadd.s32 $0xFFFFC000  }
0xb6: {  	_ =	swait.ge [sflag:s17], $0x2400  }
0xb7: {  	[sflag:s17] =	ssyncset.done $0x0  }
0xb8: {  	s24 =	rddreg [dreg:$0xc];
	[sflag:s17] =	ssyncadd.s32 $0xFFFFDC00  }
0xb9: {  	[hbm4b:s24+s3] =	stream.linear.scatter [tilespmem:s13], [sflag:$0x5], $0x6400, $0x38;
	[tilespmem:$0x1B980] =	vst v63  }
0xba: {  	_ =	swait.ge [sflag:s18], $0x6400  }
0xbb: {  	s25 =	sld [smem:$0x7CB]  }
0xbc: {  	[sflag:s18] =	ssyncset.done $0x0  }
0xbd: {  	s26 =	sld [smem:$0x7CC];
	[sflag:s18] =	ssyncadd.s32 $0xFFFF9C00  }
0xbe: {  	[tilespmem:s10], [sflag:$0x1] =	stream.indirect.gather [hbm4b:s2+s9], $0x80, s25, s9, $0xb8;
	[tilespmem:$0x1B980] =	vst v63  }
0xbf: {  	_ = 	snop  }
0xc0: {  	[tilespmem:s12], [sflag:$0x1] =	stream.indirect.gather [hbm4b:s2+s11], $0x80, s26, s11, $0xb8;
	[tilespmem:$0x1B980] =	vst v63  }
0xc1: {  	_ =	swait.ge [sflag:s19], $0x4000  }
0xc2: {  	[sflag:s19] =	ssyncset.done $0x0  }
0xc3: {  	[sflag:s19] =	ssyncadd.s32 $0xFFFFC000  }
0xc4: {  	_ =	swait.ge [sflag:s19], $0x2400  }
0xc5: {  	[sflag:s19] =	ssyncset.done $0x0  }
0xc6: {  	s1 =	rddreg [dreg:$0xd];
	[sflag:s19] =	ssyncadd.s32 $0xFFFFDC00  }
0xc7: {  	[hbm4b:s1+s3] =	stream.linear.scatter [tilespmem:s15], [sflag:$0x6], $0x6400, $0x38;
	[tilespmem:$0x1B980] =	vst v63  }
0xc8: {  	_ =	swait.ge [sflag:s20], $0x6400  }
0xc9: {  	s23 =	sld [smem:$0x7CD]  }
0xca: {  	[sflag:s20] =	ssyncset.done $0x0  }
0xcb: {  	s24 =	sld [smem:$0x7CE];
	[sflag:s20] =	ssyncadd.s32 $0xFFFF9C00  }
0xcc: {  	[tilespmem:s13], [sflag:$0x2] =	stream.indirect.gather [hbm4b:s2+s9], $0x80, s23, s9, $0xb8;
	[tilespmem:$0x1B980] =	vst v63  }
0xcd: {  	_ = 	snop  }
0xce: {  	[tilespmem:s14], [sflag:$0x2] =	stream.indirect.gather [hbm4b:s2+s11], $0x80, s24, s11, $0xb8;
	[tilespmem:$0x1B980] =	vst v63  }
0xcf: {  	_ =	swait.ge [sflag:s8], $0x4000  }
0xd0: {  	[sflag:s8] =	ssyncset.done $0x0  }
0xd1: {  	[sflag:s8] =	ssyncadd.s32 $0xFFFFC000  }
0xd2: {  	_ =	swait.ge [sflag:s8], $0x2400  }
0xd3: {  	[sflag:s8] =	ssyncset.done $0x0  }
0xd4: {  	s25 =	rddreg [dreg:$0xe];
	[sflag:s8] =	ssyncadd.s32 $0xFFFFDC00  }
0xd5: {  	[hbm4b:s25+s3] =	stream.linear.scatter [tilespmem:s10], [sflag:$0x4], $0x6400, $0x38;
	[tilespmem:$0x1B980] =	vst v63  }
0xd6: {  	_ =	swait.ge [sflag:s21], $0x6400  }
0xd7: {  	s26 =	sld [smem:$0x7CF]  }
0xd8: {  	[sflag:s21] =	ssyncset.done $0x0  }
0xd9: {  	s1 =	sld [smem:$0x7D0];
	[sflag:s21] =	ssyncadd.s32 $0xFFFF9C00  }
0xda: {  	[tilespmem:s15], [sflag:$0x3] =	stream.indirect.gather [hbm4b:s2+s9], $0x80, s26, s9, $0xb8;
	[tilespmem:$0x1B980] =	vst v63  }
0xdb: {  	_ = 	snop  }
0xdc: {  	[tilespmem:s16], [sflag:$0x3] =	stream.indirect.gather [hbm4b:s2+s11], $0x80, s1, s11, $0xb8;
	[tilespmem:$0x1B980] =	vst v63  }
0xdd: {  	_ =	swait.ge [sflag:s17], $0x4000  }
0xde: {  	[sflag:s17] =	ssyncset.done $0x0  }
0xdf: {  	[sflag:s17] =	ssyncadd.s32 $0xFFFFC000  }
0xe0: {  	_ =	swait.ge [sflag:s17], $0x2400  }
0xe1: {  	[sflag:s17] =	ssyncset.done $0x0  }
0xe2: {  	s24 =	rddreg [dreg:$0xf];
	[sflag:s17] =	ssyncadd.s32 $0xFFFFDC00  }
0xe3: {  	[hbm4b:s24+s3] =	stream.linear.scatter [tilespmem:s13], [sflag:$0x5], $0x6400, $0x38;
	[tilespmem:$0x1B980] =	vst v63  }
0xe4: {  	_ =	swait.ge [sflag:s18], $0x6400  }
0xe5: {  	s25 =	sld [smem:$0x7D1]  }
0xe6: {  	[sflag:s18] =	ssyncset.done $0x0  }
0xe7: {  	s26 =	sld [smem:$0x7D2];
	[sflag:s18] =	ssyncadd.s32 $0xFFFF9C00  }
0xe8: {  	[tilespmem:s10], [sflag:$0x1] =	stream.indirect.gather [hbm4b:s2+s9], $0x80, s25, s9, $0xb8;
	[tilespmem:$0x1B980] =	vst v63  }
0xe9: {  	_ = 	snop  }
0xea: {  	[tilespmem:s12], [sflag:$0x1] =	stream.indirect.gather [hbm4b:s2+s11], $0x80, s26, s11, $0xb8;
	[tilespmem:$0x1B980] =	vst v63  }
0xeb: {  	_ =	swait.ge [sflag:s19], $0x4000  }
0xec: {  	[sflag:s19] =	ssyncset.done $0x0  }
0xed: {  	[sflag:s19] =	ssyncadd.s32 $0xFFFFC000  }
0xee: {  	_ =	swait.ge [sflag:s19], $0x2400  }
0xef: {  	[sflag:s19] =	ssyncset.done $0x0  }
0xf0: {  	s1 =	rddreg [dreg:$0x10];
	[sflag:s19] =	ssyncadd.s32 $0xFFFFDC00  }
0xf1: {  	[hbm4b:s1+s3] =	stream.linear.scatter [tilespmem:s15], [sflag:$0x6], $0x6400, $0x38;
	[tilespmem:$0x1B980] =	vst v63  }
0xf2: {  	_ =	swait.ge [sflag:s20], $0x6400  }
0xf3: {  	s23 =	sld [smem:$0x7D3]  }
0xf4: {  	[sflag:s20] =	ssyncset.done $0x0  }
0xf5: {  	s24 =	sld [smem:$0x7D4];
	[sflag:s20] =	ssyncadd.s32 $0xFFFF9C00  }
0xf6: {  	[tilespmem:s13], [sflag:$0x2] =	stream.indirect.gather [hbm4b:s2+s9], $0x80, s23, s9, $0xb8;
	[tilespmem:$0x1B980] =	vst v63  }
0xf7: {  	_ = 	snop  }
0xf8: {  	[tilespmem:s14], [sflag:$0x2] =	stream.indirect.gather [hbm4b:s2+s11], $0x80, s24, s11, $0xb8;
	[tilespmem:$0x1B980] =	vst v63  }
0xf9: {  	_ =	swait.ge [sflag:s8], $0x4000  }
0xfa: {  	[sflag:s8] =	ssyncset.done $0x0  }
0xfb: {  	[sflag:s8] =	ssyncadd.s32 $0xFFFFC000  }
0xfc: {  	_ =	swait.ge [sflag:s8], $0x2400  }
0xfd: {  	[sflag:s8] =	ssyncset.done $0x0  }
0xfe: {  	s25 =	rddreg [dreg:$0x11];
	[sflag:s8] =	ssyncadd.s32 $0xFFFFDC00  }
0xff: {  	[hbm4b:s25+s3] =	stream.linear.scatter [tilespmem:s10], [sflag:$0x4], $0x6400, $0x38;
	[tilespmem:$0x1B980] =	vst v63  }
0x100: {  	_ =	swait.ge [sflag:s21], $0x6400  }
0x101: {  	s26 =	sld [smem:$0x7D5]  }
0x102: {  	[sflag:s21] =	ssyncset.done $0x0  }
0x103: {  	s1 =	sld [smem:$0x7D6];
	[sflag:s21] =	ssyncadd.s32 $0xFFFF9C00  }
0x104: {  	[tilespmem:s15], [sflag:$0x3] =	stream.indirect.gather [hbm4b:s2+s9], $0x80, s26, s9, $0xb8;
	[tilespmem:$0x1B980] =	vst v63  }
0x105: {  	_ = 	snop  }
0x106: {  	[tilespmem:s16], [sflag:$0x3] =	stream.indirect.gather [hbm4b:s2+s11], $0x80, s1, s11, $0xb8;
	[tilespmem:$0x1B980] =	vst v63  }
0x107: {  	_ =	swait.ge [sflag:s17], $0x4000  }
0x108: {  	[sflag:s17] =	ssyncset.done $0x0  }
0x109: {  	[sflag:s17] =	ssyncadd.s32 $0xFFFFC000  }
0x10a: {  	_ =	swait.ge [sflag:s17], $0x2400  }
0x10b: {  	[sflag:s17] =	ssyncset.done $0x0  }
0x10c: {  	s24 =	rddreg [dreg:$0x12];
	[sflag:s17] =	ssyncadd.s32 $0xFFFFDC00  }
0x10d: {  	[hbm4b:s24+s3] =	stream.linear.scatter [tilespmem:s13], [sflag:$0x5], $0x6400, $0x38;
	[tilespmem:$0x1B980] =	vst v63  }
0x10e: {  	_ =	swait.ge [sflag:s18], $0x6400  }
0x10f: {  	s25 =	sld [smem:$0x7D7]  }
0x110: {  	[sflag:s18] =	ssyncset.done $0x0  }
0x111: {  	s26 =	sld [smem:$0x7D8];
	[sflag:s18] =	ssyncadd.s32 $0xFFFF9C00  }
0x112: {  	[tilespmem:s10], [sflag:$0x1] =	stream.indirect.gather [hbm4b:s2+s9], $0x80, s25, s9, $0xb8;
	[tilespmem:$0x1B980] =	vst v63  }
0x113: {  	_ = 	snop  }
0x114: {  	[tilespmem:s12], [sflag:$0x1] =	stream.indirect.gather [hbm4b:s2+s11], $0x80, s26, s11, $0xb8;
	[tilespmem:$0x1B980] =	vst v63  }
0x115: {  	_ =	swait.ge [sflag:s19], $0x4000  }
0x116: {  	[sflag:s19] =	ssyncset.done $0x0  }
0x117: {  	[sflag:s19] =	ssyncadd.s32 $0xFFFFC000  }
0x118: {  	_ =	swait.ge [sflag:s19], $0x2400  }
0x119: {  	[sflag:s19] =	ssyncset.done $0x0  }
0x11a: {  	s1 =	rddreg [dreg:$0x13];
	[sflag:s19] =	ssyncadd.s32 $0xFFFFDC00  }
0x11b: {  	[hbm4b:s1+s3] =	stream.linear.scatter [tilespmem:s15], [sflag:$0x6], $0x6400, $0x38;
	[tilespmem:$0x1B980] =	vst v63  }
0x11c: {  	_ =	swait.ge [sflag:s20], $0x6400  }
0x11d: {  	s23 =	sld [smem:$0x7D9]  }
0x11e: {  	[sflag:s20] =	ssyncset.done $0x0  }
0x11f: {  	s24 =	sld [smem:$0x7DA];
	[sflag:s20] =	ssyncadd.s32 $0xFFFF9C00  }
0x120: {  	[tilespmem:s13], [sflag:$0x2] =	stream.indirect.gather [hbm4b:s2+s9], $0x80, s23, s9, $0xb8;
	[tilespmem:$0x1B980] =	vst v63  }
0x121: {  	_ = 	snop  }
0x122: {  	[tilespmem:s14], [sflag:$0x2] =	stream.indirect.gather [hbm4b:s2+s11], $0x80, s24, s11, $0xb8;
	[tilespmem:$0x1B980] =	vst v63  }
0x123: {  	_ =	swait.ge [sflag:s8], $0x4000  }
0x124: {  	[sflag:s8] =	ssyncset.done $0x0  }
0x125: {  	[sflag:s8] =	ssyncadd.s32 $0xFFFFC000  }
0x126: {  	_ =	swait.ge [sflag:s8], $0x2400  }
0x127: {  	[sflag:s8] =	ssyncset.done $0x0  }
0x128: {  	s25 =	rddreg [dreg:$0x14];
	[sflag:s8] =	ssyncadd.s32 $0xFFFFDC00  }
0x129: {  	[hbm4b:s25+s3] =	stream.linear.scatter [tilespmem:s10], [sflag:$0x4], $0x6400, $0x38;
	[tilespmem:$0x1B980] =	vst v63  }
0x12a: {  	_ =	swait.ge [sflag:s21], $0x6400  }
0x12b: {  	s26 =	sld [smem:$0x7DB]  }
0x12c: {  	[sflag:s21] =	ssyncset.done $0x0  }
0x12d: {  	s1 =	sld [smem:$0x7DC];
	[sflag:s21] =	ssyncadd.s32 $0xFFFF9C00  }
0x12e: {  	[tilespmem:s15], [sflag:$0x3] =	stream.indirect.gather [hbm4b:s2+s9], $0x80, s26, s9, $0xb8;
	[tilespmem:$0x1B980] =	vst v63  }
0x12f: {  	_ = 	snop  }
0x130: {  	[tilespmem:s16], [sflag:$0x3] =	stream.indirect.gather [hbm4b:s2+s11], $0x80, s1, s11, $0xb8;
	[tilespmem:$0x1B980] =	vst v63  }
0x131: {  	_ =	swait.ge [sflag:s17], $0x4000  }
0x132: {  	[sflag:s17] =	ssyncset.done $0x0  }
0x133: {  	[sflag:s17] =	ssyncadd.s32 $0xFFFFC000  }
0x134: {  	_ =	swait.ge [sflag:s17], $0x2400  }
0x135: {  	[sflag:s17] =	ssyncset.done $0x0  }
0x136: {  	s24 =	rddreg [dreg:$0x15];
	[sflag:s17] =	ssyncadd.s32 $0xFFFFDC00  }
0x137: {  	[hbm4b:s24+s3] =	stream.linear.scatter [tilespmem:s13], [sflag:$0x5], $0x6400, $0x38;
	[tilespmem:$0x1B980] =	vst v63  }
0x138: {  	_ =	swait.ge [sflag:s18], $0x6400  }
0x139: {  	s25 =	sld [smem:$0x7DD]  }
0x13a: {  	[sflag:s18] =	ssyncset.done $0x0  }
0x13b: {  	s26 =	sld [smem:$0x7DE];
	[sflag:s18] =	ssyncadd.s32 $0xFFFF9C00  }
0x13c: {  	[tilespmem:s10], [sflag:$0x1] =	stream.indirect.gather [hbm4b:s2+s9], $0x80, s25, s9, $0xb8;
	[tilespmem:$0x1B980] =	vst v63  }
0x13d: {  	_ = 	snop  }
0x13e: {  	[tilespmem:s12], [sflag:$0x1] =	stream.indirect.gather [hbm4b:s2+s11], $0x80, s26, s11, $0xb8;
	[tilespmem:$0x1B980] =	vst v63  }
0x13f: {  	_ =	swait.ge [sflag:s19], $0x4000  }
0x140: {  	[sflag:s19] =	ssyncset.done $0x0  }
0x141: {  	[sflag:s19] =	ssyncadd.s32 $0xFFFFC000  }
0x142: {  	_ =	swait.ge [sflag:s19], $0x2400  }
0x143: {  	[sflag:s19] =	ssyncset.done $0x0  }
0x144: {  	s1 =	rddreg [dreg:$0x16];
	[sflag:s19] =	ssyncadd.s32 $0xFFFFDC00  }
0x145: {  	[hbm4b:s1+s3] =	stream.linear.scatter [tilespmem:s15], [sflag:$0x6], $0x6400, $0x38;
	[tilespmem:$0x1B980] =	vst v63  }
0x146: {  	_ =	swait.ge [sflag:s20], $0x6400  }
0x147: {  	s23 =	sld [smem:$0x7DF]  }
0x148: {  	[sflag:s20] =	ssyncset.done $0x0  }
0x149: {  	s24 =	sld [smem:$0x7E0];
	[sflag:s20] =	ssyncadd.s32 $0xFFFF9C00  }
0x14a: {  	[tilespmem:s13], [sflag:$0x2] =	stream.indirect.gather [hbm4b:s2+s9], $0x80, s23, s9, $0xb8;
	[tilespmem:$0x1B980] =	vst v63  }
0x14b: {  	_ = 	snop  }
0x14c: {  	[tilespmem:s14], [sflag:$0x2] =	stream.indirect.gather [hbm4b:s2+s11], $0x80, s24, s11, $0xb8;
	[tilespmem:$0x1B980] =	vst v63  }
0x14d: {  	_ =	swait.ge [sflag:s8], $0x4000  }
0x14e: {  	[sflag:s8] =	ssyncset.done $0x0  }
0x14f: {  	[sflag:s8] =	ssyncadd.s32 $0xFFFFC000  }
0x150: {  	_ =	swait.ge [sflag:s8], $0x2400  }
0x151: {  	[sflag:s8] =	ssyncset.done $0x0  }
0x152: {  	s25 =	rddreg [dreg:$0x17];
	[sflag:s8] =	ssyncadd.s32 $0xFFFFDC00  }
0x153: {  	[hbm4b:s25+s3] =	stream.linear.scatter [tilespmem:s10], [sflag:$0x4], $0x6400, $0x38;
	[tilespmem:$0x1B980] =	vst v63  }
0x154: {  	_ =	swait.ge [sflag:s21], $0x6400  }
0x155: {  	s26 =	sld [smem:$0x7E1]  }
0x156: {  	[sflag:s21] =	ssyncset.done $0x0  }
0x157: {  	s1 =	sld [smem:$0x7E2];
	[sflag:s21] =	ssyncadd.s32 $0xFFFF9C00  }
0x158: {  	[tilespmem:s15], [sflag:$0x3] =	stream.indirect.gather [hbm4b:s2+s9], $0x80, s26, s9, $0xb8;
	[tilespmem:$0x1B980] =	vst v63  }
0x159: {  	_ = 	snop  }
0x15a: {  	[tilespmem:s16], [sflag:$0x3] =	stream.indirect.gather [hbm4b:s2+s11], $0x80, s1, s11, $0xb8;
	[tilespmem:$0x1B980] =	vst v63  }
0x15b: {  	_ =	swait.ge [sflag:s17], $0x4000  }
0x15c: {  	[sflag:s17] =	ssyncset.done $0x0  }
0x15d: {  	[sflag:s17] =	ssyncadd.s32 $0xFFFFC000  }
0x15e: {  	_ =	swait.ge [sflag:s17], $0x2400  }
0x15f: {  	[sflag:s17] =	ssyncset.done $0x0  }
0x160: {  	s24 =	rddreg [dreg:$0x18];
	[sflag:s17] =	ssyncadd.s32 $0xFFFFDC00  }
0x161: {  	[hbm4b:s24+s3] =	stream.linear.scatter [tilespmem:s13], [sflag:$0x5], $0x6400, $0x38;
	[tilespmem:$0x1B980] =	vst v63  }
0x162: {  	_ =	swait.ge [sflag:s18], $0x6400  }
0x163: {  	s25 =	sld [smem:$0x7E3]  }
0x164: {  	[sflag:s18] =	ssyncset.done $0x0  }
0x165: {  	s26 =	sld [smem:$0x7E4];
	[sflag:s18] =	ssyncadd.s32 $0xFFFF9C00  }
0x166: {  	[tilespmem:s10], [sflag:$0x1] =	stream.indirect.gather [hbm4b:s2+s9], $0x80, s25, s9, $0xb8;
	[tilespmem:$0x1B980] =	vst v63  }
0x167: {  	_ = 	snop  }
0x168: {  	[tilespmem:s12], [sflag:$0x1] =	stream.indirect.gather [hbm4b:s2+s11], $0x80, s26, s11, $0xb8;
	[tilespmem:$0x1B980] =	vst v63  }
0x169: {  	_ =	swait.ge [sflag:s19], $0x4000  }
0x16a: {  	[sflag:s19] =	ssyncset.done $0x0  }
0x16b: {  	[sflag:s19] =	ssyncadd.s32 $0xFFFFC000  }
0x16c: {  	_ =	swait.ge [sflag:s19], $0x2400  }
0x16d: {  	[sflag:s19] =	ssyncset.done $0x0  }
0x16e: {  	s1 =	rddreg [dreg:$0x19];
	[sflag:s19] =	ssyncadd.s32 $0xFFFFDC00  }
0x16f: {  	[hbm4b:s1+s3] =	stream.linear.scatter [tilespmem:s15], [sflag:$0x6], $0x6400, $0x38;
	[tilespmem:$0x1B980] =	vst v63  }
0x170: {  	_ =	swait.ge [sflag:s20], $0x6400  }
0x171: {  	s23 =	sld [smem:$0x7E5]  }
0x172: {  	[sflag:s20] =	ssyncset.done $0x0  }
0x173: {  	s24 =	sld [smem:$0x7E6];
	[sflag:s20] =	ssyncadd.s32 $0xFFFF9C00  }
0x174: {  	[tilespmem:s13], [sflag:$0x2] =	stream.indirect.gather [hbm4b:s2+s9], $0x80, s23, s9, $0xb8;
	[tilespmem:$0x1B980] =	vst v63  }
0x175: {  	_ = 	snop  }
0x176: {  	[tilespmem:s14], [sflag:$0x2] =	stream.indirect.gather [hbm4b:s2+s11], $0x80, s24, s11, $0xb8;
	[tilespmem:$0x1B980] =	vst v63  }
0x177: {  	_ =	swait.ge [sflag:s8], $0x4000  }
0x178: {  	[sflag:s8] =	ssyncset.done $0x0  }
0x179: {  	[sflag:s8] =	ssyncadd.s32 $0xFFFFC000  }
0x17a: {  	_ =	swait.ge [sflag:s8], $0x2400  }
0x17b: {  	[sflag:s8] =	ssyncset.done $0x0  }
0x17c: {  	s25 =	rddreg [dreg:$0x1a];
	[sflag:s8] =	ssyncadd.s32 $0xFFFFDC00  }
0x17d: {  	[hbm4b:s25+s3] =	stream.linear.scatter [tilespmem:s10], [sflag:$0x4], $0x6400, $0x38;
	[tilespmem:$0x1B980] =	vst v63  }
0x17e: {  	_ =	swait.ge [sflag:s21], $0x6400  }
0x17f: {  	s26 =	sld [smem:$0x7E7]  }
0x180: {  	[sflag:s21] =	ssyncset.done $0x0  }
0x181: {  	s1 =	sld [smem:$0x7E8];
	[sflag:s21] =	ssyncadd.s32 $0xFFFF9C00  }
0x182: {  	[tilespmem:s15], [sflag:$0x3] =	stream.indirect.gather [hbm4b:s2+s9], $0x80, s26, s9, $0xb8;
	[tilespmem:$0x1B980] =	vst v63  }
0x183: {  	_ = 	snop  }
0x184: {  	[tilespmem:s16], [sflag:$0x3] =	stream.indirect.gather [hbm4b:s2+s11], $0x80, s1, s11, $0xb8;
	[tilespmem:$0x1B980] =	vst v63  }
0x185: {  	_ =	swait.ge [sflag:s17], $0x4000  }
0x186: {  	[sflag:s17] =	ssyncset.done $0x0  }
0x187: {  	[sflag:s17] =	ssyncadd.s32 $0xFFFFC000  }
0x188: {  	_ =	swait.ge [sflag:s17], $0x2400  }
0x189: {  	[sflag:s17] =	ssyncset.done $0x0  }
0x18a: {  	s24 =	rddreg [dreg:$0x1b];
	[sflag:s17] =	ssyncadd.s32 $0xFFFFDC00  }
0x18b: {  	[hbm4b:s24+s3] =	stream.linear.scatter [tilespmem:s13], [sflag:$0x5], $0x6400, $0x38;
	[tilespmem:$0x1B980] =	vst v63  }
0x18c: {  	_ =	swait.ge [sflag:s18], $0x6400  }
0x18d: {  	s25 =	sld [smem:$0x7E9]  }
0x18e: {  	[sflag:s18] =	ssyncset.done $0x0  }
0x18f: {  	s26 =	sld [smem:$0x7EA];
	[sflag:s18] =	ssyncadd.s32 $0xFFFF9C00  }
0x190: {  	[tilespmem:s10], [sflag:$0x1] =	stream.indirect.gather [hbm4b:s2+s9], $0x80, s25, s9, $0xb8;
	[tilespmem:$0x1B980] =	vst v63  }
0x191: {  	_ = 	snop  }
0x192: {  	[tilespmem:s12], [sflag:$0x1] =	stream.indirect.gather [hbm4b:s2+s11], $0x80, s26, s11, $0xb8;
	[tilespmem:$0x1B980] =	vst v63  }
0x193: {  	_ =	swait.ge [sflag:s19], $0x4000  }
0x194: {  	[sflag:s19] =	ssyncset.done $0x0  }
0x195: {  	[sflag:s19] =	ssyncadd.s32 $0xFFFFC000  }
0x196: {  	_ =	swait.ge [sflag:s19], $0x2400  }
0x197: {  	[sflag:s19] =	ssyncset.done $0x0  }
0x198: {  	s1 =	rddreg [dreg:$0x1c];
	[sflag:s19] =	ssyncadd.s32 $0xFFFFDC00  }
0x199: {  	[hbm4b:s1+s3] =	stream.linear.scatter [tilespmem:s15], [sflag:$0x6], $0x6400, $0x38;
	[tilespmem:$0x1B980] =	vst v63  }
0x19a: {  	_ =	swait.ge [sflag:s20], $0x6400  }
0x19b: {  	s23 =	sld [smem:$0x7EB]  }
0x19c: {  	[sflag:s20] =	ssyncset.done $0x0  }
0x19d: {  	s24 =	sld [smem:$0x7EC];
	[sflag:s20] =	ssyncadd.s32 $0xFFFF9C00  }
0x19e: {  	[tilespmem:s13], [sflag:$0x2] =	stream.indirect.gather [hbm4b:s2+s9], $0x80, s23, s9, $0xb8;
	[tilespmem:$0x1B980] =	vst v63  }
0x19f: {  	_ = 	snop  }
0x1a0: {  	[tilespmem:s14], [sflag:$0x2] =	stream.indirect.gather [hbm4b:s2+s11], $0x80, s24, s11, $0xb8;
	[tilespmem:$0x1B980] =	vst v63  }
0x1a1: {  	_ =	swait.ge [sflag:s8], $0x4000  }
0x1a2: {  	[sflag:s8] =	ssyncset.done $0x0  }
0x1a3: {  	[sflag:s8] =	ssyncadd.s32 $0xFFFFC000  }
0x1a4: {  	_ =	swait.ge [sflag:s8], $0x2400  }
0x1a5: {  	[sflag:s8] =	ssyncset.done $0x0  }
0x1a6: {  	s25 =	rddreg [dreg:$0x1d];
	[sflag:s8] =	ssyncadd.s32 $0xFFFFDC00  }
0x1a7: {  	[hbm4b:s25+s3] =	stream.linear.scatter [tilespmem:s10], [sflag:$0x4], $0x6400, $0x38;
	[tilespmem:$0x1B980] =	vst v63  }
0x1a8: {  	_ =	swait.ge [sflag:s21], $0x6400  }
0x1a9: {  	s26 =	sld [smem:$0x7ED]  }
0x1aa: {  	[sflag:s21] =	ssyncset.done $0x0  }
0x1ab: {  	s1 =	sld [smem:$0x7EE];
	[sflag:s21] =	ssyncadd.s32 $0xFFFF9C00  }
0x1ac: {  	[tilespmem:s15], [sflag:$0x3] =	stream.indirect.gather [hbm4b:s2+s9], $0x80, s26, s9, $0xb8;
	[tilespmem:$0x1B980] =	vst v63  }
0x1ad: {  	_ = 	snop  }
0x1ae: {  	[tilespmem:s16], [sflag:$0x3] =	stream.indirect.gather [hbm4b:s2+s11], $0x80, s1, s11, $0xb8;
	[tilespmem:$0x1B980] =	vst v63  }
0x1af: {  	_ =	swait.ge [sflag:s17], $0x4000  }
0x1b0: {  	[sflag:s17] =	ssyncset.done $0x0  }
0x1b1: {  	[sflag:s17] =	ssyncadd.s32 $0xFFFFC000  }
0x1b2: {  	_ =	swait.ge [sflag:s17], $0x2400  }
0x1b3: {  	[sflag:s17] =	ssyncset.done $0x0  }
0x1b4: {  	s24 =	rddreg [dreg:$0x1e];
	[sflag:s17] =	ssyncadd.s32 $0xFFFFDC00  }
0x1b5: {  	[hbm4b:s24+s3] =	stream.linear.scatter [tilespmem:s13], [sflag:$0x5], $0x6400, $0x38;
	[tilespmem:$0x1B980] =	vst v63  }
0x1b6: {  	_ =	swait.ge [sflag:s18], $0x6400  }
0x1b7: {  	s25 =	sld [smem:$0x7EF]  }
0x1b8: {  	[sflag:s18] =	ssyncset.done $0x0  }
0x1b9: {  	s26 =	sld [smem:$0x7F0];
	[sflag:s18] =	ssyncadd.s32 $0xFFFF9C00  }
0x1ba: {  	[tilespmem:s10], [sflag:$0x1] =	stream.indirect.gather [hbm4b:s2+s9], $0x80, s25, s9, $0xb8;
	[tilespmem:$0x1B980] =	vst v63  }
0x1bb: {  	_ = 	snop  }
0x1bc: {  	[tilespmem:s12], [sflag:$0x1] =	stream.indirect.gather [hbm4b:s2+s11], $0x80, s26, s11, $0xb8;
	[tilespmem:$0x1B980] =	vst v63  }
0x1bd: {  	_ =	swait.ge [sflag:s19], $0x4000  }
0x1be: {  	[sflag:s19] =	ssyncset.done $0x0  }
0x1bf: {  	[sflag:s19] =	ssyncadd.s32 $0xFFFFC000  }
0x1c0: {  	_ =	swait.ge [sflag:s19], $0x2400  }
0x1c1: {  	[sflag:s19] =	ssyncset.done $0x0  }
0x1c2: {  	s1 =	rddreg [dreg:$0x1f];
	[sflag:s19] =	ssyncadd.s32 $0xFFFFDC00  }
0x1c3: {  	[hbm4b:s1+s3] =	stream.linear.scatter [tilespmem:s15], [sflag:$0x6], $0x6400, $0x38;
	[tilespmem:$0x1B980] =	vst v63  }
0x1c4: {  	_ =	swait.ge [sflag:s20], $0x6400  }
0x1c5: {  	s23 =	sld [smem:$0x7F1]  }
0x1c6: {  	[sflag:s20] =	ssyncset.done $0x0  }
0x1c7: {  	s24 =	sld [smem:$0x7F2];
	[sflag:s20] =	ssyncadd.s32 $0xFFFF9C00  }
0x1c8: {  	[tilespmem:s13], [sflag:$0x2] =	stream.indirect.gather [hbm4b:s2+s9], $0x80, s23, s9, $0xb8;
	[tilespmem:$0x1B980] =	vst v63  }
0x1c9: {  	_ = 	snop  }
0x1ca: {  	[tilespmem:s14], [sflag:$0x2] =	stream.indirect.gather [hbm4b:s2+s11], $0x80, s24, s11, $0xb8;
	[tilespmem:$0x1B980] =	vst v63  }
0x1cb: {  	_ =	swait.ge [sflag:s8], $0x4000  }
0x1cc: {  	[sflag:s8] =	ssyncset.done $0x0  }
0x1cd: {  	[sflag:s8] =	ssyncadd.s32 $0xFFFFC000  }
0x1ce: {  	_ =	swait.ge [sflag:s8], $0x2400  }
0x1cf: {  	s25 =	sld [smem:$0x7F3]  }
0x1d0: {  	[sflag:s8] =	ssyncset.done $0x0  }
0x1d1: {  	[sflag:s8] =	ssyncadd.s32 $0xFFFFDC00  }
0x1d2: {  	[hbm4b:s25+s3] =	stream.linear.scatter [tilespmem:s10], [sflag:$0x4], $0x6400, $0x38;
	[tilespmem:$0x1B980] =	vst v63  }
0x1d3: {  	_ =	swait.ge [sflag:s21], $0x6400  }
0x1d4: {  	s26 =	sld [smem:$0x7F4]  }
0x1d5: {  	[sflag:s21] =	ssyncset.done $0x0  }
0x1d6: {  	s1 =	sld [smem:$0x7F5];
	[sflag:s21] =	ssyncadd.s32 $0xFFFF9C00  }
0x1d7: {  	[tilespmem:s15], [sflag:$0x3] =	stream.indirect.gather [hbm4b:s2+s9], $0x80, s26, s9, $0xb8;
	[tilespmem:$0x1B980] =	vst v63  }
0x1d8: {  	_ = 	snop  }
0x1d9: {  	[tilespmem:s16], [sflag:$0x3] =	stream.indirect.gather [hbm4b:s2+s11], $0x80, s1, s11, $0xb8;
	[tilespmem:$0x1B980] =	vst v63  }
0x1da: {  	_ =	swait.ge [sflag:s17], $0x4000  }
0x1db: {  	[sflag:s17] =	ssyncset.done $0x0  }
0x1dc: {  	[sflag:s17] =	ssyncadd.s32 $0xFFFFC000  }
0x1dd: {  	_ =	swait.ge [sflag:s17], $0x2400  }
0x1de: {  	s24 =	sld [smem:$0x7F6]  }
0x1df: {  	[sflag:s17] =	ssyncset.done $0x0  }
0x1e0: {  	[sflag:s17] =	ssyncadd.s32 $0xFFFFDC00  }
0x1e1: {  	[hbm4b:s24+s3] =	stream.linear.scatter [tilespmem:s13], [sflag:$0x5], $0x6400, $0x38;
	[tilespmem:$0x1B980] =	vst v63  }
0x1e2: {  	_ =	swait.ge [sflag:s18], $0x6400  }
0x1e3: {  	s25 =	sld [smem:$0x7F7]  }
0x1e4: {  	[sflag:s18] =	ssyncset.done $0x0  }
0x1e5: {  	[sflag:s18] =	ssyncadd.s32 $0xFFFF9C00  }
0x1e6: {  	[tilespmem:s10], [sflag:$0x1] =	stream.indirect.gather [hbm4b:s2+s9], $0x80, s25, s9, $0xb8;
	[tilespmem:$0x1B980] =	vst v63  }
0x1e7: {  	s26 =	simm.s32 $0x8A18  }
0x1e8: {  	[tilespmem:s12], [sflag:$0x1] =	stream.indirect.gather [hbm4b:s2+s11], $0x80, s26, s11, $0xb8;
	[tilespmem:$0x1B980] =	vst v63  }
0x1e9: {  	_ =	swait.ge [sflag:s19], $0x4000  }
0x1ea: {  	[sflag:s19] =	ssyncset.done $0x0  }
0x1eb: {  	[sflag:s19] =	ssyncadd.s32 $0xFFFFC000  }
0x1ec: {  	_ =	swait.ge [sflag:s19], $0x2400  }
0x1ed: {  	s1 =	sld [smem:$0x7F8]  }
0x1ee: {  	[sflag:s19] =	ssyncset.done $0x0  }
0x1ef: {  	[sflag:s19] =	ssyncadd.s32 $0xFFFFDC00  }
0x1f0: {  	[hbm4b:s1+s3] =	stream.linear.scatter [tilespmem:s15], [sflag:$0x6], $0x6400, $0x38;
	[tilespmem:$0x1B980] =	vst v63  }
0x1f1: {  	_ =	swait.ge [sflag:s20], $0x6400  }
0x1f2: {  	[sflag:s20] =	ssyncset.done $0x0  }
0x1f3: {  	s22 =	simm.s32 $0x8A60;
	[sflag:s20] =	ssyncadd.s32 $0xFFFF9C00  }
0x1f4: {  	[tilespmem:s13], [sflag:$0x2] =	stream.indirect.gather [hbm4b:s2+s9], $0x80, s22, s9, $0xb8;
	[tilespmem:$0x1B980] =	vst v63  }
0x1f5: {  	s24 =	simm.s32 $0x8AE0  }
0x1f6: {  	[tilespmem:s14], [sflag:$0x2] =	stream.indirect.gather [hbm4b:s2+s11], $0x80, s24, s11, $0xb8;
	[tilespmem:$0x1B980] =	vst v63  }
0x1f7: {  	_ =	swait.ge [sflag:s8], $0x4000  }
0x1f8: {  	[sflag:s8] =	ssyncset.done $0x0  }
0x1f9: {  	[sflag:s8] =	ssyncadd.s32 $0xFFFFC000  }
0x1fa: {  	_ =	swait.ge [sflag:s8], $0x2400  }
0x1fb: {  	s25 =	sld [smem:$0x7F9]  }
0x1fc: {  	[sflag:s8] =	ssyncset.done $0x0  }
0x1fd: {  	[sflag:s8] =	ssyncadd.s32 $0xFFFFDC00  }
0x1fe: {  	[hbm4b:s25+s3] =	stream.linear.scatter [tilespmem:s10], [sflag:$0x4], $0x6400, $0x38;
	[tilespmem:$0x1B980] =	vst v63  }
0x1ff: {  	_ =	swait.ge [sflag:s21], $0x6400  }
0x200: {  	[sflag:s21] =	ssyncset.done $0x0  }
0x201: {  	s25 =	simm.s32 $0x8B28;
	[sflag:s21] =	ssyncadd.s32 $0xFFFF9C00  }
0x202: {  	[tilespmem:s15], [sflag:$0x3] =	stream.indirect.gather [hbm4b:s2+s9], $0x80, s25, s9, $0xb8;
	[tilespmem:$0x1B980] =	vst v63  }
0x203: {  	s26 =	simm.s32 $0x8BA8  }
0x204: {  	[tilespmem:s16], [sflag:$0x3] =	stream.indirect.gather [hbm4b:s2+s11], $0x80, s26, s11, $0xb8;
	[tilespmem:$0x1B980] =	vst v63  }
0x205: {  	_ =	swait.ge [sflag:s17], $0x4000  }
0x206: {  	[sflag:s17] =	ssyncset.done $0x0  }
0x207: {  	[sflag:s17] =	ssyncadd.s32 $0xFFFFC000  }
0x208: {  	_ =	swait.ge [sflag:s17], $0x2400  }
0x209: {  	s28 =	sld [smem:$0x7FA]  }
0x20a: {  	[sflag:s17] =	ssyncset.done $0x0  }
0x20b: {  	[sflag:s17] =	ssyncadd.s32 $0xFFFFDC00  }
0x20c: {  	[hbm4b:s28+s3] =	stream.linear.scatter [tilespmem:s13], [sflag:$0x5], $0x6400, $0x38;
	[tilespmem:$0x1B980] =	vst v63  }
0x20d: {  	_ =	swait.ge [sflag:s18], $0x6400  }
0x20e: {  	[sflag:s18] =	ssyncset.done $0x0  }
0x20f: {  	s28 =	simm.s32 $0x8BF0;
	[sflag:s18] =	ssyncadd.s32 $0xFFFF9C00  }
0x210: {  	[tilespmem:s10], [sflag:$0x1] =	stream.indirect.gather [hbm4b:s2+s9], $0x80, s28, s9, $0xb8;
	[tilespmem:$0x1B980] =	vst v63  }
0x211: {  	s29 =	simm.s32 $0x8C70  }
0x212: {  	[tilespmem:s12], [sflag:$0x1] =	stream.indirect.gather [hbm4b:s2+s11], $0x80, s29, s11, $0xb8;
	[tilespmem:$0x1B980] =	vst v63  }
0x213: {  	_ =	swait.ge [sflag:s19], $0x4000  }
0x214: {  	[sflag:s19] =	ssyncset.done $0x0  }
0x215: {  	[sflag:s19] =	ssyncadd.s32 $0xFFFFC000  }
0x216: {  	_ =	swait.ge [sflag:s19], $0x2400  }
0x217: {  	s30 =	sld [smem:$0x7FB]  }
0x218: {  	[sflag:s19] =	ssyncset.done $0x0  }
0x219: {  	[sflag:s19] =	ssyncadd.s32 $0xFFFFDC00  }
0x21a: {  	[hbm4b:s30+s3] =	stream.linear.scatter [tilespmem:s15], [sflag:$0x6], $0x6400, $0x38;
	[tilespmem:$0x1B980] =	vst v63  }
0x21b: {  	_ =	swait.ge [sflag:s20], $0x6400  }
0x21c: {  	[sflag:s20] =	ssyncset.done $0x0  }
0x21d: {  	s30 =	simm.s32 $0x8CB8;
	[sflag:s20] =	ssyncadd.s32 $0xFFFF9C00  }
0x21e: {  	[tilespmem:s13], [sflag:$0x2] =	stream.indirect.gather [hbm4b:s2+s9], $0x80, s30, s9, $0xb8;
	[tilespmem:$0x1B980] =	vst v63  }
0x21f: {  	s31 =	simm.s32 $0x8D38  }
0x220: {  	[tilespmem:s14], [sflag:$0x2] =	stream.indirect.gather [hbm4b:s2+s11], $0x80, s31, s11, $0xb8;
	[tilespmem:$0x1B980] =	vst v63  }
0x221: {  	_ =	swait.ge [sflag:s8], $0x4000  }
0x222: {  	[sflag:s8] =	ssyncset.done $0x0  }
0x223: {  	[sflag:s8] =	ssyncadd.s32 $0xFFFFC000  }
0x224: {  	_ =	swait.ge [sflag:s8], $0x2400  }
0x225: {  	s23 =	sld [smem:$0x7FC]  }
0x226: {  	[sflag:s8] =	ssyncset.done $0x0  }
0x227: {  	[sflag:s8] =	ssyncadd.s32 $0xFFFFDC00  }
0x228: {  	[hbm4b:s23+s3] =	stream.linear.scatter [tilespmem:s10], [sflag:$0x4], $0x6400, $0x38;
	[tilespmem:$0x1B980] =	vst v63  }
0x229: {  	_ =	swait.ge [sflag:s17], $0x4000  }
0x22a: {  	[sflag:s17] =	ssyncset.done $0x0  }
0x22b: {  	[sflag:s17] =	ssyncadd.s32 $0xFFFFC000  }
0x22c: {  	s0 =	ssub.s32 $0x2, s0;
	_ =	swait.ge [sflag:s17], $0x2400  }
0x22d: {  	s23 =	sshrl.u32 s0, $0x1;
	s22 =	sld [smem:$0x7FD]  }
0x22e: {  	s0 =	ssub.s32 s0, s23;
	[sflag:s17] =	ssyncset.done $0x0  }
0x22f: {  	s0 =	smax.u32 s0, $0x1;
	[sflag:s17] =	ssyncadd.s32 $0xFFFFDC00  }
0x230: {  	[hbm4b:s22+s3] =	stream.linear.scatter [tilespmem:s13], [sflag:$0x5], $0x6400, $0x38;
	[tilespmem:$0x1B980] =	vst v63  }
0x231: {  	p0 =	sne.s32 s0, $0x1;
	_ =	swait.ge [sflag:s21], $0x6400  }
.Ltmp0:
0x232: {  	[sflag:s21] =	ssyncset.done $0x0;
	(pc) =	sbr.rel @!p0 .LBB2_2-.Ltmp0, $4  }
0x233: {  	[sflag:s21] =	ssyncadd.s32 $0xFFFF9C00  }
0x234: {  	_ =	swait.ge [sflag:s18], $0x6400  }
0x235: {  	[sflag:s18] =	ssyncset.done $0x0  }
0x236: {  	s0 =	sadd.s32 $0xFFFFFFFF, s0;
	[sflag:s18] =	ssyncadd.s32 $0xFFFF9C00  }
.LBB2_1:
0x237: {  	_ =	swait.ge [sflag:s20], $0x6400  }
0x238: {  	[sflag:s20] =	ssyncset.done $0x0  }
0x239: {  	s1 =	rddreg [dreg:$0x5];
	[sflag:s20] =	ssyncadd.s32 $0xFFFF9C00  }
0x23a: {  	[tilespmem:s3], [sflag:$0x7] =	stream.linear.gather [hbm4b:s1+s3], $0x6400, $0x38;
	[tilespmem:$0x1B980] =	vst v63  }
0x23b: {  	_ =	swait.ge [sflag:s5], $0x6400  }
0x23c: {  	[sflag:s5] =	ssyncset.done $0x0  }
0x23d: {  	s22 =	rddreg [dreg:$0x7];
	[sflag:s5] =	ssyncadd.s32 $0xFFFF9C00  }
0x23e: {  	[tilespmem:s6], [sflag:$0x7] =	stream.linear.gather [hbm4b:s22+s3], $0x20, $0x38;
	[tilespmem:$0x1B980] =	vst v63  }
0x23f: {  	_ =	swait.ge [sflag:s5], $0x20  }
0x240: {  	[sflag:s5] =	ssyncset.done $0x0  }
0x241: {  	s23 =	rddreg [dreg:$0x8];
	[sflag:s5] =	ssyncadd.s32 $0xFFFFFFE0  }
0x242: {  	[tilespmem:s7], [sflag:$0x7] =	stream.linear.gather [hbm4b:s23+s3], $0x1900, $0x38;
	[tilespmem:$0x1B980] =	vst v63  }
0x243: {  	_ =	swait.ge [sflag:s5], $0x1900  }
0x244: {  	s1 =	sld [smem:$0x7BE]  }
0x245: {  	s23 =	sld [smem:$0x7BF]  }
0x246: {  	[sflag:s5] =	ssyncset.done $0x0  }
0x247: {  	s22 =	rddreg [dreg:$0x6];
	[sflag:s5] =	ssyncadd.s32 $0xFFFFE700  }
0x248: {  	[tilespmem:s1], [sflag:$0x1] =	stream.indirect.gather [hbm4b:s22+s23], $0x80, s6, s23, $0xb8;
	[tilespmem:$0x1B980] =	vst v63  }
0x249: {  	_ =	swait.ge [sflag:s8], $0x1000  }
0x24a: {  	[sflag:s8] =	ssyncset.done $0x0  }
0x24b: {  	s1 =	sld [smem:$0x7C0];
	[sflag:s8] =	ssyncadd.s32 $0xFFFFF000  }
0x24c: {  	[tilespmem:s10], [sflag:$0x1] =	stream.indirect.gather [hbm4b:s2+s9], $0x80, s7, s9, $0xb8;
	[tilespmem:$0x1B980] =	vst v63  }
0x24d: {  	s22 =	sld [smem:$0x7C1]  }
0x24e: {  	[tilespmem:s12], [sflag:$0x1] =	stream.indirect.gather [hbm4b:s2+s11], $0x80, s1, s11, $0xb8;
	[tilespmem:$0x1B980] =	vst v63  }
0x24f: {  	s23 =	sld [smem:$0x7C2]  }
0x250: {  	[tilespmem:s13], [sflag:$0x2] =	stream.indirect.gather [hbm4b:s2+s9], $0x80, s22, s9, $0xb8;
	[tilespmem:$0x1B980] =	vst v63  }
0x251: {  	_ = 	snop  }
0x252: {  	[tilespmem:s14], [sflag:$0x2] =	stream.indirect.gather [hbm4b:s2+s11], $0x80, s23, s11, $0xb8;
	[tilespmem:$0x1B980] =	vst v63  }
0x253: {  	_ =	swait.ge [sflag:s8], $0x4000  }
0x254: {  	[sflag:s8] =	ssyncset.done $0x0  }
0x255: {  	[sflag:s8] =	ssyncadd.s32 $0xFFFFC000  }
0x256: {  	_ =	swait.ge [sflag:s8], $0x2400  }
0x257: {  	[sflag:s8] =	ssyncset.done $0x0  }
0x258: {  	s22 =	sld [smem:$0x7C3];
	[sflag:s8] =	ssyncadd.s32 $0xFFFFDC00  }
0x259: {  	[hbm4b:s4+s3] =	stream.linear.scatter [tilespmem:s10], [sflag:$0x4], $0x6400, $0x38;
	[tilespmem:$0x1B980] =	vst v63  }
0x25a: {  	s23 =	sld [smem:$0x7C4]  }
0x25b: {  	[tilespmem:s15], [sflag:$0x3] =	stream.indirect.gather [hbm4b:s2+s9], $0x80, s22, s9, $0xb8;
	[tilespmem:$0x1B980] =	vst v63  }
0x25c: {  	_ = 	snop  }
0x25d: {  	[tilespmem:s16], [sflag:$0x3] =	stream.indirect.gather [hbm4b:s2+s11], $0x80, s23, s11, $0xb8;
	[tilespmem:$0x1B980] =	vst v63  }
0x25e: {  	_ =	swait.ge [sflag:s17], $0x4000  }
0x25f: {  	[sflag:s17] =	ssyncset.done $0x0  }
0x260: {  	[sflag:s17] =	ssyncadd.s32 $0xFFFFC000  }
0x261: {  	_ =	swait.ge [sflag:s17], $0x2400  }
0x262: {  	[sflag:s17] =	ssyncset.done $0x0  }
0x263: {  	s23 =	rddreg [dreg:$0x9];
	[sflag:s17] =	ssyncadd.s32 $0xFFFFDC00  }
0x264: {  	[hbm4b:s23+s3] =	stream.linear.scatter [tilespmem:s13], [sflag:$0x5], $0x6400, $0x38;
	[tilespmem:$0x1B980] =	vst v63  }
0x265: {  	_ =	swait.ge [sflag:s18], $0x6400  }
0x266: {  	s22 =	sld [smem:$0x7C5]  }
0x267: {  	[sflag:s18] =	ssyncset.done $0x0  }
0x268: {  	s23 =	sld [smem:$0x7C6];
	[sflag:s18] =	ssyncadd.s32 $0xFFFF9C00  }
0x269: {  	[tilespmem:s10], [sflag:$0x1] =	stream.indirect.gather [hbm4b:s2+s9], $0x80, s22, s9, $0xb8;
	[tilespmem:$0x1B980] =	vst v63  }
0x26a: {  	_ = 	snop  }
0x26b: {  	[tilespmem:s12], [sflag:$0x1] =	stream.indirect.gather [hbm4b:s2+s11], $0x80, s23, s11, $0xb8;
	[tilespmem:$0x1B980] =	vst v63  }
0x26c: {  	_ =	swait.ge [sflag:s19], $0x4000  }
0x26d: {  	[sflag:s19] =	ssyncset.done $0x0  }
0x26e: {  	[sflag:s19] =	ssyncadd.s32 $0xFFFFC000  }
0x26f: {  	_ =	swait.ge [sflag:s19], $0x2400  }
0x270: {  	[sflag:s19] =	ssyncset.done $0x0  }
0x271: {  	s23 =	rddreg [dreg:$0xa];
	[sflag:s19] =	ssyncadd.s32 $0xFFFFDC00  }
0x272: {  	[hbm4b:s23+s3] =	stream.linear.scatter [tilespmem:s15], [sflag:$0x6], $0x6400, $0x38;
	[tilespmem:$0x1B980] =	vst v63  }
0x273: {  	_ =	swait.ge [sflag:s20], $0x6400  }
0x274: {  	s22 =	sld [smem:$0x7C7]  }
0x275: {  	[sflag:s20] =	ssyncset.done $0x0  }
0x276: {  	s23 =	sld [smem:$0x7C8];
	[sflag:s20] =	ssyncadd.s32 $0xFFFF9C00  }
0x277: {  	[tilespmem:s13], [sflag:$0x2] =	stream.indirect.gather [hbm4b:s2+s9], $0x80, s22, s9, $0xb8;
	[tilespmem:$0x1B980] =	vst v63  }
0x278: {  	_ = 	snop  }
0x279: {  	[tilespmem:s14], [sflag:$0x2] =	stream.indirect.gather [hbm4b:s2+s11], $0x80, s23, s11, $0xb8;
	[tilespmem:$0x1B980] =	vst v63  }
0x27a: {  	_ =	swait.ge [sflag:s8], $0x4000  }
0x27b: {  	[sflag:s8] =	ssyncset.done $0x0  }
0x27c: {  	[sflag:s8] =	ssyncadd.s32 $0xFFFFC000  }
0x27d: {  	_ =	swait.ge [sflag:s8], $0x2400  }
0x27e: {  	[sflag:s8] =	ssyncset.done $0x0  }
0x27f: {  	s23 =	rddreg [dreg:$0xb];
	[sflag:s8] =	ssyncadd.s32 $0xFFFFDC00  }
0x280: {  	[hbm4b:s23+s3] =	stream.linear.scatter [tilespmem:s10], [sflag:$0x4], $0x6400, $0x38;
	[tilespmem:$0x1B980] =	vst v63  }
0x281: {  	_ =	swait.ge [sflag:s21], $0x6400  }
0x282: {  	s22 =	sld [smem:$0x7C9]  }
0x283: {  	[sflag:s21] =	ssyncset.done $0x0  }
0x284: {  	s23 =	sld [smem:$0x7CA];
	[sflag:s21] =	ssyncadd.s32 $0xFFFF9C00  }
0x285: {  	[tilespmem:s15], [sflag:$0x3] =	stream.indirect.gather [hbm4b:s2+s9], $0x80, s22, s9, $0xb8;
	[tilespmem:$0x1B980] =	vst v63  }
0x286: {  	_ = 	snop  }
0x287: {  	[tilespmem:s16], [sflag:$0x3] =	stream.indirect.gather [hbm4b:s2+s11], $0x80, s23, s11, $0xb8;
	[tilespmem:$0x1B980] =	vst v63  }
0x288: {  	_ =	swait.ge [sflag:s17], $0x4000  }
0x289: {  	[sflag:s17] =	ssyncset.done $0x0  }
0x28a: {  	[sflag:s17] =	ssyncadd.s32 $0xFFFFC000  }
0x28b: {  	_ =	swait.ge [sflag:s17], $0x2400  }
0x28c: {  	[sflag:s17] =	ssyncset.done $0x0  }
0x28d: {  	s23 =	rddreg [dreg:$0xc];
	[sflag:s17] =	ssyncadd.s32 $0xFFFFDC00  }
0x28e: {  	[hbm4b:s23+s3] =	stream.linear.scatter [tilespmem:s13], [sflag:$0x5], $0x6400, $0x38;
	[tilespmem:$0x1B980] =	vst v63  }
0x28f: {  	_ =	swait.ge [sflag:s18], $0x6400  }
0x290: {  	s22 =	sld [smem:$0x7CB]  }
0x291: {  	[sflag:s18] =	ssyncset.done $0x0  }
0x292: {  	s23 =	sld [smem:$0x7CC];
	[sflag:s18] =	ssyncadd.s32 $0xFFFF9C00  }
0x293: {  	[tilespmem:s10], [sflag:$0x1] =	stream.indirect.gather [hbm4b:s2+s9], $0x80, s22, s9, $0xb8;
	[tilespmem:$0x1B980] =	vst v63  }
0x294: {  	_ = 	snop  }
0x295: {  	[tilespmem:s12], [sflag:$0x1] =	stream.indirect.gather [hbm4b:s2+s11], $0x80, s23, s11, $0xb8;
	[tilespmem:$0x1B980] =	vst v63  }
0x296: {  	_ =	swait.ge [sflag:s19], $0x4000  }
0x297: {  	[sflag:s19] =	ssyncset.done $0x0  }
0x298: {  	[sflag:s19] =	ssyncadd.s32 $0xFFFFC000  }
0x299: {  	_ =	swait.ge [sflag:s19], $0x2400  }
0x29a: {  	[sflag:s19] =	ssyncset.done $0x0  }
0x29b: {  	s23 =	rddreg [dreg:$0xd];
	[sflag:s19] =	ssyncadd.s32 $0xFFFFDC00  }
0x29c: {  	[hbm4b:s23+s3] =	stream.linear.scatter [tilespmem:s15], [sflag:$0x6], $0x6400, $0x38;
	[tilespmem:$0x1B980] =	vst v63  }
0x29d: {  	_ =	swait.ge [sflag:s20], $0x6400  }
0x29e: {  	s22 =	sld [smem:$0x7CD]  }
0x29f: {  	[sflag:s20] =	ssyncset.done $0x0  }
0x2a0: {  	s23 =	sld [smem:$0x7CE];
	[sflag:s20] =	ssyncadd.s32 $0xFFFF9C00  }
0x2a1: {  	[tilespmem:s13], [sflag:$0x2] =	stream.indirect.gather [hbm4b:s2+s9], $0x80, s22, s9, $0xb8;
	[tilespmem:$0x1B980] =	vst v63  }
0x2a2: {  	_ = 	snop  }
0x2a3: {  	[tilespmem:s14], [sflag:$0x2] =	stream.indirect.gather [hbm4b:s2+s11], $0x80, s23, s11, $0xb8;
	[tilespmem:$0x1B980] =	vst v63  }
0x2a4: {  	_ =	swait.ge [sflag:s8], $0x4000  }
0x2a5: {  	[sflag:s8] =	ssyncset.done $0x0  }
0x2a6: {  	[sflag:s8] =	ssyncadd.s32 $0xFFFFC000  }
0x2a7: {  	_ =	swait.ge [sflag:s8], $0x2400  }
0x2a8: {  	[sflag:s8] =	ssyncset.done $0x0  }
0x2a9: {  	s23 =	rddreg [dreg:$0xe];
	[sflag:s8] =	ssyncadd.s32 $0xFFFFDC00  }
0x2aa: {  	[hbm4b:s23+s3] =	stream.linear.scatter [tilespmem:s10], [sflag:$0x4], $0x6400, $0x38;
	[tilespmem:$0x1B980] =	vst v63  }
0x2ab: {  	_ =	swait.ge [sflag:s21], $0x6400  }
0x2ac: {  	s22 =	sld [smem:$0x7CF]  }
0x2ad: {  	[sflag:s21] =	ssyncset.done $0x0  }
0x2ae: {  	s23 =	sld [smem:$0x7D0];
	[sflag:s21] =	ssyncadd.s32 $0xFFFF9C00  }
0x2af: {  	[tilespmem:s15], [sflag:$0x3] =	stream.indirect.gather [hbm4b:s2+s9], $0x80, s22, s9, $0xb8;
	[tilespmem:$0x1B980] =	vst v63  }
0x2b0: {  	_ = 	snop  }
0x2b1: {  	[tilespmem:s16], [sflag:$0x3] =	stream.indirect.gather [hbm4b:s2+s11], $0x80, s23, s11, $0xb8;
	[tilespmem:$0x1B980] =	vst v63  }
0x2b2: {  	_ =	swait.ge [sflag:s17], $0x4000  }
0x2b3: {  	[sflag:s17] =	ssyncset.done $0x0  }
0x2b4: {  	[sflag:s17] =	ssyncadd.s32 $0xFFFFC000  }
0x2b5: {  	_ =	swait.ge [sflag:s17], $0x2400  }
0x2b6: {  	[sflag:s17] =	ssyncset.done $0x0  }
0x2b7: {  	s23 =	rddreg [dreg:$0xf];
	[sflag:s17] =	ssyncadd.s32 $0xFFFFDC00  }
0x2b8: {  	[hbm4b:s23+s3] =	stream.linear.scatter [tilespmem:s13], [sflag:$0x5], $0x6400, $0x38;
	[tilespmem:$0x1B980] =	vst v63  }
0x2b9: {  	_ =	swait.ge [sflag:s18], $0x6400  }
0x2ba: {  	s22 =	sld [smem:$0x7D1]  }
0x2bb: {  	[sflag:s18] =	ssyncset.done $0x0  }
0x2bc: {  	s23 =	sld [smem:$0x7D2];
	[sflag:s18] =	ssyncadd.s32 $0xFFFF9C00  }
0x2bd: {  	[tilespmem:s10], [sflag:$0x1] =	stream.indirect.gather [hbm4b:s2+s9], $0x80, s22, s9, $0xb8;
	[tilespmem:$0x1B980] =	vst v63  }
0x2be: {  	_ = 	snop  }
0x2bf: {  	[tilespmem:s12], [sflag:$0x1] =	stream.indirect.gather [hbm4b:s2+s11], $0x80, s23, s11, $0xb8;
	[tilespmem:$0x1B980] =	vst v63  }
0x2c0: {  	_ =	swait.ge [sflag:s19], $0x4000  }
0x2c1: {  	[sflag:s19] =	ssyncset.done $0x0  }
0x2c2: {  	[sflag:s19] =	ssyncadd.s32 $0xFFFFC000  }
0x2c3: {  	_ =	swait.ge [sflag:s19], $0x2400  }
0x2c4: {  	[sflag:s19] =	ssyncset.done $0x0  }
0x2c5: {  	s23 =	rddreg [dreg:$0x10];
	[sflag:s19] =	ssyncadd.s32 $0xFFFFDC00  }
0x2c6: {  	[hbm4b:s23+s3] =	stream.linear.scatter [tilespmem:s15], [sflag:$0x6], $0x6400, $0x38;
	[tilespmem:$0x1B980] =	vst v63  }
0x2c7: {  	_ =	swait.ge [sflag:s20], $0x6400  }
0x2c8: {  	s22 =	sld [smem:$0x7D3]  }
0x2c9: {  	[sflag:s20] =	ssyncset.done $0x0  }
0x2ca: {  	s23 =	sld [smem:$0x7D4];
	[sflag:s20] =	ssyncadd.s32 $0xFFFF9C00  }
0x2cb: {  	[tilespmem:s13], [sflag:$0x2] =	stream.indirect.gather [hbm4b:s2+s9], $0x80, s22, s9, $0xb8;
	[tilespmem:$0x1B980] =	vst v63  }
0x2cc: {  	_ = 	snop  }
0x2cd: {  	[tilespmem:s14], [sflag:$0x2] =	stream.indirect.gather [hbm4b:s2+s11], $0x80, s23, s11, $0xb8;
	[tilespmem:$0x1B980] =	vst v63  }
0x2ce: {  	_ =	swait.ge [sflag:s8], $0x4000  }
0x2cf: {  	[sflag:s8] =	ssyncset.done $0x0  }
0x2d0: {  	[sflag:s8] =	ssyncadd.s32 $0xFFFFC000  }
0x2d1: {  	_ =	swait.ge [sflag:s8], $0x2400  }
0x2d2: {  	[sflag:s8] =	ssyncset.done $0x0  }
0x2d3: {  	s23 =	rddreg [dreg:$0x11];
	[sflag:s8] =	ssyncadd.s32 $0xFFFFDC00  }
0x2d4: {  	[hbm4b:s23+s3] =	stream.linear.scatter [tilespmem:s10], [sflag:$0x4], $0x6400, $0x38;
	[tilespmem:$0x1B980] =	vst v63  }
0x2d5: {  	_ =	swait.ge [sflag:s21], $0x6400  }
0x2d6: {  	s22 =	sld [smem:$0x7D5]  }
0x2d7: {  	[sflag:s21] =	ssyncset.done $0x0  }
0x2d8: {  	s23 =	sld [smem:$0x7D6];
	[sflag:s21] =	ssyncadd.s32 $0xFFFF9C00  }
0x2d9: {  	[tilespmem:s15], [sflag:$0x3] =	stream.indirect.gather [hbm4b:s2+s9], $0x80, s22, s9, $0xb8;
	[tilespmem:$0x1B980] =	vst v63  }
0x2da: {  	_ = 	snop  }
0x2db: {  	[tilespmem:s16], [sflag:$0x3] =	stream.indirect.gather [hbm4b:s2+s11], $0x80, s23, s11, $0xb8;
	[tilespmem:$0x1B980] =	vst v63  }
0x2dc: {  	_ =	swait.ge [sflag:s17], $0x4000  }
0x2dd: {  	[sflag:s17] =	ssyncset.done $0x0  }
0x2de: {  	[sflag:s17] =	ssyncadd.s32 $0xFFFFC000  }
0x2df: {  	_ =	swait.ge [sflag:s17], $0x2400  }
0x2e0: {  	[sflag:s17] =	ssyncset.done $0x0  }
0x2e1: {  	s23 =	rddreg [dreg:$0x12];
	[sflag:s17] =	ssyncadd.s32 $0xFFFFDC00  }
0x2e2: {  	[hbm4b:s23+s3] =	stream.linear.scatter [tilespmem:s13], [sflag:$0x5], $0x6400, $0x38;
	[tilespmem:$0x1B980] =	vst v63  }
0x2e3: {  	_ =	swait.ge [sflag:s18], $0x6400  }
0x2e4: {  	s22 =	sld [smem:$0x7D7]  }
0x2e5: {  	[sflag:s18] =	ssyncset.done $0x0  }
0x2e6: {  	s23 =	sld [smem:$0x7D8];
	[sflag:s18] =	ssyncadd.s32 $0xFFFF9C00  }
0x2e7: {  	[tilespmem:s10], [sflag:$0x1] =	stream.indirect.gather [hbm4b:s2+s9], $0x80, s22, s9, $0xb8;
	[tilespmem:$0x1B980] =	vst v63  }
0x2e8: {  	_ = 	snop  }
0x2e9: {  	[tilespmem:s12], [sflag:$0x1] =	stream.indirect.gather [hbm4b:s2+s11], $0x80, s23, s11, $0xb8;
	[tilespmem:$0x1B980] =	vst v63  }
0x2ea: {  	_ =	swait.ge [sflag:s19], $0x4000  }
0x2eb: {  	[sflag:s19] =	ssyncset.done $0x0  }
0x2ec: {  	[sflag:s19] =	ssyncadd.s32 $0xFFFFC000  }
0x2ed: {  	_ =	swait.ge [sflag:s19], $0x2400  }
0x2ee: {  	[sflag:s19] =	ssyncset.done $0x0  }
0x2ef: {  	s23 =	rddreg [dreg:$0x13];
	[sflag:s19] =	ssyncadd.s32 $0xFFFFDC00  }
0x2f0: {  	[hbm4b:s23+s3] =	stream.linear.scatter [tilespmem:s15], [sflag:$0x6], $0x6400, $0x38;
	[tilespmem:$0x1B980] =	vst v63  }
0x2f1: {  	_ =	swait.ge [sflag:s20], $0x6400  }
0x2f2: {  	s22 =	sld [smem:$0x7D9]  }
0x2f3: {  	[sflag:s20] =	ssyncset.done $0x0  }
0x2f4: {  	s23 =	sld [smem:$0x7DA];
	[sflag:s20] =	ssyncadd.s32 $0xFFFF9C00  }
0x2f5: {  	[tilespmem:s13], [sflag:$0x2] =	stream.indirect.gather [hbm4b:s2+s9], $0x80, s22, s9, $0xb8;
	[tilespmem:$0x1B980] =	vst v63  }
0x2f6: {  	_ = 	snop  }
0x2f7: {  	[tilespmem:s14], [sflag:$0x2] =	stream.indirect.gather [hbm4b:s2+s11], $0x80, s23, s11, $0xb8;
	[tilespmem:$0x1B980] =	vst v63  }
0x2f8: {  	_ =	swait.ge [sflag:s8], $0x4000  }
0x2f9: {  	[sflag:s8] =	ssyncset.done $0x0  }
0x2fa: {  	[sflag:s8] =	ssyncadd.s32 $0xFFFFC000  }
0x2fb: {  	_ =	swait.ge [sflag:s8], $0x2400  }
0x2fc: {  	[sflag:s8] =	ssyncset.done $0x0  }
0x2fd: {  	s23 =	rddreg [dreg:$0x14];
	[sflag:s8] =	ssyncadd.s32 $0xFFFFDC00  }
0x2fe: {  	[hbm4b:s23+s3] =	stream.linear.scatter [tilespmem:s10], [sflag:$0x4], $0x6400, $0x38;
	[tilespmem:$0x1B980] =	vst v63  }
0x2ff: {  	_ =	swait.ge [sflag:s21], $0x6400  }
0x300: {  	s22 =	sld [smem:$0x7DB]  }
0x301: {  	[sflag:s21] =	ssyncset.done $0x0  }
0x302: {  	s23 =	sld [smem:$0x7DC];
	[sflag:s21] =	ssyncadd.s32 $0xFFFF9C00  }
0x303: {  	[tilespmem:s15], [sflag:$0x3] =	stream.indirect.gather [hbm4b:s2+s9], $0x80, s22, s9, $0xb8;
	[tilespmem:$0x1B980] =	vst v63  }
0x304: {  	_ = 	snop  }
0x305: {  	[tilespmem:s16], [sflag:$0x3] =	stream.indirect.gather [hbm4b:s2+s11], $0x80, s23, s11, $0xb8;
	[tilespmem:$0x1B980] =	vst v63  }
0x306: {  	_ =	swait.ge [sflag:s17], $0x4000  }
0x307: {  	[sflag:s17] =	ssyncset.done $0x0  }
0x308: {  	[sflag:s17] =	ssyncadd.s32 $0xFFFFC000  }
0x309: {  	_ =	swait.ge [sflag:s17], $0x2400  }
0x30a: {  	[sflag:s17] =	ssyncset.done $0x0  }
0x30b: {  	s23 =	rddreg [dreg:$0x15];
	[sflag:s17] =	ssyncadd.s32 $0xFFFFDC00  }
0x30c: {  	[hbm4b:s23+s3] =	stream.linear.scatter [tilespmem:s13], [sflag:$0x5], $0x6400, $0x38;
	[tilespmem:$0x1B980] =	vst v63  }
0x30d: {  	_ =	swait.ge [sflag:s18], $0x6400  }
0x30e: {  	s22 =	sld [smem:$0x7DD]  }
0x30f: {  	[sflag:s18] =	ssyncset.done $0x0  }
0x310: {  	s23 =	sld [smem:$0x7DE];
	[sflag:s18] =	ssyncadd.s32 $0xFFFF9C00  }
0x311: {  	[tilespmem:s10], [sflag:$0x1] =	stream.indirect.gather [hbm4b:s2+s9], $0x80, s22, s9, $0xb8;
	[tilespmem:$0x1B980] =	vst v63  }
0x312: {  	_ = 	snop  }
0x313: {  	[tilespmem:s12], [sflag:$0x1] =	stream.indirect.gather [hbm4b:s2+s11], $0x80, s23, s11, $0xb8;
	[tilespmem:$0x1B980] =	vst v63  }
0x314: {  	_ =	swait.ge [sflag:s19], $0x4000  }
0x315: {  	[sflag:s19] =	ssyncset.done $0x0  }
0x316: {  	[sflag:s19] =	ssyncadd.s32 $0xFFFFC000  }
0x317: {  	_ =	swait.ge [sflag:s19], $0x2400  }
0x318: {  	[sflag:s19] =	ssyncset.done $0x0  }
0x319: {  	s23 =	rddreg [dreg:$0x16];
	[sflag:s19] =	ssyncadd.s32 $0xFFFFDC00  }
0x31a: {  	[hbm4b:s23+s3] =	stream.linear.scatter [tilespmem:s15], [sflag:$0x6], $0x6400, $0x38;
	[tilespmem:$0x1B980] =	vst v63  }
0x31b: {  	_ =	swait.ge [sflag:s20], $0x6400  }
0x31c: {  	s22 =	sld [smem:$0x7DF]  }
0x31d: {  	[sflag:s20] =	ssyncset.done $0x0  }
0x31e: {  	s23 =	sld [smem:$0x7E0];
	[sflag:s20] =	ssyncadd.s32 $0xFFFF9C00  }
0x31f: {  	[tilespmem:s13], [sflag:$0x2] =	stream.indirect.gather [hbm4b:s2+s9], $0x80, s22, s9, $0xb8;
	[tilespmem:$0x1B980] =	vst v63  }
0x320: {  	_ = 	snop  }
0x321: {  	[tilespmem:s14], [sflag:$0x2] =	stream.indirect.gather [hbm4b:s2+s11], $0x80, s23, s11, $0xb8;
	[tilespmem:$0x1B980] =	vst v63  }
0x322: {  	_ =	swait.ge [sflag:s8], $0x4000  }
0x323: {  	[sflag:s8] =	ssyncset.done $0x0  }
0x324: {  	[sflag:s8] =	ssyncadd.s32 $0xFFFFC000  }
0x325: {  	_ =	swait.ge [sflag:s8], $0x2400  }
0x326: {  	[sflag:s8] =	ssyncset.done $0x0  }
0x327: {  	s23 =	rddreg [dreg:$0x17];
	[sflag:s8] =	ssyncadd.s32 $0xFFFFDC00  }
0x328: {  	[hbm4b:s23+s3] =	stream.linear.scatter [tilespmem:s10], [sflag:$0x4], $0x6400, $0x38;
	[tilespmem:$0x1B980] =	vst v63  }
0x329: {  	_ =	swait.ge [sflag:s21], $0x6400  }
0x32a: {  	s22 =	sld [smem:$0x7E1]  }
0x32b: {  	[sflag:s21] =	ssyncset.done $0x0  }
0x32c: {  	s23 =	sld [smem:$0x7E2];
	[sflag:s21] =	ssyncadd.s32 $0xFFFF9C00  }
0x32d: {  	[tilespmem:s15], [sflag:$0x3] =	stream.indirect.gather [hbm4b:s2+s9], $0x80, s22, s9, $0xb8;
	[tilespmem:$0x1B980] =	vst v63  }
0x32e: {  	_ = 	snop  }
0x32f: {  	[tilespmem:s16], [sflag:$0x3] =	stream.indirect.gather [hbm4b:s2+s11], $0x80, s23, s11, $0xb8;
	[tilespmem:$0x1B980] =	vst v63  }
0x330: {  	_ =	swait.ge [sflag:s17], $0x4000  }
0x331: {  	[sflag:s17] =	ssyncset.done $0x0  }
0x332: {  	[sflag:s17] =	ssyncadd.s32 $0xFFFFC000  }
0x333: {  	_ =	swait.ge [sflag:s17], $0x2400  }
0x334: {  	[sflag:s17] =	ssyncset.done $0x0  }
0x335: {  	s23 =	rddreg [dreg:$0x18];
	[sflag:s17] =	ssyncadd.s32 $0xFFFFDC00  }
0x336: {  	[hbm4b:s23+s3] =	stream.linear.scatter [tilespmem:s13], [sflag:$0x5], $0x6400, $0x38;
	[tilespmem:$0x1B980] =	vst v63  }
0x337: {  	_ =	swait.ge [sflag:s18], $0x6400  }
0x338: {  	s22 =	sld [smem:$0x7E3]  }
0x339: {  	[sflag:s18] =	ssyncset.done $0x0  }
0x33a: {  	s23 =	sld [smem:$0x7E4];
	[sflag:s18] =	ssyncadd.s32 $0xFFFF9C00  }
0x33b: {  	[tilespmem:s10], [sflag:$0x1] =	stream.indirect.gather [hbm4b:s2+s9], $0x80, s22, s9, $0xb8;
	[tilespmem:$0x1B980] =	vst v63  }
0x33c: {  	_ = 	snop  }
0x33d: {  	[tilespmem:s12], [sflag:$0x1] =	stream.indirect.gather [hbm4b:s2+s11], $0x80, s23, s11, $0xb8;
	[tilespmem:$0x1B980] =	vst v63  }
0x33e: {  	_ =	swait.ge [sflag:s19], $0x4000  }
0x33f: {  	[sflag:s19] =	ssyncset.done $0x0  }
0x340: {  	[sflag:s19] =	ssyncadd.s32 $0xFFFFC000  }
0x341: {  	_ =	swait.ge [sflag:s19], $0x2400  }
0x342: {  	[sflag:s19] =	ssyncset.done $0x0  }
0x343: {  	s23 =	rddreg [dreg:$0x19];
	[sflag:s19] =	ssyncadd.s32 $0xFFFFDC00  }
0x344: {  	[hbm4b:s23+s3] =	stream.linear.scatter [tilespmem:s15], [sflag:$0x6], $0x6400, $0x38;
	[tilespmem:$0x1B980] =	vst v63  }
0x345: {  	_ =	swait.ge [sflag:s20], $0x6400  }
0x346: {  	s22 =	sld [smem:$0x7E5]  }
0x347: {  	[sflag:s20] =	ssyncset.done $0x0  }
0x348: {  	s23 =	sld [smem:$0x7E6];
	[sflag:s20] =	ssyncadd.s32 $0xFFFF9C00  }
0x349: {  	[tilespmem:s13], [sflag:$0x2] =	stream.indirect.gather [hbm4b:s2+s9], $0x80, s22, s9, $0xb8;
	[tilespmem:$0x1B980] =	vst v63  }
0x34a: {  	_ = 	snop  }
0x34b: {  	[tilespmem:s14], [sflag:$0x2] =	stream.indirect.gather [hbm4b:s2+s11], $0x80, s23, s11, $0xb8;
	[tilespmem:$0x1B980] =	vst v63  }
0x34c: {  	_ =	swait.ge [sflag:s8], $0x4000  }
0x34d: {  	[sflag:s8] =	ssyncset.done $0x0  }
0x34e: {  	[sflag:s8] =	ssyncadd.s32 $0xFFFFC000  }
0x34f: {  	_ =	swait.ge [sflag:s8], $0x2400  }
0x350: {  	[sflag:s8] =	ssyncset.done $0x0  }
0x351: {  	s23 =	rddreg [dreg:$0x1a];
	[sflag:s8] =	ssyncadd.s32 $0xFFFFDC00  }
0x352: {  	[hbm4b:s23+s3] =	stream.linear.scatter [tilespmem:s10], [sflag:$0x4], $0x6400, $0x38;
	[tilespmem:$0x1B980] =	vst v63  }
0x353: {  	_ =	swait.ge [sflag:s21], $0x6400  }
0x354: {  	s22 =	sld [smem:$0x7E7]  }
0x355: {  	[sflag:s21] =	ssyncset.done $0x0  }
0x356: {  	s23 =	sld [smem:$0x7E8];
	[sflag:s21] =	ssyncadd.s32 $0xFFFF9C00  }
0x357: {  	[tilespmem:s15], [sflag:$0x3] =	stream.indirect.gather [hbm4b:s2+s9], $0x80, s22, s9, $0xb8;
	[tilespmem:$0x1B980] =	vst v63  }
0x358: {  	_ = 	snop  }
0x359: {  	[tilespmem:s16], [sflag:$0x3] =	stream.indirect.gather [hbm4b:s2+s11], $0x80, s23, s11, $0xb8;
	[tilespmem:$0x1B980] =	vst v63  }
0x35a: {  	_ =	swait.ge [sflag:s17], $0x4000  }
0x35b: {  	[sflag:s17] =	ssyncset.done $0x0  }
0x35c: {  	[sflag:s17] =	ssyncadd.s32 $0xFFFFC000  }
0x35d: {  	_ =	swait.ge [sflag:s17], $0x2400  }
0x35e: {  	[sflag:s17] =	ssyncset.done $0x0  }
0x35f: {  	s23 =	rddreg [dreg:$0x1b];
	[sflag:s17] =	ssyncadd.s32 $0xFFFFDC00  }
0x360: {  	[hbm4b:s23+s3] =	stream.linear.scatter [tilespmem:s13], [sflag:$0x5], $0x6400, $0x38;
	[tilespmem:$0x1B980] =	vst v63  }
0x361: {  	_ =	swait.ge [sflag:s18], $0x6400  }
0x362: {  	s22 =	sld [smem:$0x7E9]  }
0x363: {  	[sflag:s18] =	ssyncset.done $0x0  }
0x364: {  	s23 =	sld [smem:$0x7EA];
	[sflag:s18] =	ssyncadd.s32 $0xFFFF9C00  }
0x365: {  	[tilespmem:s10], [sflag:$0x1] =	stream.indirect.gather [hbm4b:s2+s9], $0x80, s22, s9, $0xb8;
	[tilespmem:$0x1B980] =	vst v63  }
0x366: {  	_ = 	snop  }
0x367: {  	[tilespmem:s12], [sflag:$0x1] =	stream.indirect.gather [hbm4b:s2+s11], $0x80, s23, s11, $0xb8;
	[tilespmem:$0x1B980] =	vst v63  }
0x368: {  	_ =	swait.ge [sflag:s19], $0x4000  }
0x369: {  	[sflag:s19] =	ssyncset.done $0x0  }
0x36a: {  	[sflag:s19] =	ssyncadd.s32 $0xFFFFC000  }
0x36b: {  	_ =	swait.ge [sflag:s19], $0x2400  }
0x36c: {  	[sflag:s19] =	ssyncset.done $0x0  }
0x36d: {  	s23 =	rddreg [dreg:$0x1c];
	[sflag:s19] =	ssyncadd.s32 $0xFFFFDC00  }
0x36e: {  	[hbm4b:s23+s3] =	stream.linear.scatter [tilespmem:s15], [sflag:$0x6], $0x6400, $0x38;
	[tilespmem:$0x1B980] =	vst v63  }
0x36f: {  	_ =	swait.ge [sflag:s20], $0x6400  }
0x370: {  	s22 =	sld [smem:$0x7EB]  }
0x371: {  	[sflag:s20] =	ssyncset.done $0x0  }
0x372: {  	s23 =	sld [smem:$0x7EC];
	[sflag:s20] =	ssyncadd.s32 $0xFFFF9C00  }
0x373: {  	[tilespmem:s13], [sflag:$0x2] =	stream.indirect.gather [hbm4b:s2+s9], $0x80, s22, s9, $0xb8;
	[tilespmem:$0x1B980] =	vst v63  }
0x374: {  	_ = 	snop  }
0x375: {  	[tilespmem:s14], [sflag:$0x2] =	stream.indirect.gather [hbm4b:s2+s11], $0x80, s23, s11, $0xb8;
	[tilespmem:$0x1B980] =	vst v63  }
0x376: {  	_ =	swait.ge [sflag:s8], $0x4000  }
0x377: {  	[sflag:s8] =	ssyncset.done $0x0  }
0x378: {  	[sflag:s8] =	ssyncadd.s32 $0xFFFFC000  }
0x379: {  	_ =	swait.ge [sflag:s8], $0x2400  }
0x37a: {  	[sflag:s8] =	ssyncset.done $0x0  }
0x37b: {  	s23 =	rddreg [dreg:$0x1d];
	[sflag:s8] =	ssyncadd.s32 $0xFFFFDC00  }
0x37c: {  	[hbm4b:s23+s3] =	stream.linear.scatter [tilespmem:s10], [sflag:$0x4], $0x6400, $0x38;
	[tilespmem:$0x1B980] =	vst v63  }
0x37d: {  	_ =	swait.ge [sflag:s21], $0x6400  }
0x37e: {  	s22 =	sld [smem:$0x7ED]  }
0x37f: {  	[sflag:s21] =	ssyncset.done $0x0  }
0x380: {  	s23 =	sld [smem:$0x7EE];
	[sflag:s21] =	ssyncadd.s32 $0xFFFF9C00  }
0x381: {  	[tilespmem:s15], [sflag:$0x3] =	stream.indirect.gather [hbm4b:s2+s9], $0x80, s22, s9, $0xb8;
	[tilespmem:$0x1B980] =	vst v63  }
0x382: {  	_ = 	snop  }
0x383: {  	[tilespmem:s16], [sflag:$0x3] =	stream.indirect.gather [hbm4b:s2+s11], $0x80, s23, s11, $0xb8;
	[tilespmem:$0x1B980] =	vst v63  }
0x384: {  	_ =	swait.ge [sflag:s17], $0x4000  }
0x385: {  	[sflag:s17] =	ssyncset.done $0x0  }
0x386: {  	[sflag:s17] =	ssyncadd.s32 $0xFFFFC000  }
0x387: {  	_ =	swait.ge [sflag:s17], $0x2400  }
0x388: {  	[sflag:s17] =	ssyncset.done $0x0  }
0x389: {  	s23 =	rddreg [dreg:$0x1e];
	[sflag:s17] =	ssyncadd.s32 $0xFFFFDC00  }
0x38a: {  	[hbm4b:s23+s3] =	stream.linear.scatter [tilespmem:s13], [sflag:$0x5], $0x6400, $0x38;
	[tilespmem:$0x1B980] =	vst v63  }
0x38b: {  	_ =	swait.ge [sflag:s18], $0x6400  }
0x38c: {  	s22 =	sld [smem:$0x7EF]  }
0x38d: {  	[sflag:s18] =	ssyncset.done $0x0  }
0x38e: {  	s23 =	sld [smem:$0x7F0];
	[sflag:s18] =	ssyncadd.s32 $0xFFFF9C00  }
0x38f: {  	[tilespmem:s10], [sflag:$0x1] =	stream.indirect.gather [hbm4b:s2+s9], $0x80, s22, s9, $0xb8;
	[tilespmem:$0x1B980] =	vst v63  }
0x390: {  	_ = 	snop  }
0x391: {  	[tilespmem:s12], [sflag:$0x1] =	stream.indirect.gather [hbm4b:s2+s11], $0x80, s23, s11, $0xb8;
	[tilespmem:$0x1B980] =	vst v63  }
0x392: {  	_ =	swait.ge [sflag:s19], $0x4000  }
0x393: {  	[sflag:s19] =	ssyncset.done $0x0  }
0x394: {  	[sflag:s19] =	ssyncadd.s32 $0xFFFFC000  }
0x395: {  	_ =	swait.ge [sflag:s19], $0x2400  }
0x396: {  	[sflag:s19] =	ssyncset.done $0x0  }
0x397: {  	s23 =	rddreg [dreg:$0x1f];
	[sflag:s19] =	ssyncadd.s32 $0xFFFFDC00  }
0x398: {  	[hbm4b:s23+s3] =	stream.linear.scatter [tilespmem:s15], [sflag:$0x6], $0x6400, $0x38;
	[tilespmem:$0x1B980] =	vst v63  }
0x399: {  	_ =	swait.ge [sflag:s20], $0x6400  }
0x39a: {  	s22 =	sld [smem:$0x7F1]  }
0x39b: {  	[sflag:s20] =	ssyncset.done $0x0  }
0x39c: {  	s23 =	sld [smem:$0x7F2];
	[sflag:s20] =	ssyncadd.s32 $0xFFFF9C00  }
0x39d: {  	[tilespmem:s13], [sflag:$0x2] =	stream.indirect.gather [hbm4b:s2+s9], $0x80, s22, s9, $0xb8;
	[tilespmem:$0x1B980] =	vst v63  }
0x39e: {  	_ = 	snop  }
0x39f: {  	[tilespmem:s14], [sflag:$0x2] =	stream.indirect.gather [hbm4b:s2+s11], $0x80, s23, s11, $0xb8;
	[tilespmem:$0x1B980] =	vst v63  }
0x3a0: {  	_ =	swait.ge [sflag:s8], $0x4000  }
0x3a1: {  	[sflag:s8] =	ssyncset.done $0x0  }
0x3a2: {  	[sflag:s8] =	ssyncadd.s32 $0xFFFFC000  }
0x3a3: {  	_ =	swait.ge [sflag:s8], $0x2400  }
0x3a4: {  	s23 =	sld [smem:$0x7F3]  }
0x3a5: {  	[sflag:s8] =	ssyncset.done $0x0  }
0x3a6: {  	[sflag:s8] =	ssyncadd.s32 $0xFFFFDC00  }
0x3a7: {  	[hbm4b:s23+s3] =	stream.linear.scatter [tilespmem:s10], [sflag:$0x4], $0x6400, $0x38;
	[tilespmem:$0x1B980] =	vst v63  }
0x3a8: {  	_ =	swait.ge [sflag:s21], $0x6400  }
0x3a9: {  	s22 =	sld [smem:$0x7F4]  }
0x3aa: {  	[sflag:s21] =	ssyncset.done $0x0  }
0x3ab: {  	s23 =	sld [smem:$0x7F5];
	[sflag:s21] =	ssyncadd.s32 $0xFFFF9C00  }
0x3ac: {  	[tilespmem:s15], [sflag:$0x3] =	stream.indirect.gather [hbm4b:s2+s9], $0x80, s22, s9, $0xb8;
	[tilespmem:$0x1B980] =	vst v63  }
0x3ad: {  	_ = 	snop  }
0x3ae: {  	[tilespmem:s16], [sflag:$0x3] =	stream.indirect.gather [hbm4b:s2+s11], $0x80, s23, s11, $0xb8;
	[tilespmem:$0x1B980] =	vst v63  }
0x3af: {  	_ =	swait.ge [sflag:s17], $0x4000  }
0x3b0: {  	[sflag:s17] =	ssyncset.done $0x0  }
0x3b1: {  	[sflag:s17] =	ssyncadd.s32 $0xFFFFC000  }
0x3b2: {  	_ =	swait.ge [sflag:s17], $0x2400  }
0x3b3: {  	s22 =	sld [smem:$0x7F6]  }
0x3b4: {  	[sflag:s17] =	ssyncset.done $0x0  }
0x3b5: {  	[sflag:s17] =	ssyncadd.s32 $0xFFFFDC00  }
0x3b6: {  	[hbm4b:s22+s3] =	stream.linear.scatter [tilespmem:s13], [sflag:$0x5], $0x6400, $0x38;
	[tilespmem:$0x1B980] =	vst v63  }
0x3b7: {  	_ =	swait.ge [sflag:s18], $0x6400  }
0x3b8: {  	s23 =	sld [smem:$0x7F7]  }
0x3b9: {  	[sflag:s18] =	ssyncset.done $0x0  }
0x3ba: {  	[sflag:s18] =	ssyncadd.s32 $0xFFFF9C00  }
0x3bb: {  	[tilespmem:s10], [sflag:$0x1] =	stream.indirect.gather [hbm4b:s2+s9], $0x80, s23, s9, $0xb8;
	[tilespmem:$0x1B980] =	vst v63  }
0x3bc: {  	s22 =	simm.s32 $0x8A18  }
0x3bd: {  	[tilespmem:s12], [sflag:$0x1] =	stream.indirect.gather [hbm4b:s2+s11], $0x80, s22, s11, $0xb8;
	[tilespmem:$0x1B980] =	vst v63  }
0x3be: {  	_ =	swait.ge [sflag:s19], $0x4000  }
0x3bf: {  	[sflag:s19] =	ssyncset.done $0x0  }
0x3c0: {  	[sflag:s19] =	ssyncadd.s32 $0xFFFFC000  }
0x3c1: {  	_ =	swait.ge [sflag:s19], $0x2400  }
0x3c2: {  	s23 =	sld [smem:$0x7F8]  }
0x3c3: {  	[sflag:s19] =	ssyncset.done $0x0  }
0x3c4: {  	[sflag:s19] =	ssyncadd.s32 $0xFFFFDC00  }
0x3c5: {  	[hbm4b:s23+s3] =	stream.linear.scatter [tilespmem:s15], [sflag:$0x6], $0x6400, $0x38;
	[tilespmem:$0x1B980] =	vst v63  }
0x3c6: {  	_ =	swait.ge [sflag:s20], $0x6400  }
0x3c7: {  	[sflag:s20] =	ssyncset.done $0x0  }
0x3c8: {  	s22 =	simm.s32 $0x8A60;
	[sflag:s20] =	ssyncadd.s32 $0xFFFF9C00  }
0x3c9: {  	[tilespmem:s13], [sflag:$0x2] =	stream.indirect.gather [hbm4b:s2+s9], $0x80, s22, s9, $0xb8;
	[tilespmem:$0x1B980] =	vst v63  }
0x3ca: {  	_ = 	snop  }
0x3cb: {  	[tilespmem:s14], [sflag:$0x2] =	stream.indirect.gather [hbm4b:s2+s11], $0x80, s24, s11, $0xb8;
	[tilespmem:$0x1B980] =	vst v63  }
0x3cc: {  	_ =	swait.ge [sflag:s8], $0x4000  }
0x3cd: {  	[sflag:s8] =	ssyncset.done $0x0  }
0x3ce: {  	[sflag:s8] =	ssyncadd.s32 $0xFFFFC000  }
0x3cf: {  	_ =	swait.ge [sflag:s8], $0x2400  }
0x3d0: {  	s23 =	sld [smem:$0x7F9]  }
0x3d1: {  	[sflag:s8] =	ssyncset.done $0x0  }
0x3d2: {  	[sflag:s8] =	ssyncadd.s32 $0xFFFFDC00  }
0x3d3: {  	[hbm4b:s23+s3] =	stream.linear.scatter [tilespmem:s10], [sflag:$0x4], $0x6400, $0x38;
	[tilespmem:$0x1B980] =	vst v63  }
0x3d4: {  	_ =	swait.ge [sflag:s21], $0x6400  }
0x3d5: {  	[sflag:s21] =	ssyncset.done $0x0  }
0x3d6: {  	[sflag:s21] =	ssyncadd.s32 $0xFFFF9C00  }
0x3d7: {  	[tilespmem:s15], [sflag:$0x3] =	stream.indirect.gather [hbm4b:s2+s9], $0x80, s25, s9, $0xb8;
	[tilespmem:$0x1B980] =	vst v63  }
0x3d8: {  	_ = 	snop  }
0x3d9: {  	[tilespmem:s16], [sflag:$0x3] =	stream.indirect.gather [hbm4b:s2+s11], $0x80, s26, s11, $0xb8;
	[tilespmem:$0x1B980] =	vst v63  }
0x3da: {  	_ =	swait.ge [sflag:s17], $0x4000  }
0x3db: {  	[sflag:s17] =	ssyncset.done $0x0  }
0x3dc: {  	[sflag:s17] =	ssyncadd.s32 $0xFFFFC000  }
0x3dd: {  	_ =	swait.ge [sflag:s17], $0x2400  }
0x3de: {  	s22 =	sld [smem:$0x7FA]  }
0x3df: {  	[sflag:s17] =	ssyncset.done $0x0  }
0x3e0: {  	[sflag:s17] =	ssyncadd.s32 $0xFFFFDC00  }
0x3e1: {  	[hbm4b:s22+s3] =	stream.linear.scatter [tilespmem:s13], [sflag:$0x5], $0x6400, $0x38;
	[tilespmem:$0x1B980] =	vst v63  }
0x3e2: {  	_ =	swait.ge [sflag:s18], $0x6400  }
0x3e3: {  	[sflag:s18] =	ssyncset.done $0x0  }
0x3e4: {  	[sflag:s18] =	ssyncadd.s32 $0xFFFF9C00  }
0x3e5: {  	[tilespmem:s10], [sflag:$0x1] =	stream.indirect.gather [hbm4b:s2+s9], $0x80, s28, s9, $0xb8;
	[tilespmem:$0x1B980] =	vst v63  }
0x3e6: {  	_ = 	snop  }
0x3e7: {  	[tilespmem:s12], [sflag:$0x1] =	stream.indirect.gather [hbm4b:s2+s11], $0x80, s29, s11, $0xb8;
	[tilespmem:$0x1B980] =	vst v63  }
0x3e8: {  	_ =	swait.ge [sflag:s19], $0x4000  }
0x3e9: {  	[sflag:s19] =	ssyncset.done $0x0  }
0x3ea: {  	[sflag:s19] =	ssyncadd.s32 $0xFFFFC000  }
0x3eb: {  	_ =	swait.ge [sflag:s19], $0x2400  }
0x3ec: {  	s23 =	sld [smem:$0x7FB]  }
0x3ed: {  	[sflag:s19] =	ssyncset.done $0x0  }
0x3ee: {  	[sflag:s19] =	ssyncadd.s32 $0xFFFFDC00  }
0x3ef: {  	[hbm4b:s23+s3] =	stream.linear.scatter [tilespmem:s15], [sflag:$0x6], $0x6400, $0x38;
	[tilespmem:$0x1B980] =	vst v63  }
0x3f0: {  	_ =	swait.ge [sflag:s20], $0x6400  }
0x3f1: {  	[sflag:s20] =	ssyncset.done $0x0  }
0x3f2: {  	[sflag:s20] =	ssyncadd.s32 $0xFFFF9C00  }
0x3f3: {  	[tilespmem:s13], [sflag:$0x2] =	stream.indirect.gather [hbm4b:s2+s9], $0x80, s30, s9, $0xb8;
	[tilespmem:$0x1B980] =	vst v63  }
0x3f4: {  	_ = 	snop  }
0x3f5: {  	[tilespmem:s14], [sflag:$0x2] =	stream.indirect.gather [hbm4b:s2+s11], $0x80, s31, s11, $0xb8;
	[tilespmem:$0x1B980] =	vst v63  }
0x3f6: {  	_ =	swait.ge [sflag:s8], $0x4000  }
0x3f7: {  	[sflag:s8] =	ssyncset.done $0x0  }
0x3f8: {  	[sflag:s8] =	ssyncadd.s32 $0xFFFFC000  }
0x3f9: {  	_ =	swait.ge [sflag:s8], $0x2400  }
0x3fa: {  	s22 =	sld [smem:$0x7FC]  }
0x3fb: {  	[sflag:s8] =	ssyncset.done $0x0  }
0x3fc: {  	[sflag:s8] =	ssyncadd.s32 $0xFFFFDC00  }
0x3fd: {  	[hbm4b:s22+s3] =	stream.linear.scatter [tilespmem:s10], [sflag:$0x4], $0x6400, $0x38;
	[tilespmem:$0x1B980] =	vst v63  }
0x3fe: {  	_ =	swait.ge [sflag:s17], $0x4000  }
0x3ff: {  	[sflag:s17] =	ssyncset.done $0x0  }
0x400: {  	[sflag:s17] =	ssyncadd.s32 $0xFFFFC000  }
0x401: {  	_ =	swait.ge [sflag:s17], $0x2400  }
0x402: {  	s23 =	sld [smem:$0x7FD]  }
0x403: {  	[sflag:s17] =	ssyncset.done $0x0  }
0x404: {  	[sflag:s17] =	ssyncadd.s32 $0xFFFFDC00  }
0x405: {  	[hbm4b:s23+s3] =	stream.linear.scatter [tilespmem:s13], [sflag:$0x5], $0x6400, $0x38;
	[tilespmem:$0x1B980] =	vst v63  }
0x406: {  	p0 =	sne.s32 s0, $0x1;
	_ =	swait.ge [sflag:s21], $0x6400  }
.Ltmp1:
0x407: {  	[sflag:s21] =	ssyncset.done $0x0;
	(pc) =	sbr.rel @p0 .LBB2_1-.Ltmp1, $4  }
0x408: {  	[sflag:s21] =	ssyncadd.s32 $0xFFFF9C00  }
0x409: {  	_ =	swait.ge [sflag:s18], $0x6400  }
0x40a: {  	[sflag:s18] =	ssyncset.done $0x0  }
0x40b: {  	s0 =	sadd.s32 $0xFFFFFFFF, s0;
	[sflag:s18] =	ssyncadd.s32 $0xFFFF9C00  }
.LBB2_2:
0x40c: {  	_ =	swait.ge [sflag:s20], $0x6400  }
0x40d: {  	[sflag:s20] =	ssyncset.done $0x0  }
0x40e: {  	[sflag:s20] =	ssyncadd.s32 $0xFFFF9C00  }
0x40f: {  	_ =	sfence.sel $0x180000  }
0x410: {  	[bflag:$0x0] =	sbarrier.arrive $0xFFFF  }
0x411: {  	_ =	strace $0x90000047  }
0x412: {  	s0 =	stileid.u32;
	[bflag:$0x2] =	sbarrier.arrive $0xFFFF  }
0x413: {  	p0 =	sne.s32 s0, $0x0;
	s0 =	rddreg [dreg:$0x4]  }
0x414: {  	s0 =	sadd.s32 @!p0 $0x100000, s0  }
0x415: {  	[sflag:s0] =	ssyncadd.tile.s32 @!p0 $0x1;
	_ =	shalt  }
.Lfunc_end2:
_tile_overlayer_lowered:
.L_overlay_start_2:
0x416: {  	(tag) =	ssettag $0x2  }
0x417: {  	s0 =	rddreg [dreg:$0x0];
	s2 =	stileid.u32  }
0x418: {  	s1 =	rddreg [dreg:$0x1];
	p0 =	sne.s32 s2, $0x0  }
0x419: {  	s3 =	rddreg [dreg:$0x2];
	[bflag:$0x3] =	sbarrier.arrive $0xFFFF;
	s2 =	simm.s32 @!p0 $0x1C07  }
0x41a: {  	[timem:s3], [sflag:s2] =	dma.local @!p0 [hbm:s0], s1  }
0x41b: {  	s0 =	simm.s32 @!p0 $0x7  }
0x41c: {  	_ =	swait.ge @!p0 [sflag:s0], s1  }
0x41d: {  	s1 =	ssub.s32 @!p0 $0x0, s1;
	[sflag:s0] =	ssyncset.done @!p0 $0x0  }
0x41e: {  	[sflag:s0] =	ssyncadd.s32 @!p0 s1  }
0x41f: {  	[bflag:$0x3] =	sbarrier.arrive $0xFFFF  }
0x420: {  	_ =	shalt  }

</sc_bundles>
